<compile_context>
chip_gen: v7x
topology: tpu7x:2x2x1
jax: 0.10.2.dev20260603
libtpu: 0.0.44.dev20260713+nightly
codegen_flags: <defaults>
</compile_context>

<pallas_src>
import functools

import jax
import jax.numpy as jnp
from jax import lax
from jax.experimental import pallas as pl
from jax.experimental.pallas import tpu as pltpu
from jax.experimental.pallas import tpu_sc as plsc

N = 10000
E = 320000
D = 128
G = 128

NC = 2
NS = 16
NPAD = 10240
RPT = NPAD // NS
EPT = 10240
CH = 128
NCH = EPT // CH
E_PAD = NC * NS * EPT

NB = 2048
NBLK = NPAD // NB

_mesh = plsc.VectorSubcoreMesh(
    core_axis_name="c", subcore_axis_name="s", num_cores=NC, num_subcores=NS)


NW = NC * NS
NROW = NPAD // D


def _make_sc_degree():
    @functools.partial(
        pl.kernel,
        out_type=jax.ShapeDtypeStruct((NW, NROW, D), jnp.float32),
        mesh=_mesh,
        compiler_params=pltpu.CompilerParams(needs_layout_passes=False),
        scratch_types=[
            pltpu.VMEM((NCH, CH), jnp.int32),
            pltpu.VMEM((NROW, D), jnp.float32),
        ],
    )
    def deg_kernel(dst_hbm, out_hbm, idx_v, acc):
        cid = lax.axis_index("c")
        sid = lax.axis_index("s")
        wid = cid * NS + sid
        pltpu.sync_copy(dst_hbm.at[cid, sid], idx_v)

        zero = jnp.zeros((16,), jnp.float32)

        def zrow(q, carry):
            for k in range(8):
                acc[q, pl.ds(k * 16, 16)] = zero
            return carry

        lax.fori_loop(0, NROW, zrow, 0)

        def hist(r, carry):
            for k in range(8):
                v = idx_v[r, pl.ds(k * 16, 16)]
                cnt, last = plsc.scan_count(v)
                plsc.addupdate_scatter(
                    acc,
                    [v >> 7, v & 127],
                    cnt.astype(jnp.float32),
                    mask=last,
                )
            return carry

        lax.fori_loop(0, NCH, hist, 0)
        pltpu.sync_copy(acc, out_hbm.at[wid])

    return deg_kernel


_sc_degree = _make_sc_degree()


def _make_sc_scatter():
    @functools.partial(
        pl.kernel,
        out_type=jax.ShapeDtypeStruct((NC, NPAD, D), jnp.float32),
        mesh=_mesh,
        scratch_types=[
            pltpu.VMEM((NCH // 2, CH), jnp.int32),
            pltpu.VMEM((NCH // 2, CH), jnp.int32),
            pltpu.VMEM((2, CH, D), jnp.float32),
            pltpu.VMEM_SHARED((NPAD, D), jnp.float32),
            pltpu.SemaphoreType.DMA,
            pltpu.SemaphoreType.DMA,
        ],
    )
    def scatter_kernel(hp_hbm, src_hbm, dst_hbm, out_hbm,
                       src_v, dst_v, rows_v, acc_sh, sem0, sem1):
        cid = lax.axis_index("c")
        sid = lax.axis_index("s")
        row0 = sid * RPT

        @pl.when(cid == 0)
        def _():
            pltpu.sync_copy(hp_hbm.at[pl.ds(row0, RPT)],
                            acc_sh.at[pl.ds(row0, RPT)])

        @pl.when(cid != 0)
        def _():
            def zrow(r, carry):
                for k in range(8):
                    rows_v[0, r, pl.ds(k * 16, 16)] = jnp.zeros((16,),
                                                                jnp.float32)
                return carry
            lax.fori_loop(0, CH, zrow, 0)
            for b in range(RPT // CH):
                pltpu.sync_copy(rows_v.at[0],
                                acc_sh.at[pl.ds(row0 + b * CH, CH)])

        plsc.subcore_barrier()

        def gather(c, buf, sem):
            return pltpu.make_async_copy(hp_hbm.at[src_v.at[c]],
                                         rows_v.at[buf], sem)

        nh = NCH // 2
        for h in range(2):
            pltpu.sync_copy(src_hbm.at[cid, sid, pl.ds(h * nh, nh)], src_v)
            pltpu.sync_copy(dst_hbm.at[cid, sid, pl.ds(h * nh, nh)], dst_v)
            gather(0, 0, sem0).start()

            def pair(p, carry):
                c0 = 2 * p
                c1 = c0 + 1
                gather(c0, 0, sem0).wait()
                gather(c1, 1, sem1).start()
                pltpu.sync_copy(rows_v.at[0], acc_sh.at[dst_v.at[c0]],
                                add=True)
                gather(c1, 1, sem1).wait()

                @pl.when(c1 + 1 < nh)
                def _():
                    gather(c1 + 1, 0, sem0).start()

                pltpu.sync_copy(rows_v.at[1], acc_sh.at[dst_v.at[c1]],
                                add=True)
                return carry

            lax.fori_loop(0, nh // 2, pair, 0)
        plsc.subcore_barrier()
        pltpu.sync_copy(acc_sh.at[pl.ds(row0, RPT)],
                        out_hbm.at[cid, pl.ds(row0, RPT)])

    return scatter_kernel


_sc_scatter = _make_sc_scatter()


def _dinv_from_tab(tab_blk):
    nq = NB // D
    t = jnp.sum(tab_blk, axis=0)
    n_idx = lax.broadcasted_iota(jnp.int32, (NB, nq), 0)
    q_idx = lax.broadcasted_iota(jnp.int32, (NB, nq), 1)
    a = (n_idx // D == q_idx).astype(jnp.float32)
    r = jnp.dot(a, t, preferred_element_type=jnp.float32)
    l_idx = lax.broadcasted_iota(jnp.int32, (NB, D), 1)
    m_idx = lax.broadcasted_iota(jnp.int32, (NB, D), 0)
    m = (l_idx == m_idx % D).astype(jnp.float32)
    deg = jnp.sum(r * m, axis=1, keepdims=True) + 1.0
    return lax.rsqrt(deg)


def _tc_pre_body(x_ref, w_ref, tab_ref, out_ref):
    h = jnp.dot(x_ref[...], w_ref[...], preferred_element_type=jnp.float32)
    out_ref[...] = h * _dinv_from_tab(tab_ref[...])


def _tc_pre(x_pad, W1, tab):
    return pl.pallas_call(
        _tc_pre_body,
        grid=(NBLK,),
        in_specs=[
            pl.BlockSpec((NB, D), lambda i: (i, 0)),
            pl.BlockSpec((D, D), lambda i: (0, 0)),
            pl.BlockSpec((NW, NB // D, D), lambda i: (0, i, 0)),
        ],
        out_specs=pl.BlockSpec((NB, D), lambda i: (i, 0)),
        out_shape=jax.ShapeDtypeStruct((NPAD, D), jnp.float32),
    )(x_pad, W1, tab)


def _tc_mid_body(s_ref, tab_ref, b_ref, w_ref, out_ref):
    dinv = _dinv_from_tab(tab_ref[...])
    s = s_ref[0] + s_ref[1]
    z = jnp.maximum(s * dinv + b_ref[...], 0.0)
    h = jnp.dot(z, w_ref[...], preferred_element_type=jnp.float32)
    out_ref[...] = h * dinv


def _tc_mid(s1, tab, b1, W2):
    return pl.pallas_call(
        _tc_mid_body,
        grid=(NBLK,),
        in_specs=[
            pl.BlockSpec((NC, NB, D), lambda i: (0, i, 0)),
            pl.BlockSpec((NW, NB // D, D), lambda i: (0, i, 0)),
            pl.BlockSpec((1, D), lambda i: (0, 0)),
            pl.BlockSpec((D, D), lambda i: (0, 0)),
        ],
        out_specs=pl.BlockSpec((NB, D), lambda i: (i, 0)),
        out_shape=jax.ShapeDtypeStruct((NPAD, D), jnp.float32),
    )(s1, tab, b1, W2)


def _tc_pool_body(s_ref, tab_ref, b_ref, batch_ref, out_ref, sums, cnts):
    i = pl.program_id(0)

    @pl.when(i == 0)
    def _():
        sums[...] = jnp.zeros_like(sums)
        cnts[...] = jnp.zeros_like(cnts)

    dinv = _dinv_from_tab(tab_ref[...])
    emb = (s_ref[0] + s_ref[1]) * dinv + b_ref[...]
    ids = batch_ref[0, 0, :]
    gids = lax.broadcasted_iota(jnp.int32, (NB, G), 1)
    p = (ids[:, None] == gids).astype(jnp.float32)
    sums[...] += lax.dot_general(p, emb, (((0,), (0,)), ((), ())),
                                 preferred_element_type=jnp.float32)
    cnts[...] += lax.dot_general(p, jnp.ones_like(emb),
                                 (((0,), (0,)), ((), ())),
                                 preferred_element_type=jnp.float32)

    @pl.when(i == NBLK - 1)
    def _():
        out_ref[...] = sums[...] / jnp.maximum(cnts[...], 1.0)


def _tc_pool(s2, tab, b2, batch3):
    return pl.pallas_call(
        _tc_pool_body,
        grid=(NBLK,),
        in_specs=[
            pl.BlockSpec((NC, NB, D), lambda i: (0, i, 0)),
            pl.BlockSpec((NW, NB // D, D), lambda i: (0, i, 0)),
            pl.BlockSpec((1, D), lambda i: (0, 0)),
            pl.BlockSpec((1, 1, NB), lambda i: (i, 0, 0)),
        ],
        out_specs=pl.BlockSpec((G, D), lambda i: (0, 0)),
        out_shape=jax.ShapeDtypeStruct((G, D), jnp.float32),
        scratch_shapes=[
            pltpu.VMEM((G, D), jnp.float32),
            pltpu.VMEM((G, D), jnp.float32),
        ],
    )(s2, tab, b2, batch3)


def kernel(x, edge_index, batch, W1, b1, W2, b2):
    src = edge_index[0]
    dst = edge_index[1]
    epad = E_PAD - E
    pad_ids = jnp.arange(epad, dtype=jnp.int32)
    src_p = jnp.concatenate(
        [src, pad_ids % N]).reshape(NC, NS, NCH, CH)
    dst_p = jnp.concatenate(
        [dst, N + pad_ids % (NPAD - N)]).reshape(NC, NS, NCH, CH)
    x_pad = jnp.concatenate(
        [x, jnp.zeros((NPAD - N, D), jnp.float32)], axis=0)
    batch_p = jnp.concatenate(
        [batch, jnp.full((NPAD - N,), G, jnp.int32)]).reshape(NBLK, 1, NB)

    tab = _sc_degree(dst_p)
    h1p = _tc_pre(x_pad, W1, tab)
    s1 = _sc_scatter(h1p, src_p, dst_p)
    h2p = _tc_mid(s1, tab, b1.reshape(1, D), W2)
    s2 = _sc_scatter(h2p, src_p, dst_p)
    return _tc_pool(s2, tab, b2.reshape(1, D), batch_p)

# --- scband reference (transcript-rebuilt; emitter-appended) ---
"""Pipeline reference for scband-base-gnn-75634374083339 (READ-ONLY COPY).

The authoritative reference and input builder live on the scoring server;
editing this copy changes nothing except your own understanding.
"""

import jax, jax.numpy as jnp
import numpy as np

N = 10000
E = 320000
D_IN = 128
D_HID = 128
NUM_GRAPHS = 128


def setup_inputs(seed: int = 0) -> dict:
    key = jax.random.key(seed)
    k1, k2, k3, k4, k5 = jax.random.split(key, 5)
    x = jax.random.normal(k1, (N, D_IN), dtype=jnp.float32)
    edge_index = jax.random.randint(k2, (2, E), 0, N, dtype=jnp.int32)
    batch = jnp.sort(jax.random.randint(k5, (N,), 0, NUM_GRAPHS, dtype=jnp.int32))
    # learned parameters for the two GCNConv layers (glorot-ish init, zero bias like PyG)
    W1 = jax.random.normal(k3, (D_IN, D_HID), dtype=jnp.float32) * (1.0 / np.sqrt(D_IN))
    b1 = jnp.zeros((D_HID,), dtype=jnp.float32)
    W2 = jax.random.normal(k4, (D_HID, D_HID), dtype=jnp.float32) * (1.0 / np.sqrt(D_HID))
    b2 = jnp.zeros((D_HID,), dtype=jnp.float32)
    return {"x": x, "edge_index": edge_index, "batch": batch, "W1": W1, "b1": b1, "W2": W2, "b2": b2}


def _gcn_conv(x, edge_index, W, b):
    # PyG GCNConv: add self-loops, symmetric normalization, then aggregate (x W) over edges
    n = x.shape[0]
    src = edge_index[0]
    dst = edge_index[1]
    loop = jnp.arange(n, dtype=src.dtype)
    src = jnp.concatenate([src, loop])
    dst = jnp.concatenate([dst, loop])
    deg = jax.ops.segment_sum(jnp.ones_like(src, dtype=jnp.float32), dst, num_segments=n)
    dinv = jnp.where(deg > 0, 1.0 / jnp.sqrt(deg), 0.0)
    norm = dinv[src] * dinv[dst]
    h = x @ W
    msg = h[src] * norm[:, None]
    out = jax.ops.segment_sum(msg, dst, num_segments=n)
    return out + b


def reference(x, edge_index, batch, W1, b1, W2, b2):
    # BaseGNN.forward (eval mode: dropout is identity; bns are constructed but never applied)
    h = _gcn_conv(x, edge_index, W1, b1)
    h = jax.nn.relu(h)
    node_emb = _gcn_conv(h, edge_index, W2, b2)
    # global_mean_pool over batch ids
    sums = jax.ops.segment_sum(node_emb, batch, num_segments=NUM_GRAPHS)
    counts = jax.ops.segment_sum(jnp.ones((node_emb.shape[0],), jnp.float32), batch, num_segments=NUM_GRAPHS)
    graph_emb = sums / jnp.maximum(counts, 1.0)[:, None]
    return graph_emb

if __name__ == "__main__":
    import jax
    _d = setup_inputs()
    print(jax.jit(kernel)(*tuple(_d.values())))

</pallas_src>

<mosaic_0001>
#map = affine_map<(d0, d1) -> (0, 0)>
#map1 = affine_map<(d0, d1) -> (0, 0, 0, 0)>
#map2 = affine_map<(d0, d1) -> (0, 0, 0)>
module attributes {stable_mosaic.version = 14 : i64} {
  func.func @scatter_kernel(%arg0: i32, %arg1: i32, %arg2: memref<10240x128xf32, #tpu.memory_space<hbm>>, %arg3: memref<2x16x80x128xi32, #tpu.memory_space<hbm>>, %arg4: memref<2x16x80x128xi32, #tpu.memory_space<hbm>>, %arg5: memref<2x10240x128xf32, #tpu.memory_space<hbm>>, %arg6: memref<40x128xi32, #tpu.memory_space<vmem>>, %arg7: memref<40x128xi32, #tpu.memory_space<vmem>>, %arg8: memref<2x128x128xf32, #tpu.memory_space<vmem>>, %arg9: memref<10240x128xf32, #tpu.memory_space<vmem_shared>>, %arg10: memref<!tpu.dma_semaphore, #tpu.memory_space<semaphore_mem>>, %arg11: memref<!tpu.dma_semaphore, #tpu.memory_space<semaphore_mem>>) attributes {dimension_semantics = [#tpu.dimension_semantics<core_parallel>, #tpu.dimension_semantics<subcore_parallel>], iteration_bounds = array<i64: 2, 16>, scalar_prefetch = 0 : i64, scratch_operands = 6 : i64, tpu.core_type = #tpu.core_type<sc_vector_subcore>, window_params = [{transform_indices = #map}, {transform_indices = #map1}, {transform_indices = #map1}, {transform_indices = #map2}]} {
    %mul3A = arith.constant 640 : i32
    %mul3A_0 = arith.muli %arg1, %mul3A : i32
    %eq3A = arith.constant 0 : i32
    %eq3A_1 = arith.cmpi eq, %arg0, %eq3A : i32
    %convert_element_type3A = arith.extui %eq3A_1 : i1 to i32
    %cond3A = arith.constant 0 : i32
    %cond3A_2 = arith.cmpi ne, %convert_element_type3A, %cond3A : i32
    scf.if %cond3A_2 {
      "tpu.region"() ({
        %run_scoped3A = tpu.sem_alloc : memref<!tpu.dma_semaphore, #tpu.memory_space<semaphore_mem>>
        %dma_start3A_42 = arith.constant 0 : i32
        %dma_start3A_43 = tpu.memref_slice %arg9[%mul3A_0, %dma_start3A_42] : memref<10240x128xf32, #tpu.memory_space<vmem_shared>> -> memref<640x128xf32, #tpu.memory_space<vmem_shared>>
        %dma_start3A_44 = arith.constant 0 : i32
        %dma_start3A_45 = tpu.memref_slice %arg2[%mul3A_0, %dma_start3A_44] : memref<10240x128xf32, #tpu.memory_space<hbm>> -> memref<640x128xf32, #tpu.memory_space<hbm>>
        tpu.enqueue_dma source(%dma_start3A_45 : memref<640x128xf32, #tpu.memory_space<hbm>>) target(%dma_start3A_43 : memref<640x128xf32, #tpu.memory_space<vmem_shared>>) target_semaphore(%run_scoped3A : memref<!tpu.dma_semaphore, #tpu.memory_space<semaphore_mem>>)
        %dma_wait3A = arith.constant 0 : i32
        %dma_wait3A_46 = tpu.memref_slice %arg9[%mul3A_0, %dma_wait3A] : memref<10240x128xf32, #tpu.memory_space<vmem_shared>> -> memref<640x128xf32, #tpu.memory_space<vmem_shared>>
        %dma_wait3A_47 = arith.constant 0 : i32
        %dma_wait3A_48 = tpu.memref_slice %arg2[%mul3A_0, %dma_wait3A_47] : memref<10240x128xf32, #tpu.memory_space<hbm>> -> memref<640x128xf32, #tpu.memory_space<hbm>>
        tpu.wait_dma2 semaphore(%run_scoped3A : memref<!tpu.dma_semaphore, #tpu.memory_space<semaphore_mem>>) src(%dma_wait3A_48 : memref<640x128xf32, #tpu.memory_space<hbm>>) dst(%dma_wait3A_46 : memref<640x128xf32, #tpu.memory_space<vmem_shared>>)
        tpu.yield
      }) : () -> ()
    } else {
    }
    %ne3A = arith.constant 0 : i32
    %ne3A_3 = arith.cmpi ne, %arg0, %ne3A : i32
    %convert_element_type3A_4 = arith.extui %ne3A_3 : i1 to i32
    %cond3A_5 = arith.constant 0 : i32
    %cond3A_6 = arith.cmpi ne, %convert_element_type3A_4, %cond3A_5 : i32
    scf.if %cond3A_6 {
      %scan3A_42 = arith.constant 0 : i32
      %scan3A_43 = arith.constant 0 : i32
      %scan3A_44 = arith.constant 128 : i32
      %scan3A_45 = arith.addi %scan3A_43, %scan3A_44 : i32
      %scan3A_46 = arith.constant 1 : i32
      scf.for %scan3A_61 = %scan3A_43 to %scan3A_45 step %scan3A_46  : i32 {
        %broadcast_in_dim3A = arith.constant 0.000000e+00 : f32
        %broadcast_in_dim3A_62 = vector.broadcast %broadcast_in_dim3A : f32 to vector<16xf32>
        %swap3A = arith.constant 0 : i32
        %swap3A_63 = arith.index_cast %swap3A : i32 to index
        %swap3A_64 = arith.index_cast %scan3A_61 : i32 to index
        %swap3A_65 = arith.constant 0 : index
        %swap3A_66 = tpu.vector_load %arg8[%swap3A_63, %swap3A_64, %swap3A_65] {strides = array<i32>} : memref<2x128x128xf32, #tpu.memory_space<vmem>>, vector<1x1x16xf32>,
        %swap3A_67 = vector.shape_cast %swap3A_66 : vector<1x1x16xf32> to vector<16xf32>
        %swap3A_68 = vector.shape_cast %broadcast_in_dim3A_62 : vector<16xf32> to vector<1x1x16xf32>
        tpu.vector_store %arg8[%swap3A_63, %swap3A_64, %swap3A_65], %swap3A_68 {strides = array<i32>} : memref<2x128x128xf32, #tpu.memory_space<vmem>>, vector<1x1x16xf32>,
        %broadcast_in_dim3A_69 = arith.constant 0.000000e+00 : f32
        %broadcast_in_dim3A_70 = vector.broadcast %broadcast_in_dim3A_69 : f32 to vector<16xf32>
        %swap3A_71 = arith.constant 0 : i32
        %swap3A_72 = arith.index_cast %swap3A_71 : i32 to index
        %swap3A_73 = arith.index_cast %scan3A_61 : i32 to index
        %swap3A_74 = arith.constant 16 : index
        %swap3A_75 = tpu.vector_load %arg8[%swap3A_72, %swap3A_73, %swap3A_74] {strides = array<i32>} : memref<2x128x128xf32, #tpu.memory_space<vmem>>, vector<1x1x16xf32>,
        %swap3A_76 = vector.shape_cast %swap3A_75 : vector<1x1x16xf32> to vector<16xf32>
        %swap3A_77 = vector.shape_cast %broadcast_in_dim3A_70 : vector<16xf32> to vector<1x1x16xf32>
        tpu.vector_store %arg8[%swap3A_72, %swap3A_73, %swap3A_74], %swap3A_77 {strides = array<i32>} : memref<2x128x128xf32, #tpu.memory_space<vmem>>, vector<1x1x16xf32>,
        %broadcast_in_dim3A_78 = arith.constant 0.000000e+00 : f32
        %broadcast_in_dim3A_79 = vector.broadcast %broadcast_in_dim3A_78 : f32 to vector<16xf32>
        %swap3A_80 = arith.constant 0 : i32
        %swap3A_81 = arith.index_cast %swap3A_80 : i32 to index
        %swap3A_82 = arith.index_cast %scan3A_61 : i32 to index
        %swap3A_83 = arith.constant 32 : index
        %swap3A_84 = tpu.vector_load %arg8[%swap3A_81, %swap3A_82, %swap3A_83] {strides = array<i32>} : memref<2x128x128xf32, #tpu.memory_space<vmem>>, vector<1x1x16xf32>,
        %swap3A_85 = vector.shape_cast %swap3A_84 : vector<1x1x16xf32> to vector<16xf32>
        %swap3A_86 = vector.shape_cast %broadcast_in_dim3A_79 : vector<16xf32> to vector<1x1x16xf32>
        tpu.vector_store %arg8[%swap3A_81, %swap3A_82, %swap3A_83], %swap3A_86 {strides = array<i32>} : memref<2x128x128xf32, #tpu.memory_space<vmem>>, vector<1x1x16xf32>,
        %broadcast_in_dim3A_87 = arith.constant 0.000000e+00 : f32
        %broadcast_in_dim3A_88 = vector.broadcast %broadcast_in_dim3A_87 : f32 to vector<16xf32>
        %swap3A_89 = arith.constant 0 : i32
        %swap3A_90 = arith.index_cast %swap3A_89 : i32 to index
        %swap3A_91 = arith.index_cast %scan3A_61 : i32 to index
        %swap3A_92 = arith.constant 48 : index
        %swap3A_93 = tpu.vector_load %arg8[%swap3A_90, %swap3A_91, %swap3A_92] {strides = array<i32>} : memref<2x128x128xf32, #tpu.memory_space<vmem>>, vector<1x1x16xf32>,
        %swap3A_94 = vector.shape_cast %swap3A_93 : vector<1x1x16xf32> to vector<16xf32>
        %swap3A_95 = vector.shape_cast %broadcast_in_dim3A_88 : vector<16xf32> to vector<1x1x16xf32>
        tpu.vector_store %arg8[%swap3A_90, %swap3A_91, %swap3A_92], %swap3A_95 {strides = array<i32>} : memref<2x128x128xf32, #tpu.memory_space<vmem>>, vector<1x1x16xf32>,
        %broadcast_in_dim3A_96 = arith.constant 0.000000e+00 : f32
        %broadcast_in_dim3A_97 = vector.broadcast %broadcast_in_dim3A_96 : f32 to vector<16xf32>
        %swap3A_98 = arith.constant 0 : i32
        %swap3A_99 = arith.index_cast %swap3A_98 : i32 to index
        %swap3A_100 = arith.index_cast %scan3A_61 : i32 to index
        %swap3A_101 = arith.constant 64 : index
        %swap3A_102 = tpu.vector_load %arg8[%swap3A_99, %swap3A_100, %swap3A_101] {strides = array<i32>} : memref<2x128x128xf32, #tpu.memory_space<vmem>>, vector<1x1x16xf32>,
        %swap3A_103 = vector.shape_cast %swap3A_102 : vector<1x1x16xf32> to vector<16xf32>
        %swap3A_104 = vector.shape_cast %broadcast_in_dim3A_97 : vector<16xf32> to vector<1x1x16xf32>
        tpu.vector_store %arg8[%swap3A_99, %swap3A_100, %swap3A_101], %swap3A_104 {strides = array<i32>} : memref<2x128x128xf32, #tpu.memory_space<vmem>>, vector<1x1x16xf32>,
        %broadcast_in_dim3A_105 = arith.constant 0.000000e+00 : f32
        %broadcast_in_dim3A_106 = vector.broadcast %broadcast_in_dim3A_105 : f32 to vector<16xf32>
        %swap3A_107 = arith.constant 0 : i32
        %swap3A_108 = arith.index_cast %swap3A_107 : i32 to index
        %swap3A_109 = arith.index_cast %scan3A_61 : i32 to index
        %swap3A_110 = arith.constant 80 : index
        %swap3A_111 = tpu.vector_load %arg8[%swap3A_108, %swap3A_109, %swap3A_110] {strides = array<i32>} : memref<2x128x128xf32, #tpu.memory_space<vmem>>, vector<1x1x16xf32>,
        %swap3A_112 = vector.shape_cast %swap3A_111 : vector<1x1x16xf32> to vector<16xf32>
        %swap3A_113 = vector.shape_cast %broadcast_in_dim3A_106 : vector<16xf32> to vector<1x1x16xf32>
        tpu.vector_store %arg8[%swap3A_108, %swap3A_109, %swap3A_110], %swap3A_113 {strides = array<i32>} : memref<2x128x128xf32, #tpu.memory_space<vmem>>, vector<1x1x16xf32>,
        %broadcast_in_dim3A_114 = arith.constant 0.000000e+00 : f32
        %broadcast_in_dim3A_115 = vector.broadcast %broadcast_in_dim3A_114 : f32 to vector<16xf32>
        %swap3A_116 = arith.constant 0 : i32
        %swap3A_117 = arith.index_cast %swap3A_116 : i32 to index
        %swap3A_118 = arith.index_cast %scan3A_61 : i32 to index
        %swap3A_119 = arith.constant 96 : index
        %swap3A_120 = tpu.vector_load %arg8[%swap3A_117, %swap3A_118, %swap3A_119] {strides = array<i32>} : memref<2x128x128xf32, #tpu.memory_space<vmem>>, vector<1x1x16xf32>,
        %swap3A_121 = vector.shape_cast %swap3A_120 : vector<1x1x16xf32> to vector<16xf32>
        %swap3A_122 = vector.shape_cast %broadcast_in_dim3A_115 : vector<16xf32> to vector<1x1x16xf32>
        tpu.vector_store %arg8[%swap3A_117, %swap3A_118, %swap3A_119], %swap3A_122 {strides = array<i32>} : memref<2x128x128xf32, #tpu.memory_space<vmem>>, vector<1x1x16xf32>,
        %broadcast_in_dim3A_123 = arith.constant 0.000000e+00 : f32
        %broadcast_in_dim3A_124 = vector.broadcast %broadcast_in_dim3A_123 : f32 to vector<16xf32>
        %swap3A_125 = arith.constant 0 : i32
        %swap3A_126 = arith.index_cast %swap3A_125 : i32 to index
        %swap3A_127 = arith.index_cast %scan3A_61 : i32 to index
        %swap3A_128 = arith.constant 112 : index
        %swap3A_129 = tpu.vector_load %arg8[%swap3A_126, %swap3A_127, %swap3A_128] {strides = array<i32>} : memref<2x128x128xf32, #tpu.memory_space<vmem>>, vector<1x1x16xf32>,
        %swap3A_130 = vector.shape_cast %swap3A_129 : vector<1x1x16xf32> to vector<16xf32>
        %swap3A_131 = vector.shape_cast %broadcast_in_dim3A_124 : vector<16xf32> to vector<1x1x16xf32>
        tpu.vector_store %arg8[%swap3A_126, %swap3A_127, %swap3A_128], %swap3A_131 {strides = array<i32>} : memref<2x128x128xf32, #tpu.memory_space<vmem>>, vector<1x1x16xf32>,
      }
      %scan3A_47 = arith.constant 128 : i32
      %add3A = arith.constant 0 : i32
      %add3A_48 = arith.addi %mul3A_0, %add3A : i32
      %run_scoped3A = arith.constant 0 : i32
      "tpu.region"() ({
        %run_scoped3A_61 = tpu.sem_alloc : memref<!tpu.dma_semaphore, #tpu.memory_space<semaphore_mem>>
        %dma_start3A_62 = arith.constant 0 : i32
        %dma_start3A_63 = arith.constant 0 : i32
        %dma_start3A_64 = tpu.memref_slice %arg8[%run_scoped3A, %dma_start3A_62, %dma_start3A_63] : memref<2x128x128xf32, #tpu.memory_space<vmem>> -> memref<1x128x128xf32, #tpu.memory_space<vmem>>
        %dma_start3A_65 = tpu.memref_squeeze %dma_start3A_64 : memref<1x128x128xf32, #tpu.memory_space<vmem>> -> memref<128x128xf32, #tpu.memory_space<vmem>>
        %dma_start3A_66 = arith.constant 0 : i32
        %dma_start3A_67 = tpu.memref_slice %arg9[%add3A_48, %dma_start3A_66] : memref<10240x128xf32, #tpu.memory_space<vmem_shared>> -> memref<128x128xf32, #tpu.memory_space<vmem_shared>>
        %dma_start3A_68 = arith.constant 0 : i32
        %dma_start3A_69 = tpu.memref_slice %arg9[%add3A_48, %dma_start3A_68] : memref<10240x128xf32, #tpu.memory_space<vmem_shared>> -> memref<128x128xf32, #tpu.memory_space<vmem_shared>>
        %dma_start3A_70 = arith.constant 0 : i32
        %dma_start3A_71 = arith.constant 0 : i32
        %dma_start3A_72 = tpu.memref_slice %arg8[%run_scoped3A, %dma_start3A_70, %dma_start3A_71] : memref<2x128x128xf32, #tpu.memory_space<vmem>> -> memref<1x128x128xf32, #tpu.memory_space<vmem>>
        %dma_start3A_73 = tpu.memref_squeeze %dma_start3A_72 : memref<1x128x128xf32, #tpu.memory_space<vmem>> -> memref<128x128xf32, #tpu.memory_space<vmem>>
        tpu.enqueue_dma source(%dma_start3A_73 : memref<128x128xf32, #tpu.memory_space<vmem>>) target(%dma_start3A_69 : memref<128x128xf32, #tpu.memory_space<vmem_shared>>) target_semaphore(%run_scoped3A_61 : memref<!tpu.dma_semaphore, #tpu.memory_space<semaphore_mem>>)
        %dma_wait3A = arith.constant 0 : i32
        %dma_wait3A_74 = arith.constant 0 : i32
        %dma_wait3A_75 = tpu.memref_slice %arg8[%run_scoped3A, %dma_wait3A, %dma_wait3A_74] : memref<2x128x128xf32, #tpu.memory_space<vmem>> -> memref<1x128x128xf32, #tpu.memory_space<vmem>>
        %dma_wait3A_76 = tpu.memref_squeeze %dma_wait3A_75 : memref<1x128x128xf32, #tpu.memory_space<vmem>> -> memref<128x128xf32, #tpu.memory_space<vmem>>
        %dma_wait3A_77 = arith.constant 0 : i32
        %dma_wait3A_78 = tpu.memref_slice %arg9[%add3A_48, %dma_wait3A_77] : memref<10240x128xf32, #tpu.memory_space<vmem_shared>> -> memref<128x128xf32, #tpu.memory_space<vmem_shared>>
        %dma_wait3A_79 = arith.constant 0 : i32
        %dma_wait3A_80 = tpu.memref_slice %arg9[%add3A_48, %dma_wait3A_79] : memref<10240x128xf32, #tpu.memory_space<vmem_shared>> -> memref<128x128xf32, #tpu.memory_space<vmem_shared>>
        %dma_wait3A_81 = arith.constant 0 : i32
        %dma_wait3A_82 = arith.constant 0 : i32
        %dma_wait3A_83 = tpu.memref_slice %arg8[%run_scoped3A, %dma_wait3A_81, %dma_wait3A_82] : memref<2x128x128xf32, #tpu.memory_space<vmem>> -> memref<1x128x128xf32, #tpu.memory_space<vmem>>
        %dma_wait3A_84 = tpu.memref_squeeze %dma_wait3A_83 : memref<1x128x128xf32, #tpu.memory_space<vmem>> -> memref<128x128xf32, #tpu.memory_space<vmem>>
        tpu.wait_dma2 semaphore(%run_scoped3A_61 : memref<!tpu.dma_semaphore, #tpu.memory_space<semaphore_mem>>) src(%dma_wait3A_84 : memref<128x128xf32, #tpu.memory_space<vmem>>) dst(%dma_wait3A_80 : memref<128x128xf32, #tpu.memory_space<vmem_shared>>)
        tpu.yield
      }) : () -> ()
      %add3A_49 = arith.constant 128 : i32
      %add3A_50 = arith.addi %mul3A_0, %add3A_49 : i32
      %run_scoped3A_51 = arith.constant 0 : i32
      "tpu.region"() ({
        %run_scoped3A_61 = tpu.sem_alloc : memref<!tpu.dma_semaphore, #tpu.memory_space<semaphore_mem>>
        %dma_start3A_62 = arith.constant 0 : i32
        %dma_start3A_63 = arith.constant 0 : i32
        %dma_start3A_64 = tpu.memref_slice %arg8[%run_scoped3A_51, %dma_start3A_62, %dma_start3A_63] : memref<2x128x128xf32, #tpu.memory_space<vmem>> -> memref<1x128x128xf32, #tpu.memory_space<vmem>>
        %dma_start3A_65 = tpu.memref_squeeze %dma_start3A_64 : memref<1x128x128xf32, #tpu.memory_space<vmem>> -> memref<128x128xf32, #tpu.memory_space<vmem>>
        %dma_start3A_66 = arith.constant 0 : i32
        %dma_start3A_67 = tpu.memref_slice %arg9[%add3A_50, %dma_start3A_66] : memref<10240x128xf32, #tpu.memory_space<vmem_shared>> -> memref<128x128xf32, #tpu.memory_space<vmem_shared>>
        %dma_start3A_68 = arith.constant 0 : i32
        %dma_start3A_69 = tpu.memref_slice %arg9[%add3A_50, %dma_start3A_68] : memref<10240x128xf32, #tpu.memory_space<vmem_shared>> -> memref<128x128xf32, #tpu.memory_space<vmem_shared>>
        %dma_start3A_70 = arith.constant 0 : i32
        %dma_start3A_71 = arith.constant 0 : i32
        %dma_start3A_72 = tpu.memref_slice %arg8[%run_scoped3A_51, %dma_start3A_70, %dma_start3A_71] : memref<2x128x128xf32, #tpu.memory_space<vmem>> -> memref<1x128x128xf32, #tpu.memory_space<vmem>>
        %dma_start3A_73 = tpu.memref_squeeze %dma_start3A_72 : memref<1x128x128xf32, #tpu.memory_space<vmem>> -> memref<128x128xf32, #tpu.memory_space<vmem>>
        tpu.enqueue_dma source(%dma_start3A_73 : memref<128x128xf32, #tpu.memory_space<vmem>>) target(%dma_start3A_69 : memref<128x128xf32, #tpu.memory_space<vmem_shared>>) target_semaphore(%run_scoped3A_61 : memref<!tpu.dma_semaphore, #tpu.memory_space<semaphore_mem>>)
        %dma_wait3A = arith.constant 0 : i32
        %dma_wait3A_74 = arith.constant 0 : i32
        %dma_wait3A_75 = tpu.memref_slice %arg8[%run_scoped3A_51, %dma_wait3A, %dma_wait3A_74] : memref<2x128x128xf32, #tpu.memory_space<vmem>> -> memref<1x128x128xf32, #tpu.memory_space<vmem>>
        %dma_wait3A_76 = tpu.memref_squeeze %dma_wait3A_75 : memref<1x128x128xf32, #tpu.memory_space<vmem>> -> memref<128x128xf32, #tpu.memory_space<vmem>>
        %dma_wait3A_77 = arith.constant 0 : i32
        %dma_wait3A_78 = tpu.memref_slice %arg9[%add3A_50, %dma_wait3A_77] : memref<10240x128xf32, #tpu.memory_space<vmem_shared>> -> memref<128x128xf32, #tpu.memory_space<vmem_shared>>
        %dma_wait3A_79 = arith.constant 0 : i32
        %dma_wait3A_80 = tpu.memref_slice %arg9[%add3A_50, %dma_wait3A_79] : memref<10240x128xf32, #tpu.memory_space<vmem_shared>> -> memref<128x128xf32, #tpu.memory_space<vmem_shared>>
        %dma_wait3A_81 = arith.constant 0 : i32
        %dma_wait3A_82 = arith.constant 0 : i32
        %dma_wait3A_83 = tpu.memref_slice %arg8[%run_scoped3A_51, %dma_wait3A_81, %dma_wait3A_82] : memref<2x128x128xf32, #tpu.memory_space<vmem>> -> memref<1x128x128xf32, #tpu.memory_space<vmem>>
        %dma_wait3A_84 = tpu.memref_squeeze %dma_wait3A_83 : memref<1x128x128xf32, #tpu.memory_space<vmem>> -> memref<128x128xf32, #tpu.memory_space<vmem>>
        tpu.wait_dma2 semaphore(%run_scoped3A_61 : memref<!tpu.dma_semaphore, #tpu.memory_space<semaphore_mem>>) src(%dma_wait3A_84 : memref<128x128xf32, #tpu.memory_space<vmem>>) dst(%dma_wait3A_80 : memref<128x128xf32, #tpu.memory_space<vmem_shared>>)
        tpu.yield
      }) : () -> ()
      %add3A_52 = arith.constant 256 : i32
      %add3A_53 = arith.addi %mul3A_0, %add3A_52 : i32
      %run_scoped3A_54 = arith.constant 0 : i32
      "tpu.region"() ({
        %run_scoped3A_61 = tpu.sem_alloc : memref<!tpu.dma_semaphore, #tpu.memory_space<semaphore_mem>>
        %dma_start3A_62 = arith.constant 0 : i32
        %dma_start3A_63 = arith.constant 0 : i32
        %dma_start3A_64 = tpu.memref_slice %arg8[%run_scoped3A_54, %dma_start3A_62, %dma_start3A_63] : memref<2x128x128xf32, #tpu.memory_space<vmem>> -> memref<1x128x128xf32, #tpu.memory_space<vmem>>
        %dma_start3A_65 = tpu.memref_squeeze %dma_start3A_64 : memref<1x128x128xf32, #tpu.memory_space<vmem>> -> memref<128x128xf32, #tpu.memory_space<vmem>>
        %dma_start3A_66 = arith.constant 0 : i32
        %dma_start3A_67 = tpu.memref_slice %arg9[%add3A_53, %dma_start3A_66] : memref<10240x128xf32, #tpu.memory_space<vmem_shared>> -> memref<128x128xf32, #tpu.memory_space<vmem_shared>>
        %dma_start3A_68 = arith.constant 0 : i32
        %dma_start3A_69 = tpu.memref_slice %arg9[%add3A_53, %dma_start3A_68] : memref<10240x128xf32, #tpu.memory_space<vmem_shared>> -> memref<128x128xf32, #tpu.memory_space<vmem_shared>>
        %dma_start3A_70 = arith.constant 0 : i32
        %dma_start3A_71 = arith.constant 0 : i32
        %dma_start3A_72 = tpu.memref_slice %arg8[%run_scoped3A_54, %dma_start3A_70, %dma_start3A_71] : memref<2x128x128xf32, #tpu.memory_space<vmem>> -> memref<1x128x128xf32, #tpu.memory_space<vmem>>
        %dma_start3A_73 = tpu.memref_squeeze %dma_start3A_72 : memref<1x128x128xf32, #tpu.memory_space<vmem>> -> memref<128x128xf32, #tpu.memory_space<vmem>>
        tpu.enqueue_dma source(%dma_start3A_73 : memref<128x128xf32, #tpu.memory_space<vmem>>) target(%dma_start3A_69 : memref<128x128xf32, #tpu.memory_space<vmem_shared>>) target_semaphore(%run_scoped3A_61 : memref<!tpu.dma_semaphore, #tpu.memory_space<semaphore_mem>>)
        %dma_wait3A = arith.constant 0 : i32
        %dma_wait3A_74 = arith.constant 0 : i32
        %dma_wait3A_75 = tpu.memref_slice %arg8[%run_scoped3A_54, %dma_wait3A, %dma_wait3A_74] : memref<2x128x128xf32, #tpu.memory_space<vmem>> -> memref<1x128x128xf32, #tpu.memory_space<vmem>>
        %dma_wait3A_76 = tpu.memref_squeeze %dma_wait3A_75 : memref<1x128x128xf32, #tpu.memory_space<vmem>> -> memref<128x128xf32, #tpu.memory_space<vmem>>
        %dma_wait3A_77 = arith.constant 0 : i32
        %dma_wait3A_78 = tpu.memref_slice %arg9[%add3A_53, %dma_wait3A_77] : memref<10240x128xf32, #tpu.memory_space<vmem_shared>> -> memref<128x128xf32, #tpu.memory_space<vmem_shared>>
        %dma_wait3A_79 = arith.constant 0 : i32
        %dma_wait3A_80 = tpu.memref_slice %arg9[%add3A_53, %dma_wait3A_79] : memref<10240x128xf32, #tpu.memory_space<vmem_shared>> -> memref<128x128xf32, #tpu.memory_space<vmem_shared>>
        %dma_wait3A_81 = arith.constant 0 : i32
        %dma_wait3A_82 = arith.constant 0 : i32
        %dma_wait3A_83 = tpu.memref_slice %arg8[%run_scoped3A_54, %dma_wait3A_81, %dma_wait3A_82] : memref<2x128x128xf32, #tpu.memory_space<vmem>> -> memref<1x128x128xf32, #tpu.memory_space<vmem>>
        %dma_wait3A_84 = tpu.memref_squeeze %dma_wait3A_83 : memref<1x128x128xf32, #tpu.memory_space<vmem>> -> memref<128x128xf32, #tpu.memory_space<vmem>>
        tpu.wait_dma2 semaphore(%run_scoped3A_61 : memref<!tpu.dma_semaphore, #tpu.memory_space<semaphore_mem>>) src(%dma_wait3A_84 : memref<128x128xf32, #tpu.memory_space<vmem>>) dst(%dma_wait3A_80 : memref<128x128xf32, #tpu.memory_space<vmem_shared>>)
        tpu.yield
      }) : () -> ()
      %add3A_55 = arith.constant 384 : i32
      %add3A_56 = arith.addi %mul3A_0, %add3A_55 : i32
      %run_scoped3A_57 = arith.constant 0 : i32
      "tpu.region"() ({
        %run_scoped3A_61 = tpu.sem_alloc : memref<!tpu.dma_semaphore, #tpu.memory_space<semaphore_mem>>
        %dma_start3A_62 = arith.constant 0 : i32
        %dma_start3A_63 = arith.constant 0 : i32
        %dma_start3A_64 = tpu.memref_slice %arg8[%run_scoped3A_57, %dma_start3A_62, %dma_start3A_63] : memref<2x128x128xf32, #tpu.memory_space<vmem>> -> memref<1x128x128xf32, #tpu.memory_space<vmem>>
        %dma_start3A_65 = tpu.memref_squeeze %dma_start3A_64 : memref<1x128x128xf32, #tpu.memory_space<vmem>> -> memref<128x128xf32, #tpu.memory_space<vmem>>
        %dma_start3A_66 = arith.constant 0 : i32
        %dma_start3A_67 = tpu.memref_slice %arg9[%add3A_56, %dma_start3A_66] : memref<10240x128xf32, #tpu.memory_space<vmem_shared>> -> memref<128x128xf32, #tpu.memory_space<vmem_shared>>
        %dma_start3A_68 = arith.constant 0 : i32
        %dma_start3A_69 = tpu.memref_slice %arg9[%add3A_56, %dma_start3A_68] : memref<10240x128xf32, #tpu.memory_space<vmem_shared>> -> memref<128x128xf32, #tpu.memory_space<vmem_shared>>
        %dma_start3A_70 = arith.constant 0 : i32
        %dma_start3A_71 = arith.constant 0 : i32
        %dma_start3A_72 = tpu.memref_slice %arg8[%run_scoped3A_57, %dma_start3A_70, %dma_start3A_71] : memref<2x128x128xf32, #tpu.memory_space<vmem>> -> memref<1x128x128xf32, #tpu.memory_space<vmem>>
        %dma_start3A_73 = tpu.memref_squeeze %dma_start3A_72 : memref<1x128x128xf32, #tpu.memory_space<vmem>> -> memref<128x128xf32, #tpu.memory_space<vmem>>
        tpu.enqueue_dma source(%dma_start3A_73 : memref<128x128xf32, #tpu.memory_space<vmem>>) target(%dma_start3A_69 : memref<128x128xf32, #tpu.memory_space<vmem_shared>>) target_semaphore(%run_scoped3A_61 : memref<!tpu.dma_semaphore, #tpu.memory_space<semaphore_mem>>)
        %dma_wait3A = arith.constant 0 : i32
        %dma_wait3A_74 = arith.constant 0 : i32
        %dma_wait3A_75 = tpu.memref_slice %arg8[%run_scoped3A_57, %dma_wait3A, %dma_wait3A_74] : memref<2x128x128xf32, #tpu.memory_space<vmem>> -> memref<1x128x128xf32, #tpu.memory_space<vmem>>
        %dma_wait3A_76 = tpu.memref_squeeze %dma_wait3A_75 : memref<1x128x128xf32, #tpu.memory_space<vmem>> -> memref<128x128xf32, #tpu.memory_space<vmem>>
        %dma_wait3A_77 = arith.constant 0 : i32
        %dma_wait3A_78 = tpu.memref_slice %arg9[%add3A_56, %dma_wait3A_77] : memref<10240x128xf32, #tpu.memory_space<vmem_shared>> -> memref<128x128xf32, #tpu.memory_space<vmem_shared>>
        %dma_wait3A_79 = arith.constant 0 : i32
        %dma_wait3A_80 = tpu.memref_slice %arg9[%add3A_56, %dma_wait3A_79] : memref<10240x128xf32, #tpu.memory_space<vmem_shared>> -> memref<128x128xf32, #tpu.memory_space<vmem_shared>>
        %dma_wait3A_81 = arith.constant 0 : i32
        %dma_wait3A_82 = arith.constant 0 : i32
        %dma_wait3A_83 = tpu.memref_slice %arg8[%run_scoped3A_57, %dma_wait3A_81, %dma_wait3A_82] : memref<2x128x128xf32, #tpu.memory_space<vmem>> -> memref<1x128x128xf32, #tpu.memory_space<vmem>>
        %dma_wait3A_84 = tpu.memref_squeeze %dma_wait3A_83 : memref<1x128x128xf32, #tpu.memory_space<vmem>> -> memref<128x128xf32, #tpu.memory_space<vmem>>
        tpu.wait_dma2 semaphore(%run_scoped3A_61 : memref<!tpu.dma_semaphore, #tpu.memory_space<semaphore_mem>>) src(%dma_wait3A_84 : memref<128x128xf32, #tpu.memory_space<vmem>>) dst(%dma_wait3A_80 : memref<128x128xf32, #tpu.memory_space<vmem_shared>>)
        tpu.yield
      }) : () -> ()
      %add3A_58 = arith.constant 512 : i32
      %add3A_59 = arith.addi %mul3A_0, %add3A_58 : i32
      %run_scoped3A_60 = arith.constant 0 : i32
      "tpu.region"() ({
        %run_scoped3A_61 = tpu.sem_alloc : memref<!tpu.dma_semaphore, #tpu.memory_space<semaphore_mem>>
        %dma_start3A_62 = arith.constant 0 : i32
        %dma_start3A_63 = arith.constant 0 : i32
        %dma_start3A_64 = tpu.memref_slice %arg8[%run_scoped3A_60, %dma_start3A_62, %dma_start3A_63] : memref<2x128x128xf32, #tpu.memory_space<vmem>> -> memref<1x128x128xf32, #tpu.memory_space<vmem>>
        %dma_start3A_65 = tpu.memref_squeeze %dma_start3A_64 : memref<1x128x128xf32, #tpu.memory_space<vmem>> -> memref<128x128xf32, #tpu.memory_space<vmem>>
        %dma_start3A_66 = arith.constant 0 : i32
        %dma_start3A_67 = tpu.memref_slice %arg9[%add3A_59, %dma_start3A_66] : memref<10240x128xf32, #tpu.memory_space<vmem_shared>> -> memref<128x128xf32, #tpu.memory_space<vmem_shared>>
        %dma_start3A_68 = arith.constant 0 : i32
        %dma_start3A_69 = tpu.memref_slice %arg9[%add3A_59, %dma_start3A_68] : memref<10240x128xf32, #tpu.memory_space<vmem_shared>> -> memref<128x128xf32, #tpu.memory_space<vmem_shared>>
        %dma_start3A_70 = arith.constant 0 : i32
        %dma_start3A_71 = arith.constant 0 : i32
        %dma_start3A_72 = tpu.memref_slice %arg8[%run_scoped3A_60, %dma_start3A_70, %dma_start3A_71] : memref<2x128x128xf32, #tpu.memory_space<vmem>> -> memref<1x128x128xf32, #tpu.memory_space<vmem>>
        %dma_start3A_73 = tpu.memref_squeeze %dma_start3A_72 : memref<1x128x128xf32, #tpu.memory_space<vmem>> -> memref<128x128xf32, #tpu.memory_space<vmem>>
        tpu.enqueue_dma source(%dma_start3A_73 : memref<128x128xf32, #tpu.memory_space<vmem>>) target(%dma_start3A_69 : memref<128x128xf32, #tpu.memory_space<vmem_shared>>) target_semaphore(%run_scoped3A_61 : memref<!tpu.dma_semaphore, #tpu.memory_space<semaphore_mem>>)
        %dma_wait3A = arith.constant 0 : i32
        %dma_wait3A_74 = arith.constant 0 : i32
        %dma_wait3A_75 = tpu.memref_slice %arg8[%run_scoped3A_60, %dma_wait3A, %dma_wait3A_74] : memref<2x128x128xf32, #tpu.memory_space<vmem>> -> memref<1x128x128xf32, #tpu.memory_space<vmem>>
        %dma_wait3A_76 = tpu.memref_squeeze %dma_wait3A_75 : memref<1x128x128xf32, #tpu.memory_space<vmem>> -> memref<128x128xf32, #tpu.memory_space<vmem>>
        %dma_wait3A_77 = arith.constant 0 : i32
        %dma_wait3A_78 = tpu.memref_slice %arg9[%add3A_59, %dma_wait3A_77] : memref<10240x128xf32, #tpu.memory_space<vmem_shared>> -> memref<128x128xf32, #tpu.memory_space<vmem_shared>>
        %dma_wait3A_79 = arith.constant 0 : i32
        %dma_wait3A_80 = tpu.memref_slice %arg9[%add3A_59, %dma_wait3A_79] : memref<10240x128xf32, #tpu.memory_space<vmem_shared>> -> memref<128x128xf32, #tpu.memory_space<vmem_shared>>
        %dma_wait3A_81 = arith.constant 0 : i32
        %dma_wait3A_82 = arith.constant 0 : i32
        %dma_wait3A_83 = tpu.memref_slice %arg8[%run_scoped3A_60, %dma_wait3A_81, %dma_wait3A_82] : memref<2x128x128xf32, #tpu.memory_space<vmem>> -> memref<1x128x128xf32, #tpu.memory_space<vmem>>
        %dma_wait3A_84 = tpu.memref_squeeze %dma_wait3A_83 : memref<1x128x128xf32, #tpu.memory_space<vmem>> -> memref<128x128xf32, #tpu.memory_space<vmem>>
        tpu.wait_dma2 semaphore(%run_scoped3A_61 : memref<!tpu.dma_semaphore, #tpu.memory_space<semaphore_mem>>) src(%dma_wait3A_84 : memref<128x128xf32, #tpu.memory_space<vmem>>) dst(%dma_wait3A_80 : memref<128x128xf32, #tpu.memory_space<vmem_shared>>)
        tpu.yield
      }) : () -> ()
    } else {
    }
    %barrier3A = arith.constant 0 : index
    tpu.barrier barrier_id(%barrier3A)
    "tpu.region"() ({
      %run_scoped3A = tpu.sem_alloc : memref<!tpu.dma_semaphore, #tpu.memory_space<semaphore_mem>>
      %dma_start3A_42 = arith.constant 0 : i32
      %dma_start3A_43 = arith.constant 0 : i32
      %dma_start3A_44 = tpu.memref_slice %arg3[%arg0, %arg1, %dma_start3A_42, %dma_start3A_43] : memref<2x16x80x128xi32, #tpu.memory_space<hbm>> -> memref<1x1x40x128xi32, #tpu.memory_space<hbm>>
      %dma_start3A_45 = tpu.memref_squeeze %dma_start3A_44 : memref<1x1x40x128xi32, #tpu.memory_space<hbm>> -> memref<40x128xi32, #tpu.memory_space<hbm>>
      %dma_start3A_46 = arith.constant 0 : i32
      %dma_start3A_47 = arith.constant 0 : i32
      %dma_start3A_48 = tpu.memref_slice %arg3[%arg0, %arg1, %dma_start3A_46, %dma_start3A_47] : memref<2x16x80x128xi32, #tpu.memory_space<hbm>> -> memref<1x1x40x128xi32, #tpu.memory_space<hbm>>
      %dma_start3A_49 = tpu.memref_squeeze %dma_start3A_48 : memref<1x1x40x128xi32, #tpu.memory_space<hbm>> -> memref<40x128xi32, #tpu.memory_space<hbm>>
      tpu.enqueue_dma source(%dma_start3A_49 : memref<40x128xi32, #tpu.memory_space<hbm>>) target(%arg6 : memref<40x128xi32, #tpu.memory_space<vmem>>) target_semaphore(%run_scoped3A : memref<!tpu.dma_semaphore, #tpu.memory_space<semaphore_mem>>)
      %dma_wait3A = arith.constant 0 : i32
      %dma_wait3A_50 = arith.constant 0 : i32
      %dma_wait3A_51 = tpu.memref_slice %arg3[%arg0, %arg1, %dma_wait3A, %dma_wait3A_50] : memref<2x16x80x128xi32, #tpu.memory_space<hbm>> -> memref<1x1x40x128xi32, #tpu.memory_space<hbm>>
      %dma_wait3A_52 = tpu.memref_squeeze %dma_wait3A_51 : memref<1x1x40x128xi32, #tpu.memory_space<hbm>> -> memref<40x128xi32, #tpu.memory_space<hbm>>
      %dma_wait3A_53 = arith.constant 0 : i32
      %dma_wait3A_54 = arith.constant 0 : i32
      %dma_wait3A_55 = tpu.memref_slice %arg3[%arg0, %arg1, %dma_wait3A_53, %dma_wait3A_54] : memref<2x16x80x128xi32, #tpu.memory_space<hbm>> -> memref<1x1x40x128xi32, #tpu.memory_space<hbm>>
      %dma_wait3A_56 = tpu.memref_squeeze %dma_wait3A_55 : memref<1x1x40x128xi32, #tpu.memory_space<hbm>> -> memref<40x128xi32, #tpu.memory_space<hbm>>
      tpu.wait_dma2 semaphore(%run_scoped3A : memref<!tpu.dma_semaphore, #tpu.memory_space<semaphore_mem>>) src(%dma_wait3A_56 : memref<40x128xi32, #tpu.memory_space<hbm>>) dst(%arg6 : memref<40x128xi32, #tpu.memory_space<vmem>>)
      tpu.yield
    }) : () -> ()
    "tpu.region"() ({
      %run_scoped3A = tpu.sem_alloc : memref<!tpu.dma_semaphore, #tpu.memory_space<semaphore_mem>>
      %dma_start3A_42 = arith.constant 0 : i32
      %dma_start3A_43 = arith.constant 0 : i32
      %dma_start3A_44 = tpu.memref_slice %arg4[%arg0, %arg1, %dma_start3A_42, %dma_start3A_43] : memref<2x16x80x128xi32, #tpu.memory_space<hbm>> -> memref<1x1x40x128xi32, #tpu.memory_space<hbm>>
      %dma_start3A_45 = tpu.memref_squeeze %dma_start3A_44 : memref<1x1x40x128xi32, #tpu.memory_space<hbm>> -> memref<40x128xi32, #tpu.memory_space<hbm>>
      %dma_start3A_46 = arith.constant 0 : i32
      %dma_start3A_47 = arith.constant 0 : i32
      %dma_start3A_48 = tpu.memref_slice %arg4[%arg0, %arg1, %dma_start3A_46, %dma_start3A_47] : memref<2x16x80x128xi32, #tpu.memory_space<hbm>> -> memref<1x1x40x128xi32, #tpu.memory_space<hbm>>
      %dma_start3A_49 = tpu.memref_squeeze %dma_start3A_48 : memref<1x1x40x128xi32, #tpu.memory_space<hbm>> -> memref<40x128xi32, #tpu.memory_space<hbm>>
      tpu.enqueue_dma source(%dma_start3A_49 : memref<40x128xi32, #tpu.memory_space<hbm>>) target(%arg7 : memref<40x128xi32, #tpu.memory_space<vmem>>) target_semaphore(%run_scoped3A : memref<!tpu.dma_semaphore, #tpu.memory_space<semaphore_mem>>)
      %dma_wait3A = arith.constant 0 : i32
      %dma_wait3A_50 = arith.constant 0 : i32
      %dma_wait3A_51 = tpu.memref_slice %arg4[%arg0, %arg1, %dma_wait3A, %dma_wait3A_50] : memref<2x16x80x128xi32, #tpu.memory_space<hbm>> -> memref<1x1x40x128xi32, #tpu.memory_space<hbm>>
      %dma_wait3A_52 = tpu.memref_squeeze %dma_wait3A_51 : memref<1x1x40x128xi32, #tpu.memory_space<hbm>> -> memref<40x128xi32, #tpu.memory_space<hbm>>
      %dma_wait3A_53 = arith.constant 0 : i32
      %dma_wait3A_54 = arith.constant 0 : i32
      %dma_wait3A_55 = tpu.memref_slice %arg4[%arg0, %arg1, %dma_wait3A_53, %dma_wait3A_54] : memref<2x16x80x128xi32, #tpu.memory_space<hbm>> -> memref<1x1x40x128xi32, #tpu.memory_space<hbm>>
      %dma_wait3A_56 = tpu.memref_squeeze %dma_wait3A_55 : memref<1x1x40x128xi32, #tpu.memory_space<hbm>> -> memref<40x128xi32, #tpu.memory_space<hbm>>
      tpu.wait_dma2 semaphore(%run_scoped3A : memref<!tpu.dma_semaphore, #tpu.memory_space<semaphore_mem>>) src(%dma_wait3A_56 : memref<40x128xi32, #tpu.memory_space<hbm>>) dst(%arg7 : memref<40x128xi32, #tpu.memory_space<vmem>>)
      tpu.yield
    }) : () -> ()
    %dma_start3A = arith.constant 0 : i32
    %dma_start3A_7 = arith.constant 0 : i32
    %dma_start3A_8 = arith.constant 0 : i32
    %dma_start3A_9 = arith.constant 0 : i32
    %dma_start3A_10 = tpu.memref_slice %arg8[%dma_start3A_7, %dma_start3A_8, %dma_start3A_9] : memref<2x128x128xf32, #tpu.memory_space<vmem>> -> memref<1x128x128xf32, #tpu.memory_space<vmem>>
    %dma_start3A_11 = tpu.memref_squeeze %dma_start3A_10 : memref<1x128x128xf32, #tpu.memory_space<vmem>> -> memref<128x128xf32, #tpu.memory_space<vmem>>
    %dma_start3A_12 = arith.constant 0 : i32
    %dma_start3A_13 = tpu.memref_slice %arg6[%dma_start3A, %dma_start3A_12] : memref<40x128xi32, #tpu.memory_space<vmem>> -> memref<1x128xi32, #tpu.memory_space<vmem>>
    %dma_start3A_14 = tpu.memref_squeeze %dma_start3A_13 : memref<1x128xi32, #tpu.memory_space<vmem>> -> memref<128xi32, #tpu.memory_space<vmem>>
    %dma_start3A_15 = arith.constant 0 : i32
    %dma_start3A_16 = arith.constant 0 : i32
    %dma_start3A_17 = tpu.memref_slice %arg2[%dma_start3A_15, %dma_start3A_16] : memref<10240x128xf32, #tpu.memory_space<hbm>> -> memref<10240x128xf32, #tpu.memory_space<hbm>>
    tpu.enqueue_indirect_dma source(%dma_start3A_17 : memref<10240x128xf32, #tpu.memory_space<hbm>>) target(%dma_start3A_11 : memref<128x128xf32, #tpu.memory_space<vmem>>) offsets(%dma_start3A_14 : memref<128xi32, #tpu.memory_space<vmem>>) semaphore(%arg10 : memref<!tpu.dma_semaphore, #tpu.memory_space<semaphore_mem>>)
    %scan3A = arith.constant 0 : i32
    %scan3A_18 = arith.constant 0 : i32
    %scan3A_19 = arith.constant 20 : i32
    %scan3A_20 = arith.addi %scan3A_18, %scan3A_19 : i32
    %scan3A_21 = arith.constant 1 : i32
    scf.for %scan3A_42 = %scan3A_18 to %scan3A_20 step %scan3A_21  : i32 {
      %mul3A_43 = arith.constant 2 : i32
      %mul3A_44 = arith.muli %mul3A_43, %scan3A_42 : i32
      %add3A = arith.constant 1 : i32
      %add3A_45 = arith.addi %mul3A_44, %add3A : i32
      %dma_wait3A = arith.constant 0 : i32
      %dma_wait3A_46 = arith.constant 0 : i32
      %dma_wait3A_47 = arith.constant 0 : i32
      %dma_wait3A_48 = tpu.memref_slice %arg8[%dma_wait3A, %dma_wait3A_46, %dma_wait3A_47] : memref<2x128x128xf32, #tpu.memory_space<vmem>> -> memref<1x128x128xf32, #tpu.memory_space<vmem>>
      %dma_wait3A_49 = tpu.memref_squeeze %dma_wait3A_48 : memref<1x128x128xf32, #tpu.memory_space<vmem>> -> memref<128x128xf32, #tpu.memory_space<vmem>>
      %dma_wait3A_50 = arith.constant 0 : i32
      %dma_wait3A_51 = tpu.memref_slice %arg6[%mul3A_44, %dma_wait3A_50] : memref<40x128xi32, #tpu.memory_space<vmem>> -> memref<1x128xi32, #tpu.memory_space<vmem>>
      %dma_wait3A_52 = tpu.memref_squeeze %dma_wait3A_51 : memref<1x128xi32, #tpu.memory_space<vmem>> -> memref<128xi32, #tpu.memory_space<vmem>>
      %dma_wait3A_53 = arith.constant 0 : i32
      %dma_wait3A_54 = arith.constant 0 : i32
      %dma_wait3A_55 = tpu.memref_slice %arg2[%dma_wait3A_53, %dma_wait3A_54] : memref<10240x128xf32, #tpu.memory_space<hbm>> -> memref<10240x128xf32, #tpu.memory_space<hbm>>
      tpu.wait_indirect_dma semaphore(%arg10 : memref<!tpu.dma_semaphore, #tpu.memory_space<semaphore_mem>>) src(%dma_wait3A_55 : memref<10240x128xf32, #tpu.memory_space<hbm>>) dst(%dma_wait3A_49 : memref<128x128xf32, #tpu.memory_space<vmem>>)
      %dma_start3A_56 = arith.constant 1 : i32
      %dma_start3A_57 = arith.constant 0 : i32
      %dma_start3A_58 = arith.constant 0 : i32
      %dma_start3A_59 = tpu.memref_slice %arg8[%dma_start3A_56, %dma_start3A_57, %dma_start3A_58] : memref<2x128x128xf32, #tpu.memory_space<vmem>> -> memref<1x128x128xf32, #tpu.memory_space<vmem>>
      %dma_start3A_60 = tpu.memref_squeeze %dma_start3A_59 : memref<1x128x128xf32, #tpu.memory_space<vmem>> -> memref<128x128xf32, #tpu.memory_space<vmem>>
      %dma_start3A_61 = arith.constant 0 : i32
      %dma_start3A_62 = tpu.memref_slice %arg6[%add3A_45, %dma_start3A_61] : memref<40x128xi32, #tpu.memory_space<vmem>> -> memref<1x128xi32, #tpu.memory_space<vmem>>
      %dma_start3A_63 = tpu.memref_squeeze %dma_start3A_62 : memref<1x128xi32, #tpu.memory_space<vmem>> -> memref<128xi32, #tpu.memory_space<vmem>>
      %dma_start3A_64 = arith.constant 0 : i32
      %dma_start3A_65 = arith.constant 0 : i32
      %dma_start3A_66 = tpu.memref_slice %arg2[%dma_start3A_64, %dma_start3A_65] : memref<10240x128xf32, #tpu.memory_space<hbm>> -> memref<10240x128xf32, #tpu.memory_space<hbm>>
      tpu.enqueue_indirect_dma source(%dma_start3A_66 : memref<10240x128xf32, #tpu.memory_space<hbm>>) target(%dma_start3A_60 : memref<128x128xf32, #tpu.memory_space<vmem>>) offsets(%dma_start3A_63 : memref<128xi32, #tpu.memory_space<vmem>>) semaphore(%arg11 : memref<!tpu.dma_semaphore, #tpu.memory_space<semaphore_mem>>)
      %run_scoped3A = arith.constant 0 : i32
      "tpu.region"() ({
        %run_scoped3A_85 = tpu.sem_alloc : memref<!tpu.dma_semaphore, #tpu.memory_space<semaphore_mem>>
        %dma_start3A_86 = arith.constant 0 : i32
        %dma_start3A_87 = arith.constant 0 : i32
        %dma_start3A_88 = tpu.memref_slice %arg8[%run_scoped3A, %dma_start3A_86, %dma_start3A_87] : memref<2x128x128xf32, #tpu.memory_space<vmem>> -> memref<1x128x128xf32, #tpu.memory_space<vmem>>
        %dma_start3A_89 = tpu.memref_squeeze %dma_start3A_88 : memref<1x128x128xf32, #tpu.memory_space<vmem>> -> memref<128x128xf32, #tpu.memory_space<vmem>>
        %dma_start3A_90 = arith.constant 0 : i32
        %dma_start3A_91 = tpu.memref_slice %arg7[%mul3A_44, %dma_start3A_90] : memref<40x128xi32, #tpu.memory_space<vmem>> -> memref<1x128xi32, #tpu.memory_space<vmem>>
        %dma_start3A_92 = tpu.memref_squeeze %dma_start3A_91 : memref<1x128xi32, #tpu.memory_space<vmem>> -> memref<128xi32, #tpu.memory_space<vmem>>
        %dma_start3A_93 = arith.constant 0 : i32
        %dma_start3A_94 = arith.constant 0 : i32
        %dma_start3A_95 = tpu.memref_slice %arg9[%dma_start3A_93, %dma_start3A_94] : memref<10240x128xf32, #tpu.memory_space<vmem_shared>> -> memref<10240x128xf32, #tpu.memory_space<vmem_shared>>
        tpu.enqueue_indirect_dma source(%dma_start3A_89 : memref<128x128xf32, #tpu.memory_space<vmem>>) target(%dma_start3A_95 : memref<10240x128xf32, #tpu.memory_space<vmem_shared>>) offsets(%dma_start3A_92 : memref<128xi32, #tpu.memory_space<vmem>>) semaphore(%run_scoped3A_85 : memref<!tpu.dma_semaphore, #tpu.memory_space<semaphore_mem>>) {add = true}
        %dma_wait3A_96 = arith.constant 0 : i32
        %dma_wait3A_97 = arith.constant 0 : i32
        %dma_wait3A_98 = tpu.memref_slice %arg8[%run_scoped3A, %dma_wait3A_96, %dma_wait3A_97] : memref<2x128x128xf32, #tpu.memory_space<vmem>> -> memref<1x128x128xf32, #tpu.memory_space<vmem>>
        %dma_wait3A_99 = tpu.memref_squeeze %dma_wait3A_98 : memref<1x128x128xf32, #tpu.memory_space<vmem>> -> memref<128x128xf32, #tpu.memory_space<vmem>>
        %dma_wait3A_100 = arith.constant 0 : i32
        %dma_wait3A_101 = tpu.memref_slice %arg7[%mul3A_44, %dma_wait3A_100] : memref<40x128xi32, #tpu.memory_space<vmem>> -> memref<1x128xi32, #tpu.memory_space<vmem>>
        %dma_wait3A_102 = tpu.memref_squeeze %dma_wait3A_101 : memref<1x128xi32, #tpu.memory_space<vmem>> -> memref<128xi32, #tpu.memory_space<vmem>>
        %dma_wait3A_103 = arith.constant 0 : i32
        %dma_wait3A_104 = arith.constant 0 : i32
        %dma_wait3A_105 = tpu.memref_slice %arg9[%dma_wait3A_103, %dma_wait3A_104] : memref<10240x128xf32, #tpu.memory_space<vmem_shared>> -> memref<10240x128xf32, #tpu.memory_space<vmem_shared>>
        tpu.wait_indirect_dma semaphore(%run_scoped3A_85 : memref<!tpu.dma_semaphore, #tpu.memory_space<semaphore_mem>>) src(%dma_wait3A_99 : memref<128x128xf32, #tpu.memory_space<vmem>>) dst(%dma_wait3A_105 : memref<10240x128xf32, #tpu.memory_space<vmem_shared>>)
        tpu.yield
      }) : () -> ()
      %dma_wait3A_67 = arith.constant 1 : i32
      %dma_wait3A_68 = arith.constant 0 : i32
      %dma_wait3A_69 = arith.constant 0 : i32
      %dma_wait3A_70 = tpu.memref_slice %arg8[%dma_wait3A_67, %dma_wait3A_68, %dma_wait3A_69] : memref<2x128x128xf32, #tpu.memory_space<vmem>> -> memref<1x128x128xf32, #tpu.memory_space<vmem>>
      %dma_wait3A_71 = tpu.memref_squeeze %dma_wait3A_70 : memref<1x128x128xf32, #tpu.memory_space<vmem>> -> memref<128x128xf32, #tpu.memory_space<vmem>>
      %dma_wait3A_72 = arith.constant 0 : i32
      %dma_wait3A_73 = tpu.memref_slice %arg6[%add3A_45, %dma_wait3A_72] : memref<40x128xi32, #tpu.memory_space<vmem>> -> memref<1x128xi32, #tpu.memory_space<vmem>>
      %dma_wait3A_74 = tpu.memref_squeeze %dma_wait3A_73 : memref<1x128xi32, #tpu.memory_space<vmem>> -> memref<128xi32, #tpu.memory_space<vmem>>
      %dma_wait3A_75 = arith.constant 0 : i32
      %dma_wait3A_76 = arith.constant 0 : i32
      %dma_wait3A_77 = tpu.memref_slice %arg2[%dma_wait3A_75, %dma_wait3A_76] : memref<10240x128xf32, #tpu.memory_space<hbm>> -> memref<10240x128xf32, #tpu.memory_space<hbm>>
      tpu.wait_indirect_dma semaphore(%arg11 : memref<!tpu.dma_semaphore, #tpu.memory_space<semaphore_mem>>) src(%dma_wait3A_77 : memref<10240x128xf32, #tpu.memory_space<hbm>>) dst(%dma_wait3A_71 : memref<128x128xf32, #tpu.memory_space<vmem>>)
      %add3A_78 = arith.constant 1 : i32
      %add3A_79 = arith.addi %add3A_45, %add3A_78 : i32
      %lt3A = arith.constant 40 : i32
      %lt3A_80 = arith.cmpi slt, %add3A_79, %lt3A : i32
      %convert_element_type3A_81 = arith.extui %lt3A_80 : i1 to i32
      %cond3A_82 = arith.constant 0 : i32
      %cond3A_83 = arith.cmpi ne, %convert_element_type3A_81, %cond3A_82 : i32
      scf.if %cond3A_83 {
        %add3A_85 = arith.constant 1 : i32
        %add3A_86 = arith.addi %add3A_45, %add3A_85 : i32
        %dma_start3A_87 = arith.constant 0 : i32
        %dma_start3A_88 = arith.constant 0 : i32
        %dma_start3A_89 = arith.constant 0 : i32
        %dma_start3A_90 = tpu.memref_slice %arg8[%dma_start3A_87, %dma_start3A_88, %dma_start3A_89] : memref<2x128x128xf32, #tpu.memory_space<vmem>> -> memref<1x128x128xf32, #tpu.memory_space<vmem>>
        %dma_start3A_91 = tpu.memref_squeeze %dma_start3A_90 : memref<1x128x128xf32, #tpu.memory_space<vmem>> -> memref<128x128xf32, #tpu.memory_space<vmem>>
        %dma_start3A_92 = arith.constant 0 : i32
        %dma_start3A_93 = tpu.memref_slice %arg6[%add3A_86, %dma_start3A_92] : memref<40x128xi32, #tpu.memory_space<vmem>> -> memref<1x128xi32, #tpu.memory_space<vmem>>
        %dma_start3A_94 = tpu.memref_squeeze %dma_start3A_93 : memref<1x128xi32, #tpu.memory_space<vmem>> -> memref<128xi32, #tpu.memory_space<vmem>>
        %dma_start3A_95 = arith.constant 0 : i32
        %dma_start3A_96 = arith.constant 0 : i32
        %dma_start3A_97 = tpu.memref_slice %arg2[%dma_start3A_95, %dma_start3A_96] : memref<10240x128xf32, #tpu.memory_space<hbm>> -> memref<10240x128xf32, #tpu.memory_space<hbm>>
        tpu.enqueue_indirect_dma source(%dma_start3A_97 : memref<10240x128xf32, #tpu.memory_space<hbm>>) target(%dma_start3A_91 : memref<128x128xf32, #tpu.memory_space<vmem>>) offsets(%dma_start3A_94 : memref<128xi32, #tpu.memory_space<vmem>>) semaphore(%arg10 : memref<!tpu.dma_semaphore, #tpu.memory_space<semaphore_mem>>)
      } else {
      }
      %run_scoped3A_84 = arith.constant 1 : i32
      "tpu.region"() ({
        %run_scoped3A_85 = tpu.sem_alloc : memref<!tpu.dma_semaphore, #tpu.memory_space<semaphore_mem>>
        %dma_start3A_86 = arith.constant 0 : i32
        %dma_start3A_87 = arith.constant 0 : i32
        %dma_start3A_88 = tpu.memref_slice %arg8[%run_scoped3A_84, %dma_start3A_86, %dma_start3A_87] : memref<2x128x128xf32, #tpu.memory_space<vmem>> -> memref<1x128x128xf32, #tpu.memory_space<vmem>>
        %dma_start3A_89 = tpu.memref_squeeze %dma_start3A_88 : memref<1x128x128xf32, #tpu.memory_space<vmem>> -> memref<128x128xf32, #tpu.memory_space<vmem>>
        %dma_start3A_90 = arith.constant 0 : i32
        %dma_start3A_91 = tpu.memref_slice %arg7[%add3A_45, %dma_start3A_90] : memref<40x128xi32, #tpu.memory_space<vmem>> -> memref<1x128xi32, #tpu.memory_space<vmem>>
        %dma_start3A_92 = tpu.memref_squeeze %dma_start3A_91 : memref<1x128xi32, #tpu.memory_space<vmem>> -> memref<128xi32, #tpu.memory_space<vmem>>
        %dma_start3A_93 = arith.constant 0 : i32
        %dma_start3A_94 = arith.constant 0 : i32
        %dma_start3A_95 = tpu.memref_slice %arg9[%dma_start3A_93, %dma_start3A_94] : memref<10240x128xf32, #tpu.memory_space<vmem_shared>> -> memref<10240x128xf32, #tpu.memory_space<vmem_shared>>
        tpu.enqueue_indirect_dma source(%dma_start3A_89 : memref<128x128xf32, #tpu.memory_space<vmem>>) target(%dma_start3A_95 : memref<10240x128xf32, #tpu.memory_space<vmem_shared>>) offsets(%dma_start3A_92 : memref<128xi32, #tpu.memory_space<vmem>>) semaphore(%run_scoped3A_85 : memref<!tpu.dma_semaphore, #tpu.memory_space<semaphore_mem>>) {add = true}
        %dma_wait3A_96 = arith.constant 0 : i32
        %dma_wait3A_97 = arith.constant 0 : i32
        %dma_wait3A_98 = tpu.memref_slice %arg8[%run_scoped3A_84, %dma_wait3A_96, %dma_wait3A_97] : memref<2x128x128xf32, #tpu.memory_space<vmem>> -> memref<1x128x128xf32, #tpu.memory_space<vmem>>
        %dma_wait3A_99 = tpu.memref_squeeze %dma_wait3A_98 : memref<1x128x128xf32, #tpu.memory_space<vmem>> -> memref<128x128xf32, #tpu.memory_space<vmem>>
        %dma_wait3A_100 = arith.constant 0 : i32
        %dma_wait3A_101 = tpu.memref_slice %arg7[%add3A_45, %dma_wait3A_100] : memref<40x128xi32, #tpu.memory_space<vmem>> -> memref<1x128xi32, #tpu.memory_space<vmem>>
        %dma_wait3A_102 = tpu.memref_squeeze %dma_wait3A_101 : memref<1x128xi32, #tpu.memory_space<vmem>> -> memref<128xi32, #tpu.memory_space<vmem>>
        %dma_wait3A_103 = arith.constant 0 : i32
        %dma_wait3A_104 = arith.constant 0 : i32
        %dma_wait3A_105 = tpu.memref_slice %arg9[%dma_wait3A_103, %dma_wait3A_104] : memref<10240x128xf32, #tpu.memory_space<vmem_shared>> -> memref<10240x128xf32, #tpu.memory_space<vmem_shared>>
        tpu.wait_indirect_dma semaphore(%run_scoped3A_85 : memref<!tpu.dma_semaphore, #tpu.memory_space<semaphore_mem>>) src(%dma_wait3A_99 : memref<128x128xf32, #tpu.memory_space<vmem>>) dst(%dma_wait3A_105 : memref<10240x128xf32, #tpu.memory_space<vmem_shared>>)
        tpu.yield
      }) : () -> ()
    }
    %scan3A_22 = arith.constant 20 : i32
    "tpu.region"() ({
      %run_scoped3A = tpu.sem_alloc : memref<!tpu.dma_semaphore, #tpu.memory_space<semaphore_mem>>
      %dma_start3A_42 = arith.constant 40 : i32
      %dma_start3A_43 = arith.constant 0 : i32
      %dma_start3A_44 = tpu.memref_slice %arg3[%arg0, %arg1, %dma_start3A_42, %dma_start3A_43] : memref<2x16x80x128xi32, #tpu.memory_space<hbm>> -> memref<1x1x40x128xi32, #tpu.memory_space<hbm>>
      %dma_start3A_45 = tpu.memref_squeeze %dma_start3A_44 : memref<1x1x40x128xi32, #tpu.memory_space<hbm>> -> memref<40x128xi32, #tpu.memory_space<hbm>>
      %dma_start3A_46 = arith.constant 40 : i32
      %dma_start3A_47 = arith.constant 0 : i32
      %dma_start3A_48 = tpu.memref_slice %arg3[%arg0, %arg1, %dma_start3A_46, %dma_start3A_47] : memref<2x16x80x128xi32, #tpu.memory_space<hbm>> -> memref<1x1x40x128xi32, #tpu.memory_space<hbm>>
      %dma_start3A_49 = tpu.memref_squeeze %dma_start3A_48 : memref<1x1x40x128xi32, #tpu.memory_space<hbm>> -> memref<40x128xi32, #tpu.memory_space<hbm>>
      tpu.enqueue_dma source(%dma_start3A_49 : memref<40x128xi32, #tpu.memory_space<hbm>>) target(%arg6 : memref<40x128xi32, #tpu.memory_space<vmem>>) target_semaphore(%run_scoped3A : memref<!tpu.dma_semaphore, #tpu.memory_space<semaphore_mem>>)
      %dma_wait3A = arith.constant 40 : i32
      %dma_wait3A_50 = arith.constant 0 : i32
      %dma_wait3A_51 = tpu.memref_slice %arg3[%arg0, %arg1, %dma_wait3A, %dma_wait3A_50] : memref<2x16x80x128xi32, #tpu.memory_space<hbm>> -> memref<1x1x40x128xi32, #tpu.memory_space<hbm>>
      %dma_wait3A_52 = tpu.memref_squeeze %dma_wait3A_51 : memref<1x1x40x128xi32, #tpu.memory_space<hbm>> -> memref<40x128xi32, #tpu.memory_space<hbm>>
      %dma_wait3A_53 = arith.constant 40 : i32
      %dma_wait3A_54 = arith.constant 0 : i32
      %dma_wait3A_55 = tpu.memref_slice %arg3[%arg0, %arg1, %dma_wait3A_53, %dma_wait3A_54] : memref<2x16x80x128xi32, #tpu.memory_space<hbm>> -> memref<1x1x40x128xi32, #tpu.memory_space<hbm>>
      %dma_wait3A_56 = tpu.memref_squeeze %dma_wait3A_55 : memref<1x1x40x128xi32, #tpu.memory_space<hbm>> -> memref<40x128xi32, #tpu.memory_space<hbm>>
      tpu.wait_dma2 semaphore(%run_scoped3A : memref<!tpu.dma_semaphore, #tpu.memory_space<semaphore_mem>>) src(%dma_wait3A_56 : memref<40x128xi32, #tpu.memory_space<hbm>>) dst(%arg6 : memref<40x128xi32, #tpu.memory_space<vmem>>)
      tpu.yield
    }) : () -> ()
    "tpu.region"() ({
      %run_scoped3A = tpu.sem_alloc : memref<!tpu.dma_semaphore, #tpu.memory_space<semaphore_mem>>
      %dma_start3A_42 = arith.constant 40 : i32
      %dma_start3A_43 = arith.constant 0 : i32
      %dma_start3A_44 = tpu.memref_slice %arg4[%arg0, %arg1, %dma_start3A_42, %dma_start3A_43] : memref<2x16x80x128xi32, #tpu.memory_space<hbm>> -> memref<1x1x40x128xi32, #tpu.memory_space<hbm>>
      %dma_start3A_45 = tpu.memref_squeeze %dma_start3A_44 : memref<1x1x40x128xi32, #tpu.memory_space<hbm>> -> memref<40x128xi32, #tpu.memory_space<hbm>>
      %dma_start3A_46 = arith.constant 40 : i32
      %dma_start3A_47 = arith.constant 0 : i32
      %dma_start3A_48 = tpu.memref_slice %arg4[%arg0, %arg1, %dma_start3A_46, %dma_start3A_47] : memref<2x16x80x128xi32, #tpu.memory_space<hbm>> -> memref<1x1x40x128xi32, #tpu.memory_space<hbm>>
      %dma_start3A_49 = tpu.memref_squeeze %dma_start3A_48 : memref<1x1x40x128xi32, #tpu.memory_space<hbm>> -> memref<40x128xi32, #tpu.memory_space<hbm>>
      tpu.enqueue_dma source(%dma_start3A_49 : memref<40x128xi32, #tpu.memory_space<hbm>>) target(%arg7 : memref<40x128xi32, #tpu.memory_space<vmem>>) target_semaphore(%run_scoped3A : memref<!tpu.dma_semaphore, #tpu.memory_space<semaphore_mem>>)
      %dma_wait3A = arith.constant 40 : i32
      %dma_wait3A_50 = arith.constant 0 : i32
      %dma_wait3A_51 = tpu.memref_slice %arg4[%arg0, %arg1, %dma_wait3A, %dma_wait3A_50] : memref<2x16x80x128xi32, #tpu.memory_space<hbm>> -> memref<1x1x40x128xi32, #tpu.memory_space<hbm>>
      %dma_wait3A_52 = tpu.memref_squeeze %dma_wait3A_51 : memref<1x1x40x128xi32, #tpu.memory_space<hbm>> -> memref<40x128xi32, #tpu.memory_space<hbm>>
      %dma_wait3A_53 = arith.constant 40 : i32
      %dma_wait3A_54 = arith.constant 0 : i32
      %dma_wait3A_55 = tpu.memref_slice %arg4[%arg0, %arg1, %dma_wait3A_53, %dma_wait3A_54] : memref<2x16x80x128xi32, #tpu.memory_space<hbm>> -> memref<1x1x40x128xi32, #tpu.memory_space<hbm>>
      %dma_wait3A_56 = tpu.memref_squeeze %dma_wait3A_55 : memref<1x1x40x128xi32, #tpu.memory_space<hbm>> -> memref<40x128xi32, #tpu.memory_space<hbm>>
      tpu.wait_dma2 semaphore(%run_scoped3A : memref<!tpu.dma_semaphore, #tpu.memory_space<semaphore_mem>>) src(%dma_wait3A_56 : memref<40x128xi32, #tpu.memory_space<hbm>>) dst(%arg7 : memref<40x128xi32, #tpu.memory_space<vmem>>)
      tpu.yield
    }) : () -> ()
    %dma_start3A_23 = arith.constant 0 : i32
    %dma_start3A_24 = arith.constant 0 : i32
    %dma_start3A_25 = arith.constant 0 : i32
    %dma_start3A_26 = arith.constant 0 : i32
    %dma_start3A_27 = tpu.memref_slice %arg8[%dma_start3A_24, %dma_start3A_25, %dma_start3A_26] : memref<2x128x128xf32, #tpu.memory_space<vmem>> -> memref<1x128x128xf32, #tpu.memory_space<vmem>>
    %dma_start3A_28 = tpu.memref_squeeze %dma_start3A_27 : memref<1x128x128xf32, #tpu.memory_space<vmem>> -> memref<128x128xf32, #tpu.memory_space<vmem>>
    %dma_start3A_29 = arith.constant 0 : i32
    %dma_start3A_30 = tpu.memref_slice %arg6[%dma_start3A_23, %dma_start3A_29] : memref<40x128xi32, #tpu.memory_space<vmem>> -> memref<1x128xi32, #tpu.memory_space<vmem>>
    %dma_start3A_31 = tpu.memref_squeeze %dma_start3A_30 : memref<1x128xi32, #tpu.memory_space<vmem>> -> memref<128xi32, #tpu.memory_space<vmem>>
    %dma_start3A_32 = arith.constant 0 : i32
    %dma_start3A_33 = arith.constant 0 : i32
    %dma_start3A_34 = tpu.memref_slice %arg2[%dma_start3A_32, %dma_start3A_33] : memref<10240x128xf32, #tpu.memory_space<hbm>> -> memref<10240x128xf32, #tpu.memory_space<hbm>>
    tpu.enqueue_indirect_dma source(%dma_start3A_34 : memref<10240x128xf32, #tpu.memory_space<hbm>>) target(%dma_start3A_28 : memref<128x128xf32, #tpu.memory_space<vmem>>) offsets(%dma_start3A_31 : memref<128xi32, #tpu.memory_space<vmem>>) semaphore(%arg10 : memref<!tpu.dma_semaphore, #tpu.memory_space<semaphore_mem>>)
    %scan3A_35 = arith.constant 0 : i32
    %scan3A_36 = arith.constant 0 : i32
    %scan3A_37 = arith.constant 20 : i32
    %scan3A_38 = arith.addi %scan3A_36, %scan3A_37 : i32
    %scan3A_39 = arith.constant 1 : i32
    scf.for %scan3A_42 = %scan3A_36 to %scan3A_38 step %scan3A_39  : i32 {
      %mul3A_43 = arith.constant 2 : i32
      %mul3A_44 = arith.muli %mul3A_43, %scan3A_42 : i32
      %add3A = arith.constant 1 : i32
      %add3A_45 = arith.addi %mul3A_44, %add3A : i32
      %dma_wait3A = arith.constant 0 : i32
      %dma_wait3A_46 = arith.constant 0 : i32
      %dma_wait3A_47 = arith.constant 0 : i32
      %dma_wait3A_48 = tpu.memref_slice %arg8[%dma_wait3A, %dma_wait3A_46, %dma_wait3A_47] : memref<2x128x128xf32, #tpu.memory_space<vmem>> -> memref<1x128x128xf32, #tpu.memory_space<vmem>>
      %dma_wait3A_49 = tpu.memref_squeeze %dma_wait3A_48 : memref<1x128x128xf32, #tpu.memory_space<vmem>> -> memref<128x128xf32, #tpu.memory_space<vmem>>
      %dma_wait3A_50 = arith.constant 0 : i32
      %dma_wait3A_51 = tpu.memref_slice %arg6[%mul3A_44, %dma_wait3A_50] : memref<40x128xi32, #tpu.memory_space<vmem>> -> memref<1x128xi32, #tpu.memory_space<vmem>>
      %dma_wait3A_52 = tpu.memref_squeeze %dma_wait3A_51 : memref<1x128xi32, #tpu.memory_space<vmem>> -> memref<128xi32, #tpu.memory_space<vmem>>
      %dma_wait3A_53 = arith.constant 0 : i32
      %dma_wait3A_54 = arith.constant 0 : i32
      %dma_wait3A_55 = tpu.memref_slice %arg2[%dma_wait3A_53, %dma_wait3A_54] : memref<10240x128xf32, #tpu.memory_space<hbm>> -> memref<10240x128xf32, #tpu.memory_space<hbm>>
      tpu.wait_indirect_dma semaphore(%arg10 : memref<!tpu.dma_semaphore, #tpu.memory_space<semaphore_mem>>) src(%dma_wait3A_55 : memref<10240x128xf32, #tpu.memory_space<hbm>>) dst(%dma_wait3A_49 : memref<128x128xf32, #tpu.memory_space<vmem>>)
      %dma_start3A_56 = arith.constant 1 : i32
      %dma_start3A_57 = arith.constant 0 : i32
      %dma_start3A_58 = arith.constant 0 : i32
      %dma_start3A_59 = tpu.memref_slice %arg8[%dma_start3A_56, %dma_start3A_57, %dma_start3A_58] : memref<2x128x128xf32, #tpu.memory_space<vmem>> -> memref<1x128x128xf32, #tpu.memory_space<vmem>>
      %dma_start3A_60 = tpu.memref_squeeze %dma_start3A_59 : memref<1x128x128xf32, #tpu.memory_space<vmem>> -> memref<128x128xf32, #tpu.memory_space<vmem>>
      %dma_start3A_61 = arith.constant 0 : i32
      %dma_start3A_62 = tpu.memref_slice %arg6[%add3A_45, %dma_start3A_61] : memref<40x128xi32, #tpu.memory_space<vmem>> -> memref<1x128xi32, #tpu.memory_space<vmem>>
      %dma_start3A_63 = tpu.memref_squeeze %dma_start3A_62 : memref<1x128xi32, #tpu.memory_space<vmem>> -> memref<128xi32, #tpu.memory_space<vmem>>
      %dma_start3A_64 = arith.constant 0 : i32
      %dma_start3A_65 = arith.constant 0 : i32
      %dma_start3A_66 = tpu.memref_slice %arg2[%dma_start3A_64, %dma_start3A_65] : memref<10240x128xf32, #tpu.memory_space<hbm>> -> memref<10240x128xf32, #tpu.memory_space<hbm>>
      tpu.enqueue_indirect_dma source(%dma_start3A_66 : memref<10240x128xf32, #tpu.memory_space<hbm>>) target(%dma_start3A_60 : memref<128x128xf32, #tpu.memory_space<vmem>>) offsets(%dma_start3A_63 : memref<128xi32, #tpu.memory_space<vmem>>) semaphore(%arg11 : memref<!tpu.dma_semaphore, #tpu.memory_space<semaphore_mem>>)
      %run_scoped3A = arith.constant 0 : i32
      "tpu.region"() ({
        %run_scoped3A_85 = tpu.sem_alloc : memref<!tpu.dma_semaphore, #tpu.memory_space<semaphore_mem>>
        %dma_start3A_86 = arith.constant 0 : i32
        %dma_start3A_87 = arith.constant 0 : i32
        %dma_start3A_88 = tpu.memref_slice %arg8[%run_scoped3A, %dma_start3A_86, %dma_start3A_87] : memref<2x128x128xf32, #tpu.memory_space<vmem>> -> memref<1x128x128xf32, #tpu.memory_space<vmem>>
        %dma_start3A_89 = tpu.memref_squeeze %dma_start3A_88 : memref<1x128x128xf32, #tpu.memory_space<vmem>> -> memref<128x128xf32, #tpu.memory_space<vmem>>
        %dma_start3A_90 = arith.constant 0 : i32
        %dma_start3A_91 = tpu.memref_slice %arg7[%mul3A_44, %dma_start3A_90] : memref<40x128xi32, #tpu.memory_space<vmem>> -> memref<1x128xi32, #tpu.memory_space<vmem>>
        %dma_start3A_92 = tpu.memref_squeeze %dma_start3A_91 : memref<1x128xi32, #tpu.memory_space<vmem>> -> memref<128xi32, #tpu.memory_space<vmem>>
        %dma_start3A_93 = arith.constant 0 : i32
        %dma_start3A_94 = arith.constant 0 : i32
        %dma_start3A_95 = tpu.memref_slice %arg9[%dma_start3A_93, %dma_start3A_94] : memref<10240x128xf32, #tpu.memory_space<vmem_shared>> -> memref<10240x128xf32, #tpu.memory_space<vmem_shared>>
        tpu.enqueue_indirect_dma source(%dma_start3A_89 : memref<128x128xf32, #tpu.memory_space<vmem>>) target(%dma_start3A_95 : memref<10240x128xf32, #tpu.memory_space<vmem_shared>>) offsets(%dma_start3A_92 : memref<128xi32, #tpu.memory_space<vmem>>) semaphore(%run_scoped3A_85 : memref<!tpu.dma_semaphore, #tpu.memory_space<semaphore_mem>>) {add = true}
        %dma_wait3A_96 = arith.constant 0 : i32
        %dma_wait3A_97 = arith.constant 0 : i32
        %dma_wait3A_98 = tpu.memref_slice %arg8[%run_scoped3A, %dma_wait3A_96, %dma_wait3A_97] : memref<2x128x128xf32, #tpu.memory_space<vmem>> -> memref<1x128x128xf32, #tpu.memory_space<vmem>>
        %dma_wait3A_99 = tpu.memref_squeeze %dma_wait3A_98 : memref<1x128x128xf32, #tpu.memory_space<vmem>> -> memref<128x128xf32, #tpu.memory_space<vmem>>
        %dma_wait3A_100 = arith.constant 0 : i32
        %dma_wait3A_101 = tpu.memref_slice %arg7[%mul3A_44, %dma_wait3A_100] : memref<40x128xi32, #tpu.memory_space<vmem>> -> memref<1x128xi32, #tpu.memory_space<vmem>>
        %dma_wait3A_102 = tpu.memref_squeeze %dma_wait3A_101 : memref<1x128xi32, #tpu.memory_space<vmem>> -> memref<128xi32, #tpu.memory_space<vmem>>
        %dma_wait3A_103 = arith.constant 0 : i32
        %dma_wait3A_104 = arith.constant 0 : i32
        %dma_wait3A_105 = tpu.memref_slice %arg9[%dma_wait3A_103, %dma_wait3A_104] : memref<10240x128xf32, #tpu.memory_space<vmem_shared>> -> memref<10240x128xf32, #tpu.memory_space<vmem_shared>>
        tpu.wait_indirect_dma semaphore(%run_scoped3A_85 : memref<!tpu.dma_semaphore, #tpu.memory_space<semaphore_mem>>) src(%dma_wait3A_99 : memref<128x128xf32, #tpu.memory_space<vmem>>) dst(%dma_wait3A_105 : memref<10240x128xf32, #tpu.memory_space<vmem_shared>>)
        tpu.yield
      }) : () -> ()
      %dma_wait3A_67 = arith.constant 1 : i32
      %dma_wait3A_68 = arith.constant 0 : i32
      %dma_wait3A_69 = arith.constant 0 : i32
      %dma_wait3A_70 = tpu.memref_slice %arg8[%dma_wait3A_67, %dma_wait3A_68, %dma_wait3A_69] : memref<2x128x128xf32, #tpu.memory_space<vmem>> -> memref<1x128x128xf32, #tpu.memory_space<vmem>>
      %dma_wait3A_71 = tpu.memref_squeeze %dma_wait3A_70 : memref<1x128x128xf32, #tpu.memory_space<vmem>> -> memref<128x128xf32, #tpu.memory_space<vmem>>
      %dma_wait3A_72 = arith.constant 0 : i32
      %dma_wait3A_73 = tpu.memref_slice %arg6[%add3A_45, %dma_wait3A_72] : memref<40x128xi32, #tpu.memory_space<vmem>> -> memref<1x128xi32, #tpu.memory_space<vmem>>
      %dma_wait3A_74 = tpu.memref_squeeze %dma_wait3A_73 : memref<1x128xi32, #tpu.memory_space<vmem>> -> memref<128xi32, #tpu.memory_space<vmem>>
      %dma_wait3A_75 = arith.constant 0 : i32
      %dma_wait3A_76 = arith.constant 0 : i32
      %dma_wait3A_77 = tpu.memref_slice %arg2[%dma_wait3A_75, %dma_wait3A_76] : memref<10240x128xf32, #tpu.memory_space<hbm>> -> memref<10240x128xf32, #tpu.memory_space<hbm>>
      tpu.wait_indirect_dma semaphore(%arg11 : memref<!tpu.dma_semaphore, #tpu.memory_space<semaphore_mem>>) src(%dma_wait3A_77 : memref<10240x128xf32, #tpu.memory_space<hbm>>) dst(%dma_wait3A_71 : memref<128x128xf32, #tpu.memory_space<vmem>>)
      %add3A_78 = arith.constant 1 : i32
      %add3A_79 = arith.addi %add3A_45, %add3A_78 : i32
      %lt3A = arith.constant 40 : i32
      %lt3A_80 = arith.cmpi slt, %add3A_79, %lt3A : i32
      %convert_element_type3A_81 = arith.extui %lt3A_80 : i1 to i32
      %cond3A_82 = arith.constant 0 : i32
      %cond3A_83 = arith.cmpi ne, %convert_element_type3A_81, %cond3A_82 : i32
      scf.if %cond3A_83 {
        %add3A_85 = arith.constant 1 : i32
        %add3A_86 = arith.addi %add3A_45, %add3A_85 : i32
        %dma_start3A_87 = arith.constant 0 : i32
        %dma_start3A_88 = arith.constant 0 : i32
        %dma_start3A_89 = arith.constant 0 : i32
        %dma_start3A_90 = tpu.memref_slice %arg8[%dma_start3A_87, %dma_start3A_88, %dma_start3A_89] : memref<2x128x128xf32, #tpu.memory_space<vmem>> -> memref<1x128x128xf32, #tpu.memory_space<vmem>>
        %dma_start3A_91 = tpu.memref_squeeze %dma_start3A_90 : memref<1x128x128xf32, #tpu.memory_space<vmem>> -> memref<128x128xf32, #tpu.memory_space<vmem>>
        %dma_start3A_92 = arith.constant 0 : i32
        %dma_start3A_93 = tpu.memref_slice %arg6[%add3A_86, %dma_start3A_92] : memref<40x128xi32, #tpu.memory_space<vmem>> -> memref<1x128xi32, #tpu.memory_space<vmem>>
        %dma_start3A_94 = tpu.memref_squeeze %dma_start3A_93 : memref<1x128xi32, #tpu.memory_space<vmem>> -> memref<128xi32, #tpu.memory_space<vmem>>
        %dma_start3A_95 = arith.constant 0 : i32
        %dma_start3A_96 = arith.constant 0 : i32
        %dma_start3A_97 = tpu.memref_slice %arg2[%dma_start3A_95, %dma_start3A_96] : memref<10240x128xf32, #tpu.memory_space<hbm>> -> memref<10240x128xf32, #tpu.memory_space<hbm>>
        tpu.enqueue_indirect_dma source(%dma_start3A_97 : memref<10240x128xf32, #tpu.memory_space<hbm>>) target(%dma_start3A_91 : memref<128x128xf32, #tpu.memory_space<vmem>>) offsets(%dma_start3A_94 : memref<128xi32, #tpu.memory_space<vmem>>) semaphore(%arg10 : memref<!tpu.dma_semaphore, #tpu.memory_space<semaphore_mem>>)
      } else {
      }
      %run_scoped3A_84 = arith.constant 1 : i32
      "tpu.region"() ({
        %run_scoped3A_85 = tpu.sem_alloc : memref<!tpu.dma_semaphore, #tpu.memory_space<semaphore_mem>>
        %dma_start3A_86 = arith.constant 0 : i32
        %dma_start3A_87 = arith.constant 0 : i32
        %dma_start3A_88 = tpu.memref_slice %arg8[%run_scoped3A_84, %dma_start3A_86, %dma_start3A_87] : memref<2x128x128xf32, #tpu.memory_space<vmem>> -> memref<1x128x128xf32, #tpu.memory_space<vmem>>
        %dma_start3A_89 = tpu.memref_squeeze %dma_start3A_88 : memref<1x128x128xf32, #tpu.memory_space<vmem>> -> memref<128x128xf32, #tpu.memory_space<vmem>>
        %dma_start3A_90 = arith.constant 0 : i32
        %dma_start3A_91 = tpu.memref_slice %arg7[%add3A_45, %dma_start3A_90] : memref<40x128xi32, #tpu.memory_space<vmem>> -> memref<1x128xi32, #tpu.memory_space<vmem>>
        %dma_start3A_92 = tpu.memref_squeeze %dma_start3A_91 : memref<1x128xi32, #tpu.memory_space<vmem>> -> memref<128xi32, #tpu.memory_space<vmem>>
        %dma_start3A_93 = arith.constant 0 : i32
        %dma_start3A_94 = arith.constant 0 : i32
        %dma_start3A_95 = tpu.memref_slice %arg9[%dma_start3A_93, %dma_start3A_94] : memref<10240x128xf32, #tpu.memory_space<vmem_shared>> -> memref<10240x128xf32, #tpu.memory_space<vmem_shared>>
        tpu.enqueue_indirect_dma source(%dma_start3A_89 : memref<128x128xf32, #tpu.memory_space<vmem>>) target(%dma_start3A_95 : memref<10240x128xf32, #tpu.memory_space<vmem_shared>>) offsets(%dma_start3A_92 : memref<128xi32, #tpu.memory_space<vmem>>) semaphore(%run_scoped3A_85 : memref<!tpu.dma_semaphore, #tpu.memory_space<semaphore_mem>>) {add = true}
        %dma_wait3A_96 = arith.constant 0 : i32
        %dma_wait3A_97 = arith.constant 0 : i32
        %dma_wait3A_98 = tpu.memref_slice %arg8[%run_scoped3A_84, %dma_wait3A_96, %dma_wait3A_97] : memref<2x128x128xf32, #tpu.memory_space<vmem>> -> memref<1x128x128xf32, #tpu.memory_space<vmem>>
        %dma_wait3A_99 = tpu.memref_squeeze %dma_wait3A_98 : memref<1x128x128xf32, #tpu.memory_space<vmem>> -> memref<128x128xf32, #tpu.memory_space<vmem>>
        %dma_wait3A_100 = arith.constant 0 : i32
        %dma_wait3A_101 = tpu.memref_slice %arg7[%add3A_45, %dma_wait3A_100] : memref<40x128xi32, #tpu.memory_space<vmem>> -> memref<1x128xi32, #tpu.memory_space<vmem>>
        %dma_wait3A_102 = tpu.memref_squeeze %dma_wait3A_101 : memref<1x128xi32, #tpu.memory_space<vmem>> -> memref<128xi32, #tpu.memory_space<vmem>>
        %dma_wait3A_103 = arith.constant 0 : i32
        %dma_wait3A_104 = arith.constant 0 : i32
        %dma_wait3A_105 = tpu.memref_slice %arg9[%dma_wait3A_103, %dma_wait3A_104] : memref<10240x128xf32, #tpu.memory_space<vmem_shared>> -> memref<10240x128xf32, #tpu.memory_space<vmem_shared>>
        tpu.wait_indirect_dma semaphore(%run_scoped3A_85 : memref<!tpu.dma_semaphore, #tpu.memory_space<semaphore_mem>>) src(%dma_wait3A_99 : memref<128x128xf32, #tpu.memory_space<vmem>>) dst(%dma_wait3A_105 : memref<10240x128xf32, #tpu.memory_space<vmem_shared>>)
        tpu.yield
      }) : () -> ()
    }
    %scan3A_40 = arith.constant 20 : i32
    %barrier3A_41 = arith.constant 0 : index
    tpu.barrier barrier_id(%barrier3A_41)
    "tpu.region"() ({
      %run_scoped3A = tpu.sem_alloc : memref<!tpu.dma_semaphore, #tpu.memory_space<semaphore_mem>>
      %dma_start3A_42 = arith.constant 0 : i32
      %dma_start3A_43 = tpu.memref_slice %arg5[%arg0, %mul3A_0, %dma_start3A_42] : memref<2x10240x128xf32, #tpu.memory_space<hbm>> -> memref<1x640x128xf32, #tpu.memory_space<hbm>>
      %dma_start3A_44 = tpu.memref_squeeze %dma_start3A_43 : memref<1x640x128xf32, #tpu.memory_space<hbm>> -> memref<640x128xf32, #tpu.memory_space<hbm>>
      %dma_start3A_45 = arith.constant 0 : i32
      %dma_start3A_46 = tpu.memref_slice %arg9[%mul3A_0, %dma_start3A_45] : memref<10240x128xf32, #tpu.memory_space<vmem_shared>> -> memref<640x128xf32, #tpu.memory_space<vmem_shared>>
      tpu.enqueue_dma source(%dma_start3A_46 : memref<640x128xf32, #tpu.memory_space<vmem_shared>>) target(%dma_start3A_44 : memref<640x128xf32, #tpu.memory_space<hbm>>) target_semaphore(%run_scoped3A : memref<!tpu.dma_semaphore, #tpu.memory_space<semaphore_mem>>)
      %dma_wait3A = arith.constant 0 : i32
      %dma_wait3A_47 = tpu.memref_slice %arg5[%arg0, %mul3A_0, %dma_wait3A] : memref<2x10240x128xf32, #tpu.memory_space<hbm>> -> memref<1x640x128xf32, #tpu.memory_space<hbm>>
      %dma_wait3A_48 = tpu.memref_squeeze %dma_wait3A_47 : memref<1x640x128xf32, #tpu.memory_space<hbm>> -> memref<640x128xf32, #tpu.memory_space<hbm>>
      %dma_wait3A_49 = arith.constant 0 : i32
      %dma_wait3A_50 = tpu.memref_slice %arg9[%mul3A_0, %dma_wait3A_49] : memref<10240x128xf32, #tpu.memory_space<vmem_shared>> -> memref<640x128xf32, #tpu.memory_space<vmem_shared>>
      tpu.wait_dma2 semaphore(%run_scoped3A : memref<!tpu.dma_semaphore, #tpu.memory_space<semaphore_mem>>) src(%dma_wait3A_50 : memref<640x128xf32, #tpu.memory_space<vmem_shared>>) dst(%dma_wait3A_48 : memref<640x128xf32, #tpu.memory_space<hbm>>)
      tpu.yield
    }) : () -> ()
    return
  }
}

#map = affine_map<(d0, d1) -> (0, 0, 0, 0)>
#map1 = affine_map<(d0, d1) -> (0, 0, 0)>
module attributes {stable_mosaic.version = 14 : i64} {
  func.func @deg_kernel(%arg0: i32, %arg1: i32, %arg2: memref<2x16x80x128xi32, #tpu.memory_space<hbm>>, %arg3: memref<32x80x128xf32, #tpu.memory_space<hbm>>, %arg4: memref<80x128xi32, #tpu.memory_space<vmem>>, %arg5: memref<80x128xf32, #tpu.memory_space<vmem>>) attributes {dimension_semantics = [#tpu.dimension_semantics<core_parallel>, #tpu.dimension_semantics<subcore_parallel>], iteration_bounds = array<i64: 2, 16>, scalar_prefetch = 0 : i64, scratch_operands = 2 : i64, tpu.core_type = #tpu.core_type<sc_vector_subcore>, window_params = [{transform_indices = #map}, {transform_indices = #map1}]} {
    %mul3A = arith.constant 16 : i32
    %mul3A_0 = arith.muli %arg0, %mul3A : i32
    %add3A = arith.addi %mul3A_0, %arg1 : i32
    "tpu.region"() ({
      %run_scoped3A = tpu.sem_alloc : memref<!tpu.dma_semaphore, #tpu.memory_space<semaphore_mem>>
      %dma_start3A = arith.constant 0 : i32
      %dma_start3A_13 = arith.constant 0 : i32
      %dma_start3A_14 = tpu.memref_slice %arg2[%arg0, %arg1, %dma_start3A, %dma_start3A_13] : memref<2x16x80x128xi32, #tpu.memory_space<hbm>> -> memref<1x1x80x128xi32, #tpu.memory_space<hbm>>
      %dma_start3A_15 = tpu.memref_squeeze %dma_start3A_14 : memref<1x1x80x128xi32, #tpu.memory_space<hbm>> -> memref<80x128xi32, #tpu.memory_space<hbm>>
      %dma_start3A_16 = arith.constant 0 : i32
      %dma_start3A_17 = arith.constant 0 : i32
      %dma_start3A_18 = tpu.memref_slice %arg2[%arg0, %arg1, %dma_start3A_16, %dma_start3A_17] : memref<2x16x80x128xi32, #tpu.memory_space<hbm>> -> memref<1x1x80x128xi32, #tpu.memory_space<hbm>>
      %dma_start3A_19 = tpu.memref_squeeze %dma_start3A_18 : memref<1x1x80x128xi32, #tpu.memory_space<hbm>> -> memref<80x128xi32, #tpu.memory_space<hbm>>
      tpu.enqueue_dma source(%dma_start3A_19 : memref<80x128xi32, #tpu.memory_space<hbm>>) target(%arg4 : memref<80x128xi32, #tpu.memory_space<vmem>>) target_semaphore(%run_scoped3A : memref<!tpu.dma_semaphore, #tpu.memory_space<semaphore_mem>>)
      %dma_wait3A = arith.constant 0 : i32
      %dma_wait3A_20 = arith.constant 0 : i32
      %dma_wait3A_21 = tpu.memref_slice %arg2[%arg0, %arg1, %dma_wait3A, %dma_wait3A_20] : memref<2x16x80x128xi32, #tpu.memory_space<hbm>> -> memref<1x1x80x128xi32, #tpu.memory_space<hbm>>
      %dma_wait3A_22 = tpu.memref_squeeze %dma_wait3A_21 : memref<1x1x80x128xi32, #tpu.memory_space<hbm>> -> memref<80x128xi32, #tpu.memory_space<hbm>>
      %dma_wait3A_23 = arith.constant 0 : i32
      %dma_wait3A_24 = arith.constant 0 : i32
      %dma_wait3A_25 = tpu.memref_slice %arg2[%arg0, %arg1, %dma_wait3A_23, %dma_wait3A_24] : memref<2x16x80x128xi32, #tpu.memory_space<hbm>> -> memref<1x1x80x128xi32, #tpu.memory_space<hbm>>
      %dma_wait3A_26 = tpu.memref_squeeze %dma_wait3A_25 : memref<1x1x80x128xi32, #tpu.memory_space<hbm>> -> memref<80x128xi32, #tpu.memory_space<hbm>>
      tpu.wait_dma2 semaphore(%run_scoped3A : memref<!tpu.dma_semaphore, #tpu.memory_space<semaphore_mem>>) src(%dma_wait3A_26 : memref<80x128xi32, #tpu.memory_space<hbm>>) dst(%arg4 : memref<80x128xi32, #tpu.memory_space<vmem>>)
      tpu.yield
    }) : () -> ()
    %broadcast_in_dim3A = arith.constant 0.000000e+00 : f32
    %broadcast_in_dim3A_1 = vector.broadcast %broadcast_in_dim3A : f32 to vector<16xf32>
    %scan3A = arith.constant 0 : i32
    %scan3A_2 = arith.constant 0 : i32
    %scan3A_3 = arith.constant 80 : i32
    %scan3A_4 = arith.addi %scan3A_2, %scan3A_3 : i32
    %scan3A_5 = arith.constant 1 : i32
    scf.for %scan3A_13 = %scan3A_2 to %scan3A_4 step %scan3A_5  : i32 {
      %swap3A = arith.index_cast %scan3A_13 : i32 to index
      %swap3A_14 = arith.constant 0 : index
      %swap3A_15 = tpu.vector_load %arg5[%swap3A, %swap3A_14] {strides = array<i32>} : memref<80x128xf32, #tpu.memory_space<vmem>>, vector<16xf32>,
      tpu.vector_store %arg5[%swap3A, %swap3A_14], %broadcast_in_dim3A_1 {strides = array<i32>} : memref<80x128xf32, #tpu.memory_space<vmem>>, vector<16xf32>,
      %swap3A_16 = arith.index_cast %scan3A_13 : i32 to index
      %swap3A_17 = arith.constant 16 : index
      %swap3A_18 = tpu.vector_load %arg5[%swap3A_16, %swap3A_17] {strides = array<i32>} : memref<80x128xf32, #tpu.memory_space<vmem>>, vector<16xf32>,
      tpu.vector_store %arg5[%swap3A_16, %swap3A_17], %broadcast_in_dim3A_1 {strides = array<i32>} : memref<80x128xf32, #tpu.memory_space<vmem>>, vector<16xf32>,
      %swap3A_19 = arith.index_cast %scan3A_13 : i32 to index
      %swap3A_20 = arith.constant 32 : index
      %swap3A_21 = tpu.vector_load %arg5[%swap3A_19, %swap3A_20] {strides = array<i32>} : memref<80x128xf32, #tpu.memory_space<vmem>>, vector<16xf32>,
      tpu.vector_store %arg5[%swap3A_19, %swap3A_20], %broadcast_in_dim3A_1 {strides = array<i32>} : memref<80x128xf32, #tpu.memory_space<vmem>>, vector<16xf32>,
      %swap3A_22 = arith.index_cast %scan3A_13 : i32 to index
      %swap3A_23 = arith.constant 48 : index
      %swap3A_24 = tpu.vector_load %arg5[%swap3A_22, %swap3A_23] {strides = array<i32>} : memref<80x128xf32, #tpu.memory_space<vmem>>, vector<16xf32>,
      tpu.vector_store %arg5[%swap3A_22, %swap3A_23], %broadcast_in_dim3A_1 {strides = array<i32>} : memref<80x128xf32, #tpu.memory_space<vmem>>, vector<16xf32>,
      %swap3A_25 = arith.index_cast %scan3A_13 : i32 to index
      %swap3A_26 = arith.constant 64 : index
      %swap3A_27 = tpu.vector_load %arg5[%swap3A_25, %swap3A_26] {strides = array<i32>} : memref<80x128xf32, #tpu.memory_space<vmem>>, vector<16xf32>,
      tpu.vector_store %arg5[%swap3A_25, %swap3A_26], %broadcast_in_dim3A_1 {strides = array<i32>} : memref<80x128xf32, #tpu.memory_space<vmem>>, vector<16xf32>,
      %swap3A_28 = arith.index_cast %scan3A_13 : i32 to index
      %swap3A_29 = arith.constant 80 : index
      %swap3A_30 = tpu.vector_load %arg5[%swap3A_28, %swap3A_29] {strides = array<i32>} : memref<80x128xf32, #tpu.memory_space<vmem>>, vector<16xf32>,
      tpu.vector_store %arg5[%swap3A_28, %swap3A_29], %broadcast_in_dim3A_1 {strides = array<i32>} : memref<80x128xf32, #tpu.memory_space<vmem>>, vector<16xf32>,
      %swap3A_31 = arith.index_cast %scan3A_13 : i32 to index
      %swap3A_32 = arith.constant 96 : index
      %swap3A_33 = tpu.vector_load %arg5[%swap3A_31, %swap3A_32] {strides = array<i32>} : memref<80x128xf32, #tpu.memory_space<vmem>>, vector<16xf32>,
      tpu.vector_store %arg5[%swap3A_31, %swap3A_32], %broadcast_in_dim3A_1 {strides = array<i32>} : memref<80x128xf32, #tpu.memory_space<vmem>>, vector<16xf32>,
      %swap3A_34 = arith.index_cast %scan3A_13 : i32 to index
      %swap3A_35 = arith.constant 112 : index
      %swap3A_36 = tpu.vector_load %arg5[%swap3A_34, %swap3A_35] {strides = array<i32>} : memref<80x128xf32, #tpu.memory_space<vmem>>, vector<16xf32>,
      tpu.vector_store %arg5[%swap3A_34, %swap3A_35], %broadcast_in_dim3A_1 {strides = array<i32>} : memref<80x128xf32, #tpu.memory_space<vmem>>, vector<16xf32>,
    }
    %scan3A_6 = arith.constant 80 : i32
    %scan3A_7 = arith.constant 0 : i32
    %scan3A_8 = arith.constant 0 : i32
    %scan3A_9 = arith.constant 80 : i32
    %scan3A_10 = arith.addi %scan3A_8, %scan3A_9 : i32
    %scan3A_11 = arith.constant 1 : i32
    scf.for %scan3A_13 = %scan3A_8 to %scan3A_10 step %scan3A_11  : i32 {
      %get3A = arith.index_cast %scan3A_13 : i32 to index
      %get3A_14 = arith.constant 0 : index
      %get3A_15 = tpu.vector_load %arg4[%get3A, %get3A_14] {strides = array<i32>} : memref<80x128xi32, #tpu.memory_space<vmem>>, vector<16xi32>,
      %broadcast_in_dim3A_16 = arith.constant true
      %broadcast_in_dim3A_17 = vector.broadcast %broadcast_in_dim3A_16 : i1 to vector<16xi1>
      %unique3A, %unique3A_18 = tpu.scan_count mask(%broadcast_in_dim3A_17 : vector<16xi1>) value(%get3A_15 : vector<16xi32>) : vector<16xi1>, vector<16xi32>
      %shift_right_arithmetic3A = arith.constant 7 : i32
      %shift_right_arithmetic3A_19 = vector.broadcast %shift_right_arithmetic3A : i32 to vector<16xi32>
      %shift_right_arithmetic3A_20 = arith.shrsi %get3A_15, %shift_right_arithmetic3A_19 : vector<16xi32>
      %and3A = arith.constant 127 : i32
      %and3A_21 = vector.broadcast %and3A : i32 to vector<16xi32>
      %and3A_22 = arith.andi %get3A_15, %and3A_21 : vector<16xi32>
      %convert_element_type3A = arith.sitofp %unique3A_18 : vector<16xi32> to vector<16xf32>
      tpu.vector_store_idx %arg5[%shift_right_arithmetic3A_20, %and3A_22], %convert_element_type3A masked %unique3A {add = true} : memref<80x128xf32, #tpu.memory_space<vmem>>[vector<16xi32>, vector<16xi32>], vector<16xf32>, vector<16xi1>
      %get3A_23 = arith.index_cast %scan3A_13 : i32 to index
      %get3A_24 = arith.constant 16 : index
      %get3A_25 = tpu.vector_load %arg4[%get3A_23, %get3A_24] {strides = array<i32>} : memref<80x128xi32, #tpu.memory_space<vmem>>, vector<16xi32>,
      %broadcast_in_dim3A_26 = arith.constant true
      %broadcast_in_dim3A_27 = vector.broadcast %broadcast_in_dim3A_26 : i1 to vector<16xi1>
      %unique3A_28, %unique3A_29 = tpu.scan_count mask(%broadcast_in_dim3A_27 : vector<16xi1>) value(%get3A_25 : vector<16xi32>) : vector<16xi1>, vector<16xi32>
      %shift_right_arithmetic3A_30 = arith.constant 7 : i32
      %shift_right_arithmetic3A_31 = vector.broadcast %shift_right_arithmetic3A_30 : i32 to vector<16xi32>
      %shift_right_arithmetic3A_32 = arith.shrsi %get3A_25, %shift_right_arithmetic3A_31 : vector<16xi32>
      %and3A_33 = arith.constant 127 : i32
      %and3A_34 = vector.broadcast %and3A_33 : i32 to vector<16xi32>
      %and3A_35 = arith.andi %get3A_25, %and3A_34 : vector<16xi32>
      %convert_element_type3A_36 = arith.sitofp %unique3A_29 : vector<16xi32> to vector<16xf32>
      tpu.vector_store_idx %arg5[%shift_right_arithmetic3A_32, %and3A_35], %convert_element_type3A_36 masked %unique3A_28 {add = true} : memref<80x128xf32, #tpu.memory_space<vmem>>[vector<16xi32>, vector<16xi32>], vector<16xf32>, vector<16xi1>
      %get3A_37 = arith.index_cast %scan3A_13 : i32 to index
      %get3A_38 = arith.constant 32 : index
      %get3A_39 = tpu.vector_load %arg4[%get3A_37, %get3A_38] {strides = array<i32>} : memref<80x128xi32, #tpu.memory_space<vmem>>, vector<16xi32>,
      %broadcast_in_dim3A_40 = arith.constant true
      %broadcast_in_dim3A_41 = vector.broadcast %broadcast_in_dim3A_40 : i1 to vector<16xi1>
      %unique3A_42, %unique3A_43 = tpu.scan_count mask(%broadcast_in_dim3A_41 : vector<16xi1>) value(%get3A_39 : vector<16xi32>) : vector<16xi1>, vector<16xi32>
      %shift_right_arithmetic3A_44 = arith.constant 7 : i32
      %shift_right_arithmetic3A_45 = vector.broadcast %shift_right_arithmetic3A_44 : i32 to vector<16xi32>
      %shift_right_arithmetic3A_46 = arith.shrsi %get3A_39, %shift_right_arithmetic3A_45 : vector<16xi32>
      %and3A_47 = arith.constant 127 : i32
      %and3A_48 = vector.broadcast %and3A_47 : i32 to vector<16xi32>
      %and3A_49 = arith.andi %get3A_39, %and3A_48 : vector<16xi32>
      %convert_element_type3A_50 = arith.sitofp %unique3A_43 : vector<16xi32> to vector<16xf32>
      tpu.vector_store_idx %arg5[%shift_right_arithmetic3A_46, %and3A_49], %convert_element_type3A_50 masked %unique3A_42 {add = true} : memref<80x128xf32, #tpu.memory_space<vmem>>[vector<16xi32>, vector<16xi32>], vector<16xf32>, vector<16xi1>
      %get3A_51 = arith.index_cast %scan3A_13 : i32 to index
      %get3A_52 = arith.constant 48 : index
      %get3A_53 = tpu.vector_load %arg4[%get3A_51, %get3A_52] {strides = array<i32>} : memref<80x128xi32, #tpu.memory_space<vmem>>, vector<16xi32>,
      %broadcast_in_dim3A_54 = arith.constant true
      %broadcast_in_dim3A_55 = vector.broadcast %broadcast_in_dim3A_54 : i1 to vector<16xi1>
      %unique3A_56, %unique3A_57 = tpu.scan_count mask(%broadcast_in_dim3A_55 : vector<16xi1>) value(%get3A_53 : vector<16xi32>) : vector<16xi1>, vector<16xi32>
      %shift_right_arithmetic3A_58 = arith.constant 7 : i32
      %shift_right_arithmetic3A_59 = vector.broadcast %shift_right_arithmetic3A_58 : i32 to vector<16xi32>
      %shift_right_arithmetic3A_60 = arith.shrsi %get3A_53, %shift_right_arithmetic3A_59 : vector<16xi32>
      %and3A_61 = arith.constant 127 : i32
      %and3A_62 = vector.broadcast %and3A_61 : i32 to vector<16xi32>
      %and3A_63 = arith.andi %get3A_53, %and3A_62 : vector<16xi32>
      %convert_element_type3A_64 = arith.sitofp %unique3A_57 : vector<16xi32> to vector<16xf32>
      tpu.vector_store_idx %arg5[%shift_right_arithmetic3A_60, %and3A_63], %convert_element_type3A_64 masked %unique3A_56 {add = true} : memref<80x128xf32, #tpu.memory_space<vmem>>[vector<16xi32>, vector<16xi32>], vector<16xf32>, vector<16xi1>
      %get3A_65 = arith.index_cast %scan3A_13 : i32 to index
      %get3A_66 = arith.constant 64 : index
      %get3A_67 = tpu.vector_load %arg4[%get3A_65, %get3A_66] {strides = array<i32>} : memref<80x128xi32, #tpu.memory_space<vmem>>, vector<16xi32>,
      %broadcast_in_dim3A_68 = arith.constant true
      %broadcast_in_dim3A_69 = vector.broadcast %broadcast_in_dim3A_68 : i1 to vector<16xi1>
      %unique3A_70, %unique3A_71 = tpu.scan_count mask(%broadcast_in_dim3A_69 : vector<16xi1>) value(%get3A_67 : vector<16xi32>) : vector<16xi1>, vector<16xi32>
      %shift_right_arithmetic3A_72 = arith.constant 7 : i32
      %shift_right_arithmetic3A_73 = vector.broadcast %shift_right_arithmetic3A_72 : i32 to vector<16xi32>
      %shift_right_arithmetic3A_74 = arith.shrsi %get3A_67, %shift_right_arithmetic3A_73 : vector<16xi32>
      %and3A_75 = arith.constant 127 : i32
      %and3A_76 = vector.broadcast %and3A_75 : i32 to vector<16xi32>
      %and3A_77 = arith.andi %get3A_67, %and3A_76 : vector<16xi32>
      %convert_element_type3A_78 = arith.sitofp %unique3A_71 : vector<16xi32> to vector<16xf32>
      tpu.vector_store_idx %arg5[%shift_right_arithmetic3A_74, %and3A_77], %convert_element_type3A_78 masked %unique3A_70 {add = true} : memref<80x128xf32, #tpu.memory_space<vmem>>[vector<16xi32>, vector<16xi32>], vector<16xf32>, vector<16xi1>
      %get3A_79 = arith.index_cast %scan3A_13 : i32 to index
      %get3A_80 = arith.constant 80 : index
      %get3A_81 = tpu.vector_load %arg4[%get3A_79, %get3A_80] {strides = array<i32>} : memref<80x128xi32, #tpu.memory_space<vmem>>, vector<16xi32>,
      %broadcast_in_dim3A_82 = arith.constant true
      %broadcast_in_dim3A_83 = vector.broadcast %broadcast_in_dim3A_82 : i1 to vector<16xi1>
      %unique3A_84, %unique3A_85 = tpu.scan_count mask(%broadcast_in_dim3A_83 : vector<16xi1>) value(%get3A_81 : vector<16xi32>) : vector<16xi1>, vector<16xi32>
      %shift_right_arithmetic3A_86 = arith.constant 7 : i32
      %shift_right_arithmetic3A_87 = vector.broadcast %shift_right_arithmetic3A_86 : i32 to vector<16xi32>
      %shift_right_arithmetic3A_88 = arith.shrsi %get3A_81, %shift_right_arithmetic3A_87 : vector<16xi32>
      %and3A_89 = arith.constant 127 : i32
      %and3A_90 = vector.broadcast %and3A_89 : i32 to vector<16xi32>
      %and3A_91 = arith.andi %get3A_81, %and3A_90 : vector<16xi32>
      %convert_element_type3A_92 = arith.sitofp %unique3A_85 : vector<16xi32> to vector<16xf32>
      tpu.vector_store_idx %arg5[%shift_right_arithmetic3A_88, %and3A_91], %convert_element_type3A_92 masked %unique3A_84 {add = true} : memref<80x128xf32, #tpu.memory_space<vmem>>[vector<16xi32>, vector<16xi32>], vector<16xf32>, vector<16xi1>
      %get3A_93 = arith.index_cast %scan3A_13 : i32 to index
      %get3A_94 = arith.constant 96 : index
      %get3A_95 = tpu.vector_load %arg4[%get3A_93, %get3A_94] {strides = array<i32>} : memref<80x128xi32, #tpu.memory_space<vmem>>, vector<16xi32>,
      %broadcast_in_dim3A_96 = arith.constant true
      %broadcast_in_dim3A_97 = vector.broadcast %broadcast_in_dim3A_96 : i1 to vector<16xi1>
      %unique3A_98, %unique3A_99 = tpu.scan_count mask(%broadcast_in_dim3A_97 : vector<16xi1>) value(%get3A_95 : vector<16xi32>) : vector<16xi1>, vector<16xi32>
      %shift_right_arithmetic3A_100 = arith.constant 7 : i32
      %shift_right_arithmetic3A_101 = vector.broadcast %shift_right_arithmetic3A_100 : i32 to vector<16xi32>
      %shift_right_arithmetic3A_102 = arith.shrsi %get3A_95, %shift_right_arithmetic3A_101 : vector<16xi32>
      %and3A_103 = arith.constant 127 : i32
      %and3A_104 = vector.broadcast %and3A_103 : i32 to vector<16xi32>
      %and3A_105 = arith.andi %get3A_95, %and3A_104 : vector<16xi32>
      %convert_element_type3A_106 = arith.sitofp %unique3A_99 : vector<16xi32> to vector<16xf32>
      tpu.vector_store_idx %arg5[%shift_right_arithmetic3A_102, %and3A_105], %convert_element_type3A_106 masked %unique3A_98 {add = true} : memref<80x128xf32, #tpu.memory_space<vmem>>[vector<16xi32>, vector<16xi32>], vector<16xf32>, vector<16xi1>
      %get3A_107 = arith.index_cast %scan3A_13 : i32 to index
      %get3A_108 = arith.constant 112 : index
      %get3A_109 = tpu.vector_load %arg4[%get3A_107, %get3A_108] {strides = array<i32>} : memref<80x128xi32, #tpu.memory_space<vmem>>, vector<16xi32>,
      %broadcast_in_dim3A_110 = arith.constant true
      %broadcast_in_dim3A_111 = vector.broadcast %broadcast_in_dim3A_110 : i1 to vector<16xi1>
      %unique3A_112, %unique3A_113 = tpu.scan_count mask(%broadcast_in_dim3A_111 : vector<16xi1>) value(%get3A_109 : vector<16xi32>) : vector<16xi1>, vector<16xi32>
      %shift_right_arithmetic3A_114 = arith.constant 7 : i32
      %shift_right_arithmetic3A_115 = vector.broadcast %shift_right_arithmetic3A_114 : i32 to vector<16xi32>
      %shift_right_arithmetic3A_116 = arith.shrsi %get3A_109, %shift_right_arithmetic3A_115 : vector<16xi32>
      %and3A_117 = arith.constant 127 : i32
      %and3A_118 = vector.broadcast %and3A_117 : i32 to vector<16xi32>
      %and3A_119 = arith.andi %get3A_109, %and3A_118 : vector<16xi32>
      %convert_element_type3A_120 = arith.sitofp %unique3A_113 : vector<16xi32> to vector<16xf32>
      tpu.vector_store_idx %arg5[%shift_right_arithmetic3A_116, %and3A_119], %convert_element_type3A_120 masked %unique3A_112 {add = true} : memref<80x128xf32, #tpu.memory_space<vmem>>[vector<16xi32>, vector<16xi32>], vector<16xf32>, vector<16xi1>
    }
    %scan3A_12 = arith.constant 80 : i32
    "tpu.region"() ({
      %run_scoped3A = tpu.sem_alloc : memref<!tpu.dma_semaphore, #tpu.memory_space<semaphore_mem>>
      %dma_start3A = arith.constant 0 : i32
      %dma_start3A_13 = arith.constant 0 : i32
      %dma_start3A_14 = tpu.memref_slice %arg3[%add3A, %dma_start3A, %dma_start3A_13] : memref<32x80x128xf32, #tpu.memory_space<hbm>> -> memref<1x80x128xf32, #tpu.memory_space<hbm>>
      %dma_start3A_15 = tpu.memref_squeeze %dma_start3A_14 : memref<1x80x128xf32, #tpu.memory_space<hbm>> -> memref<80x128xf32, #tpu.memory_space<hbm>>
      %dma_start3A_16 = arith.constant 0 : i32
      %dma_start3A_17 = arith.constant 0 : i32
      %dma_start3A_18 = tpu.memref_slice %arg3[%add3A, %dma_start3A_16, %dma_start3A_17] : memref<32x80x128xf32, #tpu.memory_space<hbm>> -> memref<1x80x128xf32, #tpu.memory_space<hbm>>
      %dma_start3A_19 = tpu.memref_squeeze %dma_start3A_18 : memref<1x80x128xf32, #tpu.memory_space<hbm>> -> memref<80x128xf32, #tpu.memory_space<hbm>>
      tpu.enqueue_dma source(%arg5 : memref<80x128xf32, #tpu.memory_space<vmem>>) target(%dma_start3A_19 : memref<80x128xf32, #tpu.memory_space<hbm>>) target_semaphore(%run_scoped3A : memref<!tpu.dma_semaphore, #tpu.memory_space<semaphore_mem>>)
      %dma_wait3A = arith.constant 0 : i32
      %dma_wait3A_20 = arith.constant 0 : i32
      %dma_wait3A_21 = tpu.memref_slice %arg3[%add3A, %dma_wait3A, %dma_wait3A_20] : memref<32x80x128xf32, #tpu.memory_space<hbm>> -> memref<1x80x128xf32, #tpu.memory_space<hbm>>
      %dma_wait3A_22 = tpu.memref_squeeze %dma_wait3A_21 : memref<1x80x128xf32, #tpu.memory_space<hbm>> -> memref<80x128xf32, #tpu.memory_space<hbm>>
      %dma_wait3A_23 = arith.constant 0 : i32
      %dma_wait3A_24 = arith.constant 0 : i32
      %dma_wait3A_25 = tpu.memref_slice %arg3[%add3A, %dma_wait3A_23, %dma_wait3A_24] : memref<32x80x128xf32, #tpu.memory_space<hbm>> -> memref<1x80x128xf32, #tpu.memory_space<hbm>>
      %dma_wait3A_26 = tpu.memref_squeeze %dma_wait3A_25 : memref<1x80x128xf32, #tpu.memory_space<hbm>> -> memref<80x128xf32, #tpu.memory_space<hbm>>
      tpu.wait_dma2 semaphore(%run_scoped3A : memref<!tpu.dma_semaphore, #tpu.memory_space<semaphore_mem>>) src(%arg5 : memref<80x128xf32, #tpu.memory_space<vmem>>) dst(%dma_wait3A_26 : memref<80x128xf32, #tpu.memory_space<hbm>>)
      tpu.yield
    }) : () -> ()
    return
  }
}

#map = affine_map<(d0, d1) -> (0, 0)>
#map1 = affine_map<(d0, d1) -> (0, 0, 0, 0)>
#map2 = affine_map<(d0, d1) -> (0, 0, 0)>
module attributes {stable_mosaic.version = 14 : i64} {
  func.func @scatter_kernel(%arg0: i32, %arg1: i32, %arg2: memref<10240x128xf32, #tpu.memory_space<hbm>>, %arg3: memref<2x16x80x128xi32, #tpu.memory_space<hbm>>, %arg4: memref<2x16x80x128xi32, #tpu.memory_space<hbm>>, %arg5: memref<2x10240x128xf32, #tpu.memory_space<hbm>>, %arg6: memref<40x128xi32, #tpu.memory_space<vmem>>, %arg7: memref<40x128xi32, #tpu.memory_space<vmem>>, %arg8: memref<2x128x128xf32, #tpu.memory_space<vmem>>, %arg9: memref<10240x128xf32, #tpu.memory_space<vmem_shared>>, %arg10: memref<!tpu.dma_semaphore, #tpu.memory_space<semaphore_mem>>, %arg11: memref<!tpu.dma_semaphore, #tpu.memory_space<semaphore_mem>>) attributes {dimension_semantics = [#tpu.dimension_semantics<core_parallel>, #tpu.dimension_semantics<subcore_parallel>], iteration_bounds = array<i64: 2, 16>, scalar_prefetch = 0 : i64, scratch_operands = 6 : i64, tpu.core_type = #tpu.core_type<sc_vector_subcore>, window_params = [{transform_indices = #map}, {transform_indices = #map1}, {transform_indices = #map1}, {transform_indices = #map2}]} {
    %mul3A = arith.constant 640 : i32
    %mul3A_0 = arith.muli %arg1, %mul3A : i32
    %eq3A = arith.constant 0 : i32
    %eq3A_1 = arith.cmpi eq, %arg0, %eq3A : i32
    %convert_element_type3A = arith.extui %eq3A_1 : i1 to i32
    %cond3A = arith.constant 0 : i32
    %cond3A_2 = arith.cmpi ne, %convert_element_type3A, %cond3A : i32
    scf.if %cond3A_2 {
      "tpu.region"() ({
        %run_scoped3A = tpu.sem_alloc : memref<!tpu.dma_semaphore, #tpu.memory_space<semaphore_mem>>
        %dma_start3A_42 = arith.constant 0 : i32
        %dma_start3A_43 = tpu.memref_slice %arg9[%mul3A_0, %dma_start3A_42] : memref<10240x128xf32, #tpu.memory_space<vmem_shared>> -> memref<640x128xf32, #tpu.memory_space<vmem_shared>>
        %dma_start3A_44 = arith.constant 0 : i32
        %dma_start3A_45 = tpu.memref_slice %arg2[%mul3A_0, %dma_start3A_44] : memref<10240x128xf32, #tpu.memory_space<hbm>> -> memref<640x128xf32, #tpu.memory_space<hbm>>
        tpu.enqueue_dma source(%dma_start3A_45 : memref<640x128xf32, #tpu.memory_space<hbm>>) target(%dma_start3A_43 : memref<640x128xf32, #tpu.memory_space<vmem_shared>>) target_semaphore(%run_scoped3A : memref<!tpu.dma_semaphore, #tpu.memory_space<semaphore_mem>>)
        %dma_wait3A = arith.constant 0 : i32
        %dma_wait3A_46 = tpu.memref_slice %arg9[%mul3A_0, %dma_wait3A] : memref<10240x128xf32, #tpu.memory_space<vmem_shared>> -> memref<640x128xf32, #tpu.memory_space<vmem_shared>>
        %dma_wait3A_47 = arith.constant 0 : i32
        %dma_wait3A_48 = tpu.memref_slice %arg2[%mul3A_0, %dma_wait3A_47] : memref<10240x128xf32, #tpu.memory_space<hbm>> -> memref<640x128xf32, #tpu.memory_space<hbm>>
        tpu.wait_dma2 semaphore(%run_scoped3A : memref<!tpu.dma_semaphore, #tpu.memory_space<semaphore_mem>>) src(%dma_wait3A_48 : memref<640x128xf32, #tpu.memory_space<hbm>>) dst(%dma_wait3A_46 : memref<640x128xf32, #tpu.memory_space<vmem_shared>>)
        tpu.yield
      }) : () -> ()
    } else {
    }
    %ne3A = arith.constant 0 : i32
    %ne3A_3 = arith.cmpi ne, %arg0, %ne3A : i32
    %convert_element_type3A_4 = arith.extui %ne3A_3 : i1 to i32
    %cond3A_5 = arith.constant 0 : i32
    %cond3A_6 = arith.cmpi ne, %convert_element_type3A_4, %cond3A_5 : i32
    scf.if %cond3A_6 {
      %scan3A_42 = arith.constant 0 : i32
      %scan3A_43 = arith.constant 0 : i32
      %scan3A_44 = arith.constant 128 : i32
      %scan3A_45 = arith.addi %scan3A_43, %scan3A_44 : i32
      %scan3A_46 = arith.constant 1 : i32
      scf.for %scan3A_61 = %scan3A_43 to %scan3A_45 step %scan3A_46  : i32 {
        %broadcast_in_dim3A = arith.constant 0.000000e+00 : f32
        %broadcast_in_dim3A_62 = vector.broadcast %broadcast_in_dim3A : f32 to vector<16xf32>
        %swap3A = arith.constant 0 : i32
        %swap3A_63 = arith.index_cast %swap3A : i32 to index
        %swap3A_64 = arith.index_cast %scan3A_61 : i32 to index
        %swap3A_65 = arith.constant 0 : index
        %swap3A_66 = tpu.vector_load %arg8[%swap3A_63, %swap3A_64, %swap3A_65] {strides = array<i32>} : memref<2x128x128xf32, #tpu.memory_space<vmem>>, vector<1x1x16xf32>,
        %swap3A_67 = vector.shape_cast %swap3A_66 : vector<1x1x16xf32> to vector<16xf32>
        %swap3A_68 = vector.shape_cast %broadcast_in_dim3A_62 : vector<16xf32> to vector<1x1x16xf32>
        tpu.vector_store %arg8[%swap3A_63, %swap3A_64, %swap3A_65], %swap3A_68 {strides = array<i32>} : memref<2x128x128xf32, #tpu.memory_space<vmem>>, vector<1x1x16xf32>,
        %broadcast_in_dim3A_69 = arith.constant 0.000000e+00 : f32
        %broadcast_in_dim3A_70 = vector.broadcast %broadcast_in_dim3A_69 : f32 to vector<16xf32>
        %swap3A_71 = arith.constant 0 : i32
        %swap3A_72 = arith.index_cast %swap3A_71 : i32 to index
        %swap3A_73 = arith.index_cast %scan3A_61 : i32 to index
        %swap3A_74 = arith.constant 16 : index
        %swap3A_75 = tpu.vector_load %arg8[%swap3A_72, %swap3A_73, %swap3A_74] {strides = array<i32>} : memref<2x128x128xf32, #tpu.memory_space<vmem>>, vector<1x1x16xf32>,
        %swap3A_76 = vector.shape_cast %swap3A_75 : vector<1x1x16xf32> to vector<16xf32>
        %swap3A_77 = vector.shape_cast %broadcast_in_dim3A_70 : vector<16xf32> to vector<1x1x16xf32>
        tpu.vector_store %arg8[%swap3A_72, %swap3A_73, %swap3A_74], %swap3A_77 {strides = array<i32>} : memref<2x128x128xf32, #tpu.memory_space<vmem>>, vector<1x1x16xf32>,
        %broadcast_in_dim3A_78 = arith.constant 0.000000e+00 : f32
        %broadcast_in_dim3A_79 = vector.broadcast %broadcast_in_dim3A_78 : f32 to vector<16xf32>
        %swap3A_80 = arith.constant 0 : i32
        %swap3A_81 = arith.index_cast %swap3A_80 : i32 to index
        %swap3A_82 = arith.index_cast %scan3A_61 : i32 to index
        %swap3A_83 = arith.constant 32 : index
        %swap3A_84 = tpu.vector_load %arg8[%swap3A_81, %swap3A_82, %swap3A_83] {strides = array<i32>} : memref<2x128x128xf32, #tpu.memory_space<vmem>>, vector<1x1x16xf32>,
        %swap3A_85 = vector.shape_cast %swap3A_84 : vector<1x1x16xf32> to vector<16xf32>
        %swap3A_86 = vector.shape_cast %broadcast_in_dim3A_79 : vector<16xf32> to vector<1x1x16xf32>
        tpu.vector_store %arg8[%swap3A_81, %swap3A_82, %swap3A_83], %swap3A_86 {strides = array<i32>} : memref<2x128x128xf32, #tpu.memory_space<vmem>>, vector<1x1x16xf32>,
        %broadcast_in_dim3A_87 = arith.constant 0.000000e+00 : f32
        %broadcast_in_dim3A_88 = vector.broadcast %broadcast_in_dim3A_87 : f32 to vector<16xf32>
        %swap3A_89 = arith.constant 0 : i32
        %swap3A_90 = arith.index_cast %swap3A_89 : i32 to index
        %swap3A_91 = arith.index_cast %scan3A_61 : i32 to index
        %swap3A_92 = arith.constant 48 : index
        %swap3A_93 = tpu.vector_load %arg8[%swap3A_90, %swap3A_91, %swap3A_92] {strides = array<i32>} : memref<2x128x128xf32, #tpu.memory_space<vmem>>, vector<1x1x16xf32>,
        %swap3A_94 = vector.shape_cast %swap3A_93 : vector<1x1x16xf32> to vector<16xf32>
        %swap3A_95 = vector.shape_cast %broadcast_in_dim3A_88 : vector<16xf32> to vector<1x1x16xf32>
        tpu.vector_store %arg8[%swap3A_90, %swap3A_91, %swap3A_92], %swap3A_95 {strides = array<i32>} : memref<2x128x128xf32, #tpu.memory_space<vmem>>, vector<1x1x16xf32>,
        %broadcast_in_dim3A_96 = arith.constant 0.000000e+00 : f32
        %broadcast_in_dim3A_97 = vector.broadcast %broadcast_in_dim3A_96 : f32 to vector<16xf32>
        %swap3A_98 = arith.constant 0 : i32
        %swap3A_99 = arith.index_cast %swap3A_98 : i32 to index
        %swap3A_100 = arith.index_cast %scan3A_61 : i32 to index
        %swap3A_101 = arith.constant 64 : index
        %swap3A_102 = tpu.vector_load %arg8[%swap3A_99, %swap3A_100, %swap3A_101] {strides = array<i32>} : memref<2x128x128xf32, #tpu.memory_space<vmem>>, vector<1x1x16xf32>,
        %swap3A_103 = vector.shape_cast %swap3A_102 : vector<1x1x16xf32> to vector<16xf32>
        %swap3A_104 = vector.shape_cast %broadcast_in_dim3A_97 : vector<16xf32> to vector<1x1x16xf32>
        tpu.vector_store %arg8[%swap3A_99, %swap3A_100, %swap3A_101], %swap3A_104 {strides = array<i32>} : memref<2x128x128xf32, #tpu.memory_space<vmem>>, vector<1x1x16xf32>,
        %broadcast_in_dim3A_105 = arith.constant 0.000000e+00 : f32
        %broadcast_in_dim3A_106 = vector.broadcast %broadcast_in_dim3A_105 : f32 to vector<16xf32>
        %swap3A_107 = arith.constant 0 : i32
        %swap3A_108 = arith.index_cast %swap3A_107 : i32 to index
        %swap3A_109 = arith.index_cast %scan3A_61 : i32 to index
        %swap3A_110 = arith.constant 80 : index
        %swap3A_111 = tpu.vector_load %arg8[%swap3A_108, %swap3A_109, %swap3A_110] {strides = array<i32>} : memref<2x128x128xf32, #tpu.memory_space<vmem>>, vector<1x1x16xf32>,
        %swap3A_112 = vector.shape_cast %swap3A_111 : vector<1x1x16xf32> to vector<16xf32>
        %swap3A_113 = vector.shape_cast %broadcast_in_dim3A_106 : vector<16xf32> to vector<1x1x16xf32>
        tpu.vector_store %arg8[%swap3A_108, %swap3A_109, %swap3A_110], %swap3A_113 {strides = array<i32>} : memref<2x128x128xf32, #tpu.memory_space<vmem>>, vector<1x1x16xf32>,
        %broadcast_in_dim3A_114 = arith.constant 0.000000e+00 : f32
        %broadcast_in_dim3A_115 = vector.broadcast %broadcast_in_dim3A_114 : f32 to vector<16xf32>
        %swap3A_116 = arith.constant 0 : i32
        %swap3A_117 = arith.index_cast %swap3A_116 : i32 to index
        %swap3A_118 = arith.index_cast %scan3A_61 : i32 to index
        %swap3A_119 = arith.constant 96 : index
        %swap3A_120 = tpu.vector_load %arg8[%swap3A_117, %swap3A_118, %swap3A_119] {strides = array<i32>} : memref<2x128x128xf32, #tpu.memory_space<vmem>>, vector<1x1x16xf32>,
        %swap3A_121 = vector.shape_cast %swap3A_120 : vector<1x1x16xf32> to vector<16xf32>
        %swap3A_122 = vector.shape_cast %broadcast_in_dim3A_115 : vector<16xf32> to vector<1x1x16xf32>
        tpu.vector_store %arg8[%swap3A_117, %swap3A_118, %swap3A_119], %swap3A_122 {strides = array<i32>} : memref<2x128x128xf32, #tpu.memory_space<vmem>>, vector<1x1x16xf32>,
        %broadcast_in_dim3A_123 = arith.constant 0.000000e+00 : f32
        %broadcast_in_dim3A_124 = vector.broadcast %broadcast_in_dim3A_123 : f32 to vector<16xf32>
        %swap3A_125 = arith.constant 0 : i32
        %swap3A_126 = arith.index_cast %swap3A_125 : i32 to index
        %swap3A_127 = arith.index_cast %scan3A_61 : i32 to index
        %swap3A_128 = arith.constant 112 : index
        %swap3A_129 = tpu.vector_load %arg8[%swap3A_126, %swap3A_127, %swap3A_128] {strides = array<i32>} : memref<2x128x128xf32, #tpu.memory_space<vmem>>, vector<1x1x16xf32>,
        %swap3A_130 = vector.shape_cast %swap3A_129 : vector<1x1x16xf32> to vector<16xf32>
        %swap3A_131 = vector.shape_cast %broadcast_in_dim3A_124 : vector<16xf32> to vector<1x1x16xf32>
        tpu.vector_store %arg8[%swap3A_126, %swap3A_127, %swap3A_128], %swap3A_131 {strides = array<i32>} : memref<2x128x128xf32, #tpu.memory_space<vmem>>, vector<1x1x16xf32>,
      }
      %scan3A_47 = arith.constant 128 : i32
      %add3A = arith.constant 0 : i32
      %add3A_48 = arith.addi %mul3A_0, %add3A : i32
      %run_scoped3A = arith.constant 0 : i32
      "tpu.region"() ({
        %run_scoped3A_61 = tpu.sem_alloc : memref<!tpu.dma_semaphore, #tpu.memory_space<semaphore_mem>>
        %dma_start3A_62 = arith.constant 0 : i32
        %dma_start3A_63 = arith.constant 0 : i32
        %dma_start3A_64 = tpu.memref_slice %arg8[%run_scoped3A, %dma_start3A_62, %dma_start3A_63] : memref<2x128x128xf32, #tpu.memory_space<vmem>> -> memref<1x128x128xf32, #tpu.memory_space<vmem>>
        %dma_start3A_65 = tpu.memref_squeeze %dma_start3A_64 : memref<1x128x128xf32, #tpu.memory_space<vmem>> -> memref<128x128xf32, #tpu.memory_space<vmem>>
        %dma_start3A_66 = arith.constant 0 : i32
        %dma_start3A_67 = tpu.memref_slice %arg9[%add3A_48, %dma_start3A_66] : memref<10240x128xf32, #tpu.memory_space<vmem_shared>> -> memref<128x128xf32, #tpu.memory_space<vmem_shared>>
        %dma_start3A_68 = arith.constant 0 : i32
        %dma_start3A_69 = tpu.memref_slice %arg9[%add3A_48, %dma_start3A_68] : memref<10240x128xf32, #tpu.memory_space<vmem_shared>> -> memref<128x128xf32, #tpu.memory_space<vmem_shared>>
        %dma_start3A_70 = arith.constant 0 : i32
        %dma_start3A_71 = arith.constant 0 : i32
        %dma_start3A_72 = tpu.memref_slice %arg8[%run_scoped3A, %dma_start3A_70, %dma_start3A_71] : memref<2x128x128xf32, #tpu.memory_space<vmem>> -> memref<1x128x128xf32, #tpu.memory_space<vmem>>
        %dma_start3A_73 = tpu.memref_squeeze %dma_start3A_72 : memref<1x128x128xf32, #tpu.memory_space<vmem>> -> memref<128x128xf32, #tpu.memory_space<vmem>>
        tpu.enqueue_dma source(%dma_start3A_73 : memref<128x128xf32, #tpu.memory_space<vmem>>) target(%dma_start3A_69 : memref<128x128xf32, #tpu.memory_space<vmem_shared>>) target_semaphore(%run_scoped3A_61 : memref<!tpu.dma_semaphore, #tpu.memory_space<semaphore_mem>>)
        %dma_wait3A = arith.constant 0 : i32
        %dma_wait3A_74 = arith.constant 0 : i32
        %dma_wait3A_75 = tpu.memref_slice %arg8[%run_scoped3A, %dma_wait3A, %dma_wait3A_74] : memref<2x128x128xf32, #tpu.memory_space<vmem>> -> memref<1x128x128xf32, #tpu.memory_space<vmem>>
        %dma_wait3A_76 = tpu.memref_squeeze %dma_wait3A_75 : memref<1x128x128xf32, #tpu.memory_space<vmem>> -> memref<128x128xf32, #tpu.memory_space<vmem>>
        %dma_wait3A_77 = arith.constant 0 : i32
        %dma_wait3A_78 = tpu.memref_slice %arg9[%add3A_48, %dma_wait3A_77] : memref<10240x128xf32, #tpu.memory_space<vmem_shared>> -> memref<128x128xf32, #tpu.memory_space<vmem_shared>>
        %dma_wait3A_79 = arith.constant 0 : i32
        %dma_wait3A_80 = tpu.memref_slice %arg9[%add3A_48, %dma_wait3A_79] : memref<10240x128xf32, #tpu.memory_space<vmem_shared>> -> memref<128x128xf32, #tpu.memory_space<vmem_shared>>
        %dma_wait3A_81 = arith.constant 0 : i32
        %dma_wait3A_82 = arith.constant 0 : i32
        %dma_wait3A_83 = tpu.memref_slice %arg8[%run_scoped3A, %dma_wait3A_81, %dma_wait3A_82] : memref<2x128x128xf32, #tpu.memory_space<vmem>> -> memref<1x128x128xf32, #tpu.memory_space<vmem>>
        %dma_wait3A_84 = tpu.memref_squeeze %dma_wait3A_83 : memref<1x128x128xf32, #tpu.memory_space<vmem>> -> memref<128x128xf32, #tpu.memory_space<vmem>>
        tpu.wait_dma2 semaphore(%run_scoped3A_61 : memref<!tpu.dma_semaphore, #tpu.memory_space<semaphore_mem>>) src(%dma_wait3A_84 : memref<128x128xf32, #tpu.memory_space<vmem>>) dst(%dma_wait3A_80 : memref<128x128xf32, #tpu.memory_space<vmem_shared>>)
        tpu.yield
      }) : () -> ()
      %add3A_49 = arith.constant 128 : i32
      %add3A_50 = arith.addi %mul3A_0, %add3A_49 : i32
      %run_scoped3A_51 = arith.constant 0 : i32
      "tpu.region"() ({
        %run_scoped3A_61 = tpu.sem_alloc : memref<!tpu.dma_semaphore, #tpu.memory_space<semaphore_mem>>
        %dma_start3A_62 = arith.constant 0 : i32
        %dma_start3A_63 = arith.constant 0 : i32
        %dma_start3A_64 = tpu.memref_slice %arg8[%run_scoped3A_51, %dma_start3A_62, %dma_start3A_63] : memref<2x128x128xf32, #tpu.memory_space<vmem>> -> memref<1x128x128xf32, #tpu.memory_space<vmem>>
        %dma_start3A_65 = tpu.memref_squeeze %dma_start3A_64 : memref<1x128x128xf32, #tpu.memory_space<vmem>> -> memref<128x128xf32, #tpu.memory_space<vmem>>
        %dma_start3A_66 = arith.constant 0 : i32
        %dma_start3A_67 = tpu.memref_slice %arg9[%add3A_50, %dma_start3A_66] : memref<10240x128xf32, #tpu.memory_space<vmem_shared>> -> memref<128x128xf32, #tpu.memory_space<vmem_shared>>
        %dma_start3A_68 = arith.constant 0 : i32
        %dma_start3A_69 = tpu.memref_slice %arg9[%add3A_50, %dma_start3A_68] : memref<10240x128xf32, #tpu.memory_space<vmem_shared>> -> memref<128x128xf32, #tpu.memory_space<vmem_shared>>
        %dma_start3A_70 = arith.constant 0 : i32
        %dma_start3A_71 = arith.constant 0 : i32
        %dma_start3A_72 = tpu.memref_slice %arg8[%run_scoped3A_51, %dma_start3A_70, %dma_start3A_71] : memref<2x128x128xf32, #tpu.memory_space<vmem>> -> memref<1x128x128xf32, #tpu.memory_space<vmem>>
        %dma_start3A_73 = tpu.memref_squeeze %dma_start3A_72 : memref<1x128x128xf32, #tpu.memory_space<vmem>> -> memref<128x128xf32, #tpu.memory_space<vmem>>
        tpu.enqueue_dma source(%dma_start3A_73 : memref<128x128xf32, #tpu.memory_space<vmem>>) target(%dma_start3A_69 : memref<128x128xf32, #tpu.memory_space<vmem_shared>>) target_semaphore(%run_scoped3A_61 : memref<!tpu.dma_semaphore, #tpu.memory_space<semaphore_mem>>)
        %dma_wait3A = arith.constant 0 : i32
        %dma_wait3A_74 = arith.constant 0 : i32
        %dma_wait3A_75 = tpu.memref_slice %arg8[%run_scoped3A_51, %dma_wait3A, %dma_wait3A_74] : memref<2x128x128xf32, #tpu.memory_space<vmem>> -> memref<1x128x128xf32, #tpu.memory_space<vmem>>
        %dma_wait3A_76 = tpu.memref_squeeze %dma_wait3A_75 : memref<1x128x128xf32, #tpu.memory_space<vmem>> -> memref<128x128xf32, #tpu.memory_space<vmem>>
        %dma_wait3A_77 = arith.constant 0 : i32
        %dma_wait3A_78 = tpu.memref_slice %arg9[%add3A_50, %dma_wait3A_77] : memref<10240x128xf32, #tpu.memory_space<vmem_shared>> -> memref<128x128xf32, #tpu.memory_space<vmem_shared>>
        %dma_wait3A_79 = arith.constant 0 : i32
        %dma_wait3A_80 = tpu.memref_slice %arg9[%add3A_50, %dma_wait3A_79] : memref<10240x128xf32, #tpu.memory_space<vmem_shared>> -> memref<128x128xf32, #tpu.memory_space<vmem_shared>>
        %dma_wait3A_81 = arith.constant 0 : i32
        %dma_wait3A_82 = arith.constant 0 : i32
        %dma_wait3A_83 = tpu.memref_slice %arg8[%run_scoped3A_51, %dma_wait3A_81, %dma_wait3A_82] : memref<2x128x128xf32, #tpu.memory_space<vmem>> -> memref<1x128x128xf32, #tpu.memory_space<vmem>>
        %dma_wait3A_84 = tpu.memref_squeeze %dma_wait3A_83 : memref<1x128x128xf32, #tpu.memory_space<vmem>> -> memref<128x128xf32, #tpu.memory_space<vmem>>
        tpu.wait_dma2 semaphore(%run_scoped3A_61 : memref<!tpu.dma_semaphore, #tpu.memory_space<semaphore_mem>>) src(%dma_wait3A_84 : memref<128x128xf32, #tpu.memory_space<vmem>>) dst(%dma_wait3A_80 : memref<128x128xf32, #tpu.memory_space<vmem_shared>>)
        tpu.yield
      }) : () -> ()
      %add3A_52 = arith.constant 256 : i32
      %add3A_53 = arith.addi %mul3A_0, %add3A_52 : i32
      %run_scoped3A_54 = arith.constant 0 : i32
      "tpu.region"() ({
        %run_scoped3A_61 = tpu.sem_alloc : memref<!tpu.dma_semaphore, #tpu.memory_space<semaphore_mem>>
        %dma_start3A_62 = arith.constant 0 : i32
        %dma_start3A_63 = arith.constant 0 : i32
        %dma_start3A_64 = tpu.memref_slice %arg8[%run_scoped3A_54, %dma_start3A_62, %dma_start3A_63] : memref<2x128x128xf32, #tpu.memory_space<vmem>> -> memref<1x128x128xf32, #tpu.memory_space<vmem>>
        %dma_start3A_65 = tpu.memref_squeeze %dma_start3A_64 : memref<1x128x128xf32, #tpu.memory_space<vmem>> -> memref<128x128xf32, #tpu.memory_space<vmem>>
        %dma_start3A_66 = arith.constant 0 : i32
        %dma_start3A_67 = tpu.memref_slice %arg9[%add3A_53, %dma_start3A_66] : memref<10240x128xf32, #tpu.memory_space<vmem_shared>> -> memref<128x128xf32, #tpu.memory_space<vmem_shared>>
        %dma_start3A_68 = arith.constant 0 : i32
        %dma_start3A_69 = tpu.memref_slice %arg9[%add3A_53, %dma_start3A_68] : memref<10240x128xf32, #tpu.memory_space<vmem_shared>> -> memref<128x128xf32, #tpu.memory_space<vmem_shared>>
        %dma_start3A_70 = arith.constant 0 : i32
        %dma_start3A_71 = arith.constant 0 : i32
        %dma_start3A_72 = tpu.memref_slice %arg8[%run_scoped3A_54, %dma_start3A_70, %dma_start3A_71] : memref<2x128x128xf32, #tpu.memory_space<vmem>> -> memref<1x128x128xf32, #tpu.memory_space<vmem>>
        %dma_start3A_73 = tpu.memref_squeeze %dma_start3A_72 : memref<1x128x128xf32, #tpu.memory_space<vmem>> -> memref<128x128xf32, #tpu.memory_space<vmem>>
        tpu.enqueue_dma source(%dma_start3A_73 : memref<128x128xf32, #tpu.memory_space<vmem>>) target(%dma_start3A_69 : memref<128x128xf32, #tpu.memory_space<vmem_shared>>) target_semaphore(%run_scoped3A_61 : memref<!tpu.dma_semaphore, #tpu.memory_space<semaphore_mem>>)
        %dma_wait3A = arith.constant 0 : i32
        %dma_wait3A_74 = arith.constant 0 : i32
        %dma_wait3A_75 = tpu.memref_slice %arg8[%run_scoped3A_54, %dma_wait3A, %dma_wait3A_74] : memref<2x128x128xf32, #tpu.memory_space<vmem>> -> memref<1x128x128xf32, #tpu.memory_space<vmem>>
        %dma_wait3A_76 = tpu.memref_squeeze %dma_wait3A_75 : memref<1x128x128xf32, #tpu.memory_space<vmem>> -> memref<128x128xf32, #tpu.memory_space<vmem>>
        %dma_wait3A_77 = arith.constant 0 : i32
        %dma_wait3A_78 = tpu.memref_slice %arg9[%add3A_53, %dma_wait3A_77] : memref<10240x128xf32, #tpu.memory_space<vmem_shared>> -> memref<128x128xf32, #tpu.memory_space<vmem_shared>>
        %dma_wait3A_79 = arith.constant 0 : i32
        %dma_wait3A_80 = tpu.memref_slice %arg9[%add3A_53, %dma_wait3A_79] : memref<10240x128xf32, #tpu.memory_space<vmem_shared>> -> memref<128x128xf32, #tpu.memory_space<vmem_shared>>
        %dma_wait3A_81 = arith.constant 0 : i32
        %dma_wait3A_82 = arith.constant 0 : i32
        %dma_wait3A_83 = tpu.memref_slice %arg8[%run_scoped3A_54, %dma_wait3A_81, %dma_wait3A_82] : memref<2x128x128xf32, #tpu.memory_space<vmem>> -> memref<1x128x128xf32, #tpu.memory_space<vmem>>
        %dma_wait3A_84 = tpu.memref_squeeze %dma_wait3A_83 : memref<1x128x128xf32, #tpu.memory_space<vmem>> -> memref<128x128xf32, #tpu.memory_space<vmem>>
        tpu.wait_dma2 semaphore(%run_scoped3A_61 : memref<!tpu.dma_semaphore, #tpu.memory_space<semaphore_mem>>) src(%dma_wait3A_84 : memref<128x128xf32, #tpu.memory_space<vmem>>) dst(%dma_wait3A_80 : memref<128x128xf32, #tpu.memory_space<vmem_shared>>)
        tpu.yield
      }) : () -> ()
      %add3A_55 = arith.constant 384 : i32
      %add3A_56 = arith.addi %mul3A_0, %add3A_55 : i32
      %run_scoped3A_57 = arith.constant 0 : i32
      "tpu.region"() ({
        %run_scoped3A_61 = tpu.sem_alloc : memref<!tpu.dma_semaphore, #tpu.memory_space<semaphore_mem>>
        %dma_start3A_62 = arith.constant 0 : i32
        %dma_start3A_63 = arith.constant 0 : i32
        %dma_start3A_64 = tpu.memref_slice %arg8[%run_scoped3A_57, %dma_start3A_62, %dma_start3A_63] : memref<2x128x128xf32, #tpu.memory_space<vmem>> -> memref<1x128x128xf32, #tpu.memory_space<vmem>>
        %dma_start3A_65 = tpu.memref_squeeze %dma_start3A_64 : memref<1x128x128xf32, #tpu.memory_space<vmem>> -> memref<128x128xf32, #tpu.memory_space<vmem>>
        %dma_start3A_66 = arith.constant 0 : i32
        %dma_start3A_67 = tpu.memref_slice %arg9[%add3A_56, %dma_start3A_66] : memref<10240x128xf32, #tpu.memory_space<vmem_shared>> -> memref<128x128xf32, #tpu.memory_space<vmem_shared>>
        %dma_start3A_68 = arith.constant 0 : i32
        %dma_start3A_69 = tpu.memref_slice %arg9[%add3A_56, %dma_start3A_68] : memref<10240x128xf32, #tpu.memory_space<vmem_shared>> -> memref<128x128xf32, #tpu.memory_space<vmem_shared>>
        %dma_start3A_70 = arith.constant 0 : i32
        %dma_start3A_71 = arith.constant 0 : i32
        %dma_start3A_72 = tpu.memref_slice %arg8[%run_scoped3A_57, %dma_start3A_70, %dma_start3A_71] : memref<2x128x128xf32, #tpu.memory_space<vmem>> -> memref<1x128x128xf32, #tpu.memory_space<vmem>>
        %dma_start3A_73 = tpu.memref_squeeze %dma_start3A_72 : memref<1x128x128xf32, #tpu.memory_space<vmem>> -> memref<128x128xf32, #tpu.memory_space<vmem>>
        tpu.enqueue_dma source(%dma_start3A_73 : memref<128x128xf32, #tpu.memory_space<vmem>>) target(%dma_start3A_69 : memref<128x128xf32, #tpu.memory_space<vmem_shared>>) target_semaphore(%run_scoped3A_61 : memref<!tpu.dma_semaphore, #tpu.memory_space<semaphore_mem>>)
        %dma_wait3A = arith.constant 0 : i32
        %dma_wait3A_74 = arith.constant 0 : i32
        %dma_wait3A_75 = tpu.memref_slice %arg8[%run_scoped3A_57, %dma_wait3A, %dma_wait3A_74] : memref<2x128x128xf32, #tpu.memory_space<vmem>> -> memref<1x128x128xf32, #tpu.memory_space<vmem>>
        %dma_wait3A_76 = tpu.memref_squeeze %dma_wait3A_75 : memref<1x128x128xf32, #tpu.memory_space<vmem>> -> memref<128x128xf32, #tpu.memory_space<vmem>>
        %dma_wait3A_77 = arith.constant 0 : i32
        %dma_wait3A_78 = tpu.memref_slice %arg9[%add3A_56, %dma_wait3A_77] : memref<10240x128xf32, #tpu.memory_space<vmem_shared>> -> memref<128x128xf32, #tpu.memory_space<vmem_shared>>
        %dma_wait3A_79 = arith.constant 0 : i32
        %dma_wait3A_80 = tpu.memref_slice %arg9[%add3A_56, %dma_wait3A_79] : memref<10240x128xf32, #tpu.memory_space<vmem_shared>> -> memref<128x128xf32, #tpu.memory_space<vmem_shared>>
        %dma_wait3A_81 = arith.constant 0 : i32
        %dma_wait3A_82 = arith.constant 0 : i32
        %dma_wait3A_83 = tpu.memref_slice %arg8[%run_scoped3A_57, %dma_wait3A_81, %dma_wait3A_82] : memref<2x128x128xf32, #tpu.memory_space<vmem>> -> memref<1x128x128xf32, #tpu.memory_space<vmem>>
        %dma_wait3A_84 = tpu.memref_squeeze %dma_wait3A_83 : memref<1x128x128xf32, #tpu.memory_space<vmem>> -> memref<128x128xf32, #tpu.memory_space<vmem>>
        tpu.wait_dma2 semaphore(%run_scoped3A_61 : memref<!tpu.dma_semaphore, #tpu.memory_space<semaphore_mem>>) src(%dma_wait3A_84 : memref<128x128xf32, #tpu.memory_space<vmem>>) dst(%dma_wait3A_80 : memref<128x128xf32, #tpu.memory_space<vmem_shared>>)
        tpu.yield
      }) : () -> ()
      %add3A_58 = arith.constant 512 : i32
      %add3A_59 = arith.addi %mul3A_0, %add3A_58 : i32
      %run_scoped3A_60 = arith.constant 0 : i32
      "tpu.region"() ({
        %run_scoped3A_61 = tpu.sem_alloc : memref<!tpu.dma_semaphore, #tpu.memory_space<semaphore_mem>>
        %dma_start3A_62 = arith.constant 0 : i32
        %dma_start3A_63 = arith.constant 0 : i32
        %dma_start3A_64 = tpu.memref_slice %arg8[%run_scoped3A_60, %dma_start3A_62, %dma_start3A_63] : memref<2x128x128xf32, #tpu.memory_space<vmem>> -> memref<1x128x128xf32, #tpu.memory_space<vmem>>
        %dma_start3A_65 = tpu.memref_squeeze %dma_start3A_64 : memref<1x128x128xf32, #tpu.memory_space<vmem>> -> memref<128x128xf32, #tpu.memory_space<vmem>>
        %dma_start3A_66 = arith.constant 0 : i32
        %dma_start3A_67 = tpu.memref_slice %arg9[%add3A_59, %dma_start3A_66] : memref<10240x128xf32, #tpu.memory_space<vmem_shared>> -> memref<128x128xf32, #tpu.memory_space<vmem_shared>>
        %dma_start3A_68 = arith.constant 0 : i32
        %dma_start3A_69 = tpu.memref_slice %arg9[%add3A_59, %dma_start3A_68] : memref<10240x128xf32, #tpu.memory_space<vmem_shared>> -> memref<128x128xf32, #tpu.memory_space<vmem_shared>>
        %dma_start3A_70 = arith.constant 0 : i32
        %dma_start3A_71 = arith.constant 0 : i32
        %dma_start3A_72 = tpu.memref_slice %arg8[%run_scoped3A_60, %dma_start3A_70, %dma_start3A_71] : memref<2x128x128xf32, #tpu.memory_space<vmem>> -> memref<1x128x128xf32, #tpu.memory_space<vmem>>
        %dma_start3A_73 = tpu.memref_squeeze %dma_start3A_72 : memref<1x128x128xf32, #tpu.memory_space<vmem>> -> memref<128x128xf32, #tpu.memory_space<vmem>>
        tpu.enqueue_dma source(%dma_start3A_73 : memref<128x128xf32, #tpu.memory_space<vmem>>) target(%dma_start3A_69 : memref<128x128xf32, #tpu.memory_space<vmem_shared>>) target_semaphore(%run_scoped3A_61 : memref<!tpu.dma_semaphore, #tpu.memory_space<semaphore_mem>>)
        %dma_wait3A = arith.constant 0 : i32
        %dma_wait3A_74 = arith.constant 0 : i32
        %dma_wait3A_75 = tpu.memref_slice %arg8[%run_scoped3A_60, %dma_wait3A, %dma_wait3A_74] : memref<2x128x128xf32, #tpu.memory_space<vmem>> -> memref<1x128x128xf32, #tpu.memory_space<vmem>>
        %dma_wait3A_76 = tpu.memref_squeeze %dma_wait3A_75 : memref<1x128x128xf32, #tpu.memory_space<vmem>> -> memref<128x128xf32, #tpu.memory_space<vmem>>
        %dma_wait3A_77 = arith.constant 0 : i32
        %dma_wait3A_78 = tpu.memref_slice %arg9[%add3A_59, %dma_wait3A_77] : memref<10240x128xf32, #tpu.memory_space<vmem_shared>> -> memref<128x128xf32, #tpu.memory_space<vmem_shared>>
        %dma_wait3A_79 = arith.constant 0 : i32
        %dma_wait3A_80 = tpu.memref_slice %arg9[%add3A_59, %dma_wait3A_79] : memref<10240x128xf32, #tpu.memory_space<vmem_shared>> -> memref<128x128xf32, #tpu.memory_space<vmem_shared>>
        %dma_wait3A_81 = arith.constant 0 : i32
        %dma_wait3A_82 = arith.constant 0 : i32
        %dma_wait3A_83 = tpu.memref_slice %arg8[%run_scoped3A_60, %dma_wait3A_81, %dma_wait3A_82] : memref<2x128x128xf32, #tpu.memory_space<vmem>> -> memref<1x128x128xf32, #tpu.memory_space<vmem>>
        %dma_wait3A_84 = tpu.memref_squeeze %dma_wait3A_83 : memref<1x128x128xf32, #tpu.memory_space<vmem>> -> memref<128x128xf32, #tpu.memory_space<vmem>>
        tpu.wait_dma2 semaphore(%run_scoped3A_61 : memref<!tpu.dma_semaphore, #tpu.memory_space<semaphore_mem>>) src(%dma_wait3A_84 : memref<128x128xf32, #tpu.memory_space<vmem>>) dst(%dma_wait3A_80 : memref<128x128xf32, #tpu.memory_space<vmem_shared>>)
        tpu.yield
      }) : () -> ()
    } else {
    }
    %barrier3A = arith.constant 0 : index
    tpu.barrier barrier_id(%barrier3A)
    "tpu.region"() ({
      %run_scoped3A = tpu.sem_alloc : memref<!tpu.dma_semaphore, #tpu.memory_space<semaphore_mem>>
      %dma_start3A_42 = arith.constant 0 : i32
      %dma_start3A_43 = arith.constant 0 : i32
      %dma_start3A_44 = tpu.memref_slice %arg3[%arg0, %arg1, %dma_start3A_42, %dma_start3A_43] : memref<2x16x80x128xi32, #tpu.memory_space<hbm>> -> memref<1x1x40x128xi32, #tpu.memory_space<hbm>>
      %dma_start3A_45 = tpu.memref_squeeze %dma_start3A_44 : memref<1x1x40x128xi32, #tpu.memory_space<hbm>> -> memref<40x128xi32, #tpu.memory_space<hbm>>
      %dma_start3A_46 = arith.constant 0 : i32
      %dma_start3A_47 = arith.constant 0 : i32
      %dma_start3A_48 = tpu.memref_slice %arg3[%arg0, %arg1, %dma_start3A_46, %dma_start3A_47] : memref<2x16x80x128xi32, #tpu.memory_space<hbm>> -> memref<1x1x40x128xi32, #tpu.memory_space<hbm>>
      %dma_start3A_49 = tpu.memref_squeeze %dma_start3A_48 : memref<1x1x40x128xi32, #tpu.memory_space<hbm>> -> memref<40x128xi32, #tpu.memory_space<hbm>>
      tpu.enqueue_dma source(%dma_start3A_49 : memref<40x128xi32, #tpu.memory_space<hbm>>) target(%arg6 : memref<40x128xi32, #tpu.memory_space<vmem>>) target_semaphore(%run_scoped3A : memref<!tpu.dma_semaphore, #tpu.memory_space<semaphore_mem>>)
      %dma_wait3A = arith.constant 0 : i32
      %dma_wait3A_50 = arith.constant 0 : i32
      %dma_wait3A_51 = tpu.memref_slice %arg3[%arg0, %arg1, %dma_wait3A, %dma_wait3A_50] : memref<2x16x80x128xi32, #tpu.memory_space<hbm>> -> memref<1x1x40x128xi32, #tpu.memory_space<hbm>>
      %dma_wait3A_52 = tpu.memref_squeeze %dma_wait3A_51 : memref<1x1x40x128xi32, #tpu.memory_space<hbm>> -> memref<40x128xi32, #tpu.memory_space<hbm>>
      %dma_wait3A_53 = arith.constant 0 : i32
      %dma_wait3A_54 = arith.constant 0 : i32
      %dma_wait3A_55 = tpu.memref_slice %arg3[%arg0, %arg1, %dma_wait3A_53, %dma_wait3A_54] : memref<2x16x80x128xi32, #tpu.memory_space<hbm>> -> memref<1x1x40x128xi32, #tpu.memory_space<hbm>>
      %dma_wait3A_56 = tpu.memref_squeeze %dma_wait3A_55 : memref<1x1x40x128xi32, #tpu.memory_space<hbm>> -> memref<40x128xi32, #tpu.memory_space<hbm>>
      tpu.wait_dma2 semaphore(%run_scoped3A : memref<!tpu.dma_semaphore, #tpu.memory_space<semaphore_mem>>) src(%dma_wait3A_56 : memref<40x128xi32, #tpu.memory_space<hbm>>) dst(%arg6 : memref<40x128xi32, #tpu.memory_space<vmem>>)
      tpu.yield
    }) : () -> ()
    "tpu.region"() ({
      %run_scoped3A = tpu.sem_alloc : memref<!tpu.dma_semaphore, #tpu.memory_space<semaphore_mem>>
      %dma_start3A_42 = arith.constant 0 : i32
      %dma_start3A_43 = arith.constant 0 : i32
      %dma_start3A_44 = tpu.memref_slice %arg4[%arg0, %arg1, %dma_start3A_42, %dma_start3A_43] : memref<2x16x80x128xi32, #tpu.memory_space<hbm>> -> memref<1x1x40x128xi32, #tpu.memory_space<hbm>>
      %dma_start3A_45 = tpu.memref_squeeze %dma_start3A_44 : memref<1x1x40x128xi32, #tpu.memory_space<hbm>> -> memref<40x128xi32, #tpu.memory_space<hbm>>
      %dma_start3A_46 = arith.constant 0 : i32
      %dma_start3A_47 = arith.constant 0 : i32
      %dma_start3A_48 = tpu.memref_slice %arg4[%arg0, %arg1, %dma_start3A_46, %dma_start3A_47] : memref<2x16x80x128xi32, #tpu.memory_space<hbm>> -> memref<1x1x40x128xi32, #tpu.memory_space<hbm>>
      %dma_start3A_49 = tpu.memref_squeeze %dma_start3A_48 : memref<1x1x40x128xi32, #tpu.memory_space<hbm>> -> memref<40x128xi32, #tpu.memory_space<hbm>>
      tpu.enqueue_dma source(%dma_start3A_49 : memref<40x128xi32, #tpu.memory_space<hbm>>) target(%arg7 : memref<40x128xi32, #tpu.memory_space<vmem>>) target_semaphore(%run_scoped3A : memref<!tpu.dma_semaphore, #tpu.memory_space<semaphore_mem>>)
      %dma_wait3A = arith.constant 0 : i32
      %dma_wait3A_50 = arith.constant 0 : i32
      %dma_wait3A_51 = tpu.memref_slice %arg4[%arg0, %arg1, %dma_wait3A, %dma_wait3A_50] : memref<2x16x80x128xi32, #tpu.memory_space<hbm>> -> memref<1x1x40x128xi32, #tpu.memory_space<hbm>>
      %dma_wait3A_52 = tpu.memref_squeeze %dma_wait3A_51 : memref<1x1x40x128xi32, #tpu.memory_space<hbm>> -> memref<40x128xi32, #tpu.memory_space<hbm>>
      %dma_wait3A_53 = arith.constant 0 : i32
      %dma_wait3A_54 = arith.constant 0 : i32
      %dma_wait3A_55 = tpu.memref_slice %arg4[%arg0, %arg1, %dma_wait3A_53, %dma_wait3A_54] : memref<2x16x80x128xi32, #tpu.memory_space<hbm>> -> memref<1x1x40x128xi32, #tpu.memory_space<hbm>>
      %dma_wait3A_56 = tpu.memref_squeeze %dma_wait3A_55 : memref<1x1x40x128xi32, #tpu.memory_space<hbm>> -> memref<40x128xi32, #tpu.memory_space<hbm>>
      tpu.wait_dma2 semaphore(%run_scoped3A : memref<!tpu.dma_semaphore, #tpu.memory_space<semaphore_mem>>) src(%dma_wait3A_56 : memref<40x128xi32, #tpu.memory_space<hbm>>) dst(%arg7 : memref<40x128xi32, #tpu.memory_space<vmem>>)
      tpu.yield
    }) : () -> ()
    %dma_start3A = arith.constant 0 : i32
    %dma_start3A_7 = arith.constant 0 : i32
    %dma_start3A_8 = arith.constant 0 : i32
    %dma_start3A_9 = arith.constant 0 : i32
    %dma_start3A_10 = tpu.memref_slice %arg8[%dma_start3A_7, %dma_start3A_8, %dma_start3A_9] : memref<2x128x128xf32, #tpu.memory_space<vmem>> -> memref<1x128x128xf32, #tpu.memory_space<vmem>>
    %dma_start3A_11 = tpu.memref_squeeze %dma_start3A_10 : memref<1x128x128xf32, #tpu.memory_space<vmem>> -> memref<128x128xf32, #tpu.memory_space<vmem>>
    %dma_start3A_12 = arith.constant 0 : i32
    %dma_start3A_13 = tpu.memref_slice %arg6[%dma_start3A, %dma_start3A_12] : memref<40x128xi32, #tpu.memory_space<vmem>> -> memref<1x128xi32, #tpu.memory_space<vmem>>
    %dma_start3A_14 = tpu.memref_squeeze %dma_start3A_13 : memref<1x128xi32, #tpu.memory_space<vmem>> -> memref<128xi32, #tpu.memory_space<vmem>>
    %dma_start3A_15 = arith.constant 0 : i32
    %dma_start3A_16 = arith.constant 0 : i32
    %dma_start3A_17 = tpu.memref_slice %arg2[%dma_start3A_15, %dma_start3A_16] : memref<10240x128xf32, #tpu.memory_space<hbm>> -> memref<10240x128xf32, #tpu.memory_space<hbm>>
    tpu.enqueue_indirect_dma source(%dma_start3A_17 : memref<10240x128xf32, #tpu.memory_space<hbm>>) target(%dma_start3A_11 : memref<128x128xf32, #tpu.memory_space<vmem>>) offsets(%dma_start3A_14 : memref<128xi32, #tpu.memory_space<vmem>>) semaphore(%arg10 : memref<!tpu.dma_semaphore, #tpu.memory_space<semaphore_mem>>)
    %scan3A = arith.constant 0 : i32
    %scan3A_18 = arith.constant 0 : i32
    %scan3A_19 = arith.constant 20 : i32
    %scan3A_20 = arith.addi %scan3A_18, %scan3A_19 : i32
    %scan3A_21 = arith.constant 1 : i32
    scf.for %scan3A_42 = %scan3A_18 to %scan3A_20 step %scan3A_21  : i32 {
      %mul3A_43 = arith.constant 2 : i32
      %mul3A_44 = arith.muli %mul3A_43, %scan3A_42 : i32
      %add3A = arith.constant 1 : i32
      %add3A_45 = arith.addi %mul3A_44, %add3A : i32
      %dma_wait3A = arith.constant 0 : i32
      %dma_wait3A_46 = arith.constant 0 : i32
      %dma_wait3A_47 = arith.constant 0 : i32
      %dma_wait3A_48 = tpu.memref_slice %arg8[%dma_wait3A, %dma_wait3A_46, %dma_wait3A_47] : memref<2x128x128xf32, #tpu.memory_space<vmem>> -> memref<1x128x128xf32, #tpu.memory_space<vmem>>
      %dma_wait3A_49 = tpu.memref_squeeze %dma_wait3A_48 : memref<1x128x128xf32, #tpu.memory_space<vmem>> -> memref<128x128xf32, #tpu.memory_space<vmem>>
      %dma_wait3A_50 = arith.constant 0 : i32
      %dma_wait3A_51 = tpu.memref_slice %arg6[%mul3A_44, %dma_wait3A_50] : memref<40x128xi32, #tpu.memory_space<vmem>> -> memref<1x128xi32, #tpu.memory_space<vmem>>
      %dma_wait3A_52 = tpu.memref_squeeze %dma_wait3A_51 : memref<1x128xi32, #tpu.memory_space<vmem>> -> memref<128xi32, #tpu.memory_space<vmem>>
      %dma_wait3A_53 = arith.constant 0 : i32
      %dma_wait3A_54 = arith.constant 0 : i32
      %dma_wait3A_55 = tpu.memref_slice %arg2[%dma_wait3A_53, %dma_wait3A_54] : memref<10240x128xf32, #tpu.memory_space<hbm>> -> memref<10240x128xf32, #tpu.memory_space<hbm>>
      tpu.wait_indirect_dma semaphore(%arg10 : memref<!tpu.dma_semaphore, #tpu.memory_space<semaphore_mem>>) src(%dma_wait3A_55 : memref<10240x128xf32, #tpu.memory_space<hbm>>) dst(%dma_wait3A_49 : memref<128x128xf32, #tpu.memory_space<vmem>>)
      %dma_start3A_56 = arith.constant 1 : i32
      %dma_start3A_57 = arith.constant 0 : i32
      %dma_start3A_58 = arith.constant 0 : i32
      %dma_start3A_59 = tpu.memref_slice %arg8[%dma_start3A_56, %dma_start3A_57, %dma_start3A_58] : memref<2x128x128xf32, #tpu.memory_space<vmem>> -> memref<1x128x128xf32, #tpu.memory_space<vmem>>
      %dma_start3A_60 = tpu.memref_squeeze %dma_start3A_59 : memref<1x128x128xf32, #tpu.memory_space<vmem>> -> memref<128x128xf32, #tpu.memory_space<vmem>>
      %dma_start3A_61 = arith.constant 0 : i32
      %dma_start3A_62 = tpu.memref_slice %arg6[%add3A_45, %dma_start3A_61] : memref<40x128xi32, #tpu.memory_space<vmem>> -> memref<1x128xi32, #tpu.memory_space<vmem>>
      %dma_start3A_63 = tpu.memref_squeeze %dma_start3A_62 : memref<1x128xi32, #tpu.memory_space<vmem>> -> memref<128xi32, #tpu.memory_space<vmem>>
      %dma_start3A_64 = arith.constant 0 : i32
      %dma_start3A_65 = arith.constant 0 : i32
      %dma_start3A_66 = tpu.memref_slice %arg2[%dma_start3A_64, %dma_start3A_65] : memref<10240x128xf32, #tpu.memory_space<hbm>> -> memref<10240x128xf32, #tpu.memory_space<hbm>>
      tpu.enqueue_indirect_dma source(%dma_start3A_66 : memref<10240x128xf32, #tpu.memory_space<hbm>>) target(%dma_start3A_60 : memref<128x128xf32, #tpu.memory_space<vmem>>) offsets(%dma_start3A_63 : memref<128xi32, #tpu.memory_space<vmem>>) semaphore(%arg11 : memref<!tpu.dma_semaphore, #tpu.memory_space<semaphore_mem>>)
      %run_scoped3A = arith.constant 0 : i32
      "tpu.region"() ({
        %run_scoped3A_85 = tpu.sem_alloc : memref<!tpu.dma_semaphore, #tpu.memory_space<semaphore_mem>>
        %dma_start3A_86 = arith.constant 0 : i32
        %dma_start3A_87 = arith.constant 0 : i32
        %dma_start3A_88 = tpu.memref_slice %arg8[%run_scoped3A, %dma_start3A_86, %dma_start3A_87] : memref<2x128x128xf32, #tpu.memory_space<vmem>> -> memref<1x128x128xf32, #tpu.memory_space<vmem>>
        %dma_start3A_89 = tpu.memref_squeeze %dma_start3A_88 : memref<1x128x128xf32, #tpu.memory_space<vmem>> -> memref<128x128xf32, #tpu.memory_space<vmem>>
        %dma_start3A_90 = arith.constant 0 : i32
        %dma_start3A_91 = tpu.memref_slice %arg7[%mul3A_44, %dma_start3A_90] : memref<40x128xi32, #tpu.memory_space<vmem>> -> memref<1x128xi32, #tpu.memory_space<vmem>>
        %dma_start3A_92 = tpu.memref_squeeze %dma_start3A_91 : memref<1x128xi32, #tpu.memory_space<vmem>> -> memref<128xi32, #tpu.memory_space<vmem>>
        %dma_start3A_93 = arith.constant 0 : i32
        %dma_start3A_94 = arith.constant 0 : i32
        %dma_start3A_95 = tpu.memref_slice %arg9[%dma_start3A_93, %dma_start3A_94] : memref<10240x128xf32, #tpu.memory_space<vmem_shared>> -> memref<10240x128xf32, #tpu.memory_space<vmem_shared>>
        tpu.enqueue_indirect_dma source(%dma_start3A_89 : memref<128x128xf32, #tpu.memory_space<vmem>>) target(%dma_start3A_95 : memref<10240x128xf32, #tpu.memory_space<vmem_shared>>) offsets(%dma_start3A_92 : memref<128xi32, #tpu.memory_space<vmem>>) semaphore(%run_scoped3A_85 : memref<!tpu.dma_semaphore, #tpu.memory_space<semaphore_mem>>) {add = true}
        %dma_wait3A_96 = arith.constant 0 : i32
        %dma_wait3A_97 = arith.constant 0 : i32
        %dma_wait3A_98 = tpu.memref_slice %arg8[%run_scoped3A, %dma_wait3A_96, %dma_wait3A_97] : memref<2x128x128xf32, #tpu.memory_space<vmem>> -> memref<1x128x128xf32, #tpu.memory_space<vmem>>
        %dma_wait3A_99 = tpu.memref_squeeze %dma_wait3A_98 : memref<1x128x128xf32, #tpu.memory_space<vmem>> -> memref<128x128xf32, #tpu.memory_space<vmem>>
        %dma_wait3A_100 = arith.constant 0 : i32
        %dma_wait3A_101 = tpu.memref_slice %arg7[%mul3A_44, %dma_wait3A_100] : memref<40x128xi32, #tpu.memory_space<vmem>> -> memref<1x128xi32, #tpu.memory_space<vmem>>
        %dma_wait3A_102 = tpu.memref_squeeze %dma_wait3A_101 : memref<1x128xi32, #tpu.memory_space<vmem>> -> memref<128xi32, #tpu.memory_space<vmem>>
        %dma_wait3A_103 = arith.constant 0 : i32
        %dma_wait3A_104 = arith.constant 0 : i32
        %dma_wait3A_105 = tpu.memref_slice %arg9[%dma_wait3A_103, %dma_wait3A_104] : memref<10240x128xf32, #tpu.memory_space<vmem_shared>> -> memref<10240x128xf32, #tpu.memory_space<vmem_shared>>
        tpu.wait_indirect_dma semaphore(%run_scoped3A_85 : memref<!tpu.dma_semaphore, #tpu.memory_space<semaphore_mem>>) src(%dma_wait3A_99 : memref<128x128xf32, #tpu.memory_space<vmem>>) dst(%dma_wait3A_105 : memref<10240x128xf32, #tpu.memory_space<vmem_shared>>)
        tpu.yield
      }) : () -> ()
      %dma_wait3A_67 = arith.constant 1 : i32
      %dma_wait3A_68 = arith.constant 0 : i32
      %dma_wait3A_69 = arith.constant 0 : i32
      %dma_wait3A_70 = tpu.memref_slice %arg8[%dma_wait3A_67, %dma_wait3A_68, %dma_wait3A_69] : memref<2x128x128xf32, #tpu.memory_space<vmem>> -> memref<1x128x128xf32, #tpu.memory_space<vmem>>
      %dma_wait3A_71 = tpu.memref_squeeze %dma_wait3A_70 : memref<1x128x128xf32, #tpu.memory_space<vmem>> -> memref<128x128xf32, #tpu.memory_space<vmem>>
      %dma_wait3A_72 = arith.constant 0 : i32
      %dma_wait3A_73 = tpu.memref_slice %arg6[%add3A_45, %dma_wait3A_72] : memref<40x128xi32, #tpu.memory_space<vmem>> -> memref<1x128xi32, #tpu.memory_space<vmem>>
      %dma_wait3A_74 = tpu.memref_squeeze %dma_wait3A_73 : memref<1x128xi32, #tpu.memory_space<vmem>> -> memref<128xi32, #tpu.memory_space<vmem>>
      %dma_wait3A_75 = arith.constant 0 : i32
      %dma_wait3A_76 = arith.constant 0 : i32
      %dma_wait3A_77 = tpu.memref_slice %arg2[%dma_wait3A_75, %dma_wait3A_76] : memref<10240x128xf32, #tpu.memory_space<hbm>> -> memref<10240x128xf32, #tpu.memory_space<hbm>>
      tpu.wait_indirect_dma semaphore(%arg11 : memref<!tpu.dma_semaphore, #tpu.memory_space<semaphore_mem>>) src(%dma_wait3A_77 : memref<10240x128xf32, #tpu.memory_space<hbm>>) dst(%dma_wait3A_71 : memref<128x128xf32, #tpu.memory_space<vmem>>)
      %add3A_78 = arith.constant 1 : i32
      %add3A_79 = arith.addi %add3A_45, %add3A_78 : i32
      %lt3A = arith.constant 40 : i32
      %lt3A_80 = arith.cmpi slt, %add3A_79, %lt3A : i32
      %convert_element_type3A_81 = arith.extui %lt3A_80 : i1 to i32
      %cond3A_82 = arith.constant 0 : i32
      %cond3A_83 = arith.cmpi ne, %convert_element_type3A_81, %cond3A_82 : i32
      scf.if %cond3A_83 {
        %add3A_85 = arith.constant 1 : i32
        %add3A_86 = arith.addi %add3A_45, %add3A_85 : i32
        %dma_start3A_87 = arith.constant 0 : i32
        %dma_start3A_88 = arith.constant 0 : i32
        %dma_start3A_89 = arith.constant 0 : i32
        %dma_start3A_90 = tpu.memref_slice %arg8[%dma_start3A_87, %dma_start3A_88, %dma_start3A_89] : memref<2x128x128xf32, #tpu.memory_space<vmem>> -> memref<1x128x128xf32, #tpu.memory_space<vmem>>
        %dma_start3A_91 = tpu.memref_squeeze %dma_start3A_90 : memref<1x128x128xf32, #tpu.memory_space<vmem>> -> memref<128x128xf32, #tpu.memory_space<vmem>>
        %dma_start3A_92 = arith.constant 0 : i32
        %dma_start3A_93 = tpu.memref_slice %arg6[%add3A_86, %dma_start3A_92] : memref<40x128xi32, #tpu.memory_space<vmem>> -> memref<1x128xi32, #tpu.memory_space<vmem>>
        %dma_start3A_94 = tpu.memref_squeeze %dma_start3A_93 : memref<1x128xi32, #tpu.memory_space<vmem>> -> memref<128xi32, #tpu.memory_space<vmem>>
        %dma_start3A_95 = arith.constant 0 : i32
        %dma_start3A_96 = arith.constant 0 : i32
        %dma_start3A_97 = tpu.memref_slice %arg2[%dma_start3A_95, %dma_start3A_96] : memref<10240x128xf32, #tpu.memory_space<hbm>> -> memref<10240x128xf32, #tpu.memory_space<hbm>>
        tpu.enqueue_indirect_dma source(%dma_start3A_97 : memref<10240x128xf32, #tpu.memory_space<hbm>>) target(%dma_start3A_91 : memref<128x128xf32, #tpu.memory_space<vmem>>) offsets(%dma_start3A_94 : memref<128xi32, #tpu.memory_space<vmem>>) semaphore(%arg10 : memref<!tpu.dma_semaphore, #tpu.memory_space<semaphore_mem>>)
      } else {
      }
      %run_scoped3A_84 = arith.constant 1 : i32
      "tpu.region"() ({
        %run_scoped3A_85 = tpu.sem_alloc : memref<!tpu.dma_semaphore, #tpu.memory_space<semaphore_mem>>
        %dma_start3A_86 = arith.constant 0 : i32
        %dma_start3A_87 = arith.constant 0 : i32
        %dma_start3A_88 = tpu.memref_slice %arg8[%run_scoped3A_84, %dma_start3A_86, %dma_start3A_87] : memref<2x128x128xf32, #tpu.memory_space<vmem>> -> memref<1x128x128xf32, #tpu.memory_space<vmem>>
        %dma_start3A_89 = tpu.memref_squeeze %dma_start3A_88 : memref<1x128x128xf32, #tpu.memory_space<vmem>> -> memref<128x128xf32, #tpu.memory_space<vmem>>
        %dma_start3A_90 = arith.constant 0 : i32
        %dma_start3A_91 = tpu.memref_slice %arg7[%add3A_45, %dma_start3A_90] : memref<40x128xi32, #tpu.memory_space<vmem>> -> memref<1x128xi32, #tpu.memory_space<vmem>>
        %dma_start3A_92 = tpu.memref_squeeze %dma_start3A_91 : memref<1x128xi32, #tpu.memory_space<vmem>> -> memref<128xi32, #tpu.memory_space<vmem>>
        %dma_start3A_93 = arith.constant 0 : i32
        %dma_start3A_94 = arith.constant 0 : i32
        %dma_start3A_95 = tpu.memref_slice %arg9[%dma_start3A_93, %dma_start3A_94] : memref<10240x128xf32, #tpu.memory_space<vmem_shared>> -> memref<10240x128xf32, #tpu.memory_space<vmem_shared>>
        tpu.enqueue_indirect_dma source(%dma_start3A_89 : memref<128x128xf32, #tpu.memory_space<vmem>>) target(%dma_start3A_95 : memref<10240x128xf32, #tpu.memory_space<vmem_shared>>) offsets(%dma_start3A_92 : memref<128xi32, #tpu.memory_space<vmem>>) semaphore(%run_scoped3A_85 : memref<!tpu.dma_semaphore, #tpu.memory_space<semaphore_mem>>) {add = true}
        %dma_wait3A_96 = arith.constant 0 : i32
        %dma_wait3A_97 = arith.constant 0 : i32
        %dma_wait3A_98 = tpu.memref_slice %arg8[%run_scoped3A_84, %dma_wait3A_96, %dma_wait3A_97] : memref<2x128x128xf32, #tpu.memory_space<vmem>> -> memref<1x128x128xf32, #tpu.memory_space<vmem>>
        %dma_wait3A_99 = tpu.memref_squeeze %dma_wait3A_98 : memref<1x128x128xf32, #tpu.memory_space<vmem>> -> memref<128x128xf32, #tpu.memory_space<vmem>>
        %dma_wait3A_100 = arith.constant 0 : i32
        %dma_wait3A_101 = tpu.memref_slice %arg7[%add3A_45, %dma_wait3A_100] : memref<40x128xi32, #tpu.memory_space<vmem>> -> memref<1x128xi32, #tpu.memory_space<vmem>>
        %dma_wait3A_102 = tpu.memref_squeeze %dma_wait3A_101 : memref<1x128xi32, #tpu.memory_space<vmem>> -> memref<128xi32, #tpu.memory_space<vmem>>
        %dma_wait3A_103 = arith.constant 0 : i32
        %dma_wait3A_104 = arith.constant 0 : i32
        %dma_wait3A_105 = tpu.memref_slice %arg9[%dma_wait3A_103, %dma_wait3A_104] : memref<10240x128xf32, #tpu.memory_space<vmem_shared>> -> memref<10240x128xf32, #tpu.memory_space<vmem_shared>>
        tpu.wait_indirect_dma semaphore(%run_scoped3A_85 : memref<!tpu.dma_semaphore, #tpu.memory_space<semaphore_mem>>) src(%dma_wait3A_99 : memref<128x128xf32, #tpu.memory_space<vmem>>) dst(%dma_wait3A_105 : memref<10240x128xf32, #tpu.memory_space<vmem_shared>>)
        tpu.yield
      }) : () -> ()
    }
    %scan3A_22 = arith.constant 20 : i32
    "tpu.region"() ({
      %run_scoped3A = tpu.sem_alloc : memref<!tpu.dma_semaphore, #tpu.memory_space<semaphore_mem>>
      %dma_start3A_42 = arith.constant 40 : i32
      %dma_start3A_43 = arith.constant 0 : i32
      %dma_start3A_44 = tpu.memref_slice %arg3[%arg0, %arg1, %dma_start3A_42, %dma_start3A_43] : memref<2x16x80x128xi32, #tpu.memory_space<hbm>> -> memref<1x1x40x128xi32, #tpu.memory_space<hbm>>
      %dma_start3A_45 = tpu.memref_squeeze %dma_start3A_44 : memref<1x1x40x128xi32, #tpu.memory_space<hbm>> -> memref<40x128xi32, #tpu.memory_space<hbm>>
      %dma_start3A_46 = arith.constant 40 : i32
      %dma_start3A_47 = arith.constant 0 : i32
      %dma_start3A_48 = tpu.memref_slice %arg3[%arg0, %arg1, %dma_start3A_46, %dma_start3A_47] : memref<2x16x80x128xi32, #tpu.memory_space<hbm>> -> memref<1x1x40x128xi32, #tpu.memory_space<hbm>>
      %dma_start3A_49 = tpu.memref_squeeze %dma_start3A_48 : memref<1x1x40x128xi32, #tpu.memory_space<hbm>> -> memref<40x128xi32, #tpu.memory_space<hbm>>
      tpu.enqueue_dma source(%dma_start3A_49 : memref<40x128xi32, #tpu.memory_space<hbm>>) target(%arg6 : memref<40x128xi32, #tpu.memory_space<vmem>>) target_semaphore(%run_scoped3A : memref<!tpu.dma_semaphore, #tpu.memory_space<semaphore_mem>>)
      %dma_wait3A = arith.constant 40 : i32
      %dma_wait3A_50 = arith.constant 0 : i32
      %dma_wait3A_51 = tpu.memref_slice %arg3[%arg0, %arg1, %dma_wait3A, %dma_wait3A_50] : memref<2x16x80x128xi32, #tpu.memory_space<hbm>> -> memref<1x1x40x128xi32, #tpu.memory_space<hbm>>
      %dma_wait3A_52 = tpu.memref_squeeze %dma_wait3A_51 : memref<1x1x40x128xi32, #tpu.memory_space<hbm>> -> memref<40x128xi32, #tpu.memory_space<hbm>>
      %dma_wait3A_53 = arith.constant 40 : i32
      %dma_wait3A_54 = arith.constant 0 : i32
      %dma_wait3A_55 = tpu.memref_slice %arg3[%arg0, %arg1, %dma_wait3A_53, %dma_wait3A_54] : memref<2x16x80x128xi32, #tpu.memory_space<hbm>> -> memref<1x1x40x128xi32, #tpu.memory_space<hbm>>
      %dma_wait3A_56 = tpu.memref_squeeze %dma_wait3A_55 : memref<1x1x40x128xi32, #tpu.memory_space<hbm>> -> memref<40x128xi32, #tpu.memory_space<hbm>>
      tpu.wait_dma2 semaphore(%run_scoped3A : memref<!tpu.dma_semaphore, #tpu.memory_space<semaphore_mem>>) src(%dma_wait3A_56 : memref<40x128xi32, #tpu.memory_space<hbm>>) dst(%arg6 : memref<40x128xi32, #tpu.memory_space<vmem>>)
      tpu.yield
    }) : () -> ()
    "tpu.region"() ({
      %run_scoped3A = tpu.sem_alloc : memref<!tpu.dma_semaphore, #tpu.memory_space<semaphore_mem>>
      %dma_start3A_42 = arith.constant 40 : i32
      %dma_start3A_43 = arith.constant 0 : i32
      %dma_start3A_44 = tpu.memref_slice %arg4[%arg0, %arg1, %dma_start3A_42, %dma_start3A_43] : memref<2x16x80x128xi32, #tpu.memory_space<hbm>> -> memref<1x1x40x128xi32, #tpu.memory_space<hbm>>
      %dma_start3A_45 = tpu.memref_squeeze %dma_start3A_44 : memref<1x1x40x128xi32, #tpu.memory_space<hbm>> -> memref<40x128xi32, #tpu.memory_space<hbm>>
      %dma_start3A_46 = arith.constant 40 : i32
      %dma_start3A_47 = arith.constant 0 : i32
      %dma_start3A_48 = tpu.memref_slice %arg4[%arg0, %arg1, %dma_start3A_46, %dma_start3A_47] : memref<2x16x80x128xi32, #tpu.memory_space<hbm>> -> memref<1x1x40x128xi32, #tpu.memory_space<hbm>>
      %dma_start3A_49 = tpu.memref_squeeze %dma_start3A_48 : memref<1x1x40x128xi32, #tpu.memory_space<hbm>> -> memref<40x128xi32, #tpu.memory_space<hbm>>
      tpu.enqueue_dma source(%dma_start3A_49 : memref<40x128xi32, #tpu.memory_space<hbm>>) target(%arg7 : memref<40x128xi32, #tpu.memory_space<vmem>>) target_semaphore(%run_scoped3A : memref<!tpu.dma_semaphore, #tpu.memory_space<semaphore_mem>>)
      %dma_wait3A = arith.constant 40 : i32
      %dma_wait3A_50 = arith.constant 0 : i32
      %dma_wait3A_51 = tpu.memref_slice %arg4[%arg0, %arg1, %dma_wait3A, %dma_wait3A_50] : memref<2x16x80x128xi32, #tpu.memory_space<hbm>> -> memref<1x1x40x128xi32, #tpu.memory_space<hbm>>
      %dma_wait3A_52 = tpu.memref_squeeze %dma_wait3A_51 : memref<1x1x40x128xi32, #tpu.memory_space<hbm>> -> memref<40x128xi32, #tpu.memory_space<hbm>>
      %dma_wait3A_53 = arith.constant 40 : i32
      %dma_wait3A_54 = arith.constant 0 : i32
      %dma_wait3A_55 = tpu.memref_slice %arg4[%arg0, %arg1, %dma_wait3A_53, %dma_wait3A_54] : memref<2x16x80x128xi32, #tpu.memory_space<hbm>> -> memref<1x1x40x128xi32, #tpu.memory_space<hbm>>
      %dma_wait3A_56 = tpu.memref_squeeze %dma_wait3A_55 : memref<1x1x40x128xi32, #tpu.memory_space<hbm>> -> memref<40x128xi32, #tpu.memory_space<hbm>>
      tpu.wait_dma2 semaphore(%run_scoped3A : memref<!tpu.dma_semaphore, #tpu.memory_space<semaphore_mem>>) src(%dma_wait3A_56 : memref<40x128xi32, #tpu.memory_space<hbm>>) dst(%arg7 : memref<40x128xi32, #tpu.memory_space<vmem>>)
      tpu.yield
    }) : () -> ()
    %dma_start3A_23 = arith.constant 0 : i32
    %dma_start3A_24 = arith.constant 0 : i32
    %dma_start3A_25 = arith.constant 0 : i32
    %dma_start3A_26 = arith.constant 0 : i32
    %dma_start3A_27 = tpu.memref_slice %arg8[%dma_start3A_24, %dma_start3A_25, %dma_start3A_26] : memref<2x128x128xf32, #tpu.memory_space<vmem>> -> memref<1x128x128xf32, #tpu.memory_space<vmem>>
    %dma_start3A_28 = tpu.memref_squeeze %dma_start3A_27 : memref<1x128x128xf32, #tpu.memory_space<vmem>> -> memref<128x128xf32, #tpu.memory_space<vmem>>
    %dma_start3A_29 = arith.constant 0 : i32
    %dma_start3A_30 = tpu.memref_slice %arg6[%dma_start3A_23, %dma_start3A_29] : memref<40x128xi32, #tpu.memory_space<vmem>> -> memref<1x128xi32, #tpu.memory_space<vmem>>
    %dma_start3A_31 = tpu.memref_squeeze %dma_start3A_30 : memref<1x128xi32, #tpu.memory_space<vmem>> -> memref<128xi32, #tpu.memory_space<vmem>>
    %dma_start3A_32 = arith.constant 0 : i32
    %dma_start3A_33 = arith.constant 0 : i32
    %dma_start3A_34 = tpu.memref_slice %arg2[%dma_start3A_32, %dma_start3A_33] : memref<10240x128xf32, #tpu.memory_space<hbm>> -> memref<10240x128xf32, #tpu.memory_space<hbm>>
    tpu.enqueue_indirect_dma source(%dma_start3A_34 : memref<10240x128xf32, #tpu.memory_space<hbm>>) target(%dma_start3A_28 : memref<128x128xf32, #tpu.memory_space<vmem>>) offsets(%dma_start3A_31 : memref<128xi32, #tpu.memory_space<vmem>>) semaphore(%arg10 : memref<!tpu.dma_semaphore, #tpu.memory_space<semaphore_mem>>)
    %scan3A_35 = arith.constant 0 : i32
    %scan3A_36 = arith.constant 0 : i32
    %scan3A_37 = arith.constant 20 : i32
    %scan3A_38 = arith.addi %scan3A_36, %scan3A_37 : i32
    %scan3A_39 = arith.constant 1 : i32
    scf.for %scan3A_42 = %scan3A_36 to %scan3A_38 step %scan3A_39  : i32 {
      %mul3A_43 = arith.constant 2 : i32
      %mul3A_44 = arith.muli %mul3A_43, %scan3A_42 : i32
      %add3A = arith.constant 1 : i32
      %add3A_45 = arith.addi %mul3A_44, %add3A : i32
      %dma_wait3A = arith.constant 0 : i32
      %dma_wait3A_46 = arith.constant 0 : i32
      %dma_wait3A_47 = arith.constant 0 : i32
      %dma_wait3A_48 = tpu.memref_slice %arg8[%dma_wait3A, %dma_wait3A_46, %dma_wait3A_47] : memref<2x128x128xf32, #tpu.memory_space<vmem>> -> memref<1x128x128xf32, #tpu.memory_space<vmem>>
      %dma_wait3A_49 = tpu.memref_squeeze %dma_wait3A_48 : memref<1x128x128xf32, #tpu.memory_space<vmem>> -> memref<128x128xf32, #tpu.memory_space<vmem>>
      %dma_wait3A_50 = arith.constant 0 : i32
      %dma_wait3A_51 = tpu.memref_slice %arg6[%mul3A_44, %dma_wait3A_50] : memref<40x128xi32, #tpu.memory_space<vmem>> -> memref<1x128xi32, #tpu.memory_space<vmem>>
      %dma_wait3A_52 = tpu.memref_squeeze %dma_wait3A_51 : memref<1x128xi32, #tpu.memory_space<vmem>> -> memref<128xi32, #tpu.memory_space<vmem>>
      %dma_wait3A_53 = arith.constant 0 : i32
      %dma_wait3A_54 = arith.constant 0 : i32
      %dma_wait3A_55 = tpu.memref_slice %arg2[%dma_wait3A_53, %dma_wait3A_54] : memref<10240x128xf32, #tpu.memory_space<hbm>> -> memref<10240x128xf32, #tpu.memory_space<hbm>>
      tpu.wait_indirect_dma semaphore(%arg10 : memref<!tpu.dma_semaphore, #tpu.memory_space<semaphore_mem>>) src(%dma_wait3A_55 : memref<10240x128xf32, #tpu.memory_space<hbm>>) dst(%dma_wait3A_49 : memref<128x128xf32, #tpu.memory_space<vmem>>)
      %dma_start3A_56 = arith.constant 1 : i32
      %dma_start3A_57 = arith.constant 0 : i32
      %dma_start3A_58 = arith.constant 0 : i32
      %dma_start3A_59 = tpu.memref_slice %arg8[%dma_start3A_56, %dma_start3A_57, %dma_start3A_58] : memref<2x128x128xf32, #tpu.memory_space<vmem>> -> memref<1x128x128xf32, #tpu.memory_space<vmem>>
      %dma_start3A_60 = tpu.memref_squeeze %dma_start3A_59 : memref<1x128x128xf32, #tpu.memory_space<vmem>> -> memref<128x128xf32, #tpu.memory_space<vmem>>
      %dma_start3A_61 = arith.constant 0 : i32
      %dma_start3A_62 = tpu.memref_slice %arg6[%add3A_45, %dma_start3A_61] : memref<40x128xi32, #tpu.memory_space<vmem>> -> memref<1x128xi32, #tpu.memory_space<vmem>>
      %dma_start3A_63 = tpu.memref_squeeze %dma_start3A_62 : memref<1x128xi32, #tpu.memory_space<vmem>> -> memref<128xi32, #tpu.memory_space<vmem>>
      %dma_start3A_64 = arith.constant 0 : i32
      %dma_start3A_65 = arith.constant 0 : i32
      %dma_start3A_66 = tpu.memref_slice %arg2[%dma_start3A_64, %dma_start3A_65] : memref<10240x128xf32, #tpu.memory_space<hbm>> -> memref<10240x128xf32, #tpu.memory_space<hbm>>
      tpu.enqueue_indirect_dma source(%dma_start3A_66 : memref<10240x128xf32, #tpu.memory_space<hbm>>) target(%dma_start3A_60 : memref<128x128xf32, #tpu.memory_space<vmem>>) offsets(%dma_start3A_63 : memref<128xi32, #tpu.memory_space<vmem>>) semaphore(%arg11 : memref<!tpu.dma_semaphore, #tpu.memory_space<semaphore_mem>>)
      %run_scoped3A = arith.constant 0 : i32
      "tpu.region"() ({
        %run_scoped3A_85 = tpu.sem_alloc : memref<!tpu.dma_semaphore, #tpu.memory_space<semaphore_mem>>
        %dma_start3A_86 = arith.constant 0 : i32
        %dma_start3A_87 = arith.constant 0 : i32
        %dma_start3A_88 = tpu.memref_slice %arg8[%run_scoped3A, %dma_start3A_86, %dma_start3A_87] : memref<2x128x128xf32, #tpu.memory_space<vmem>> -> memref<1x128x128xf32, #tpu.memory_space<vmem>>
        %dma_start3A_89 = tpu.memref_squeeze %dma_start3A_88 : memref<1x128x128xf32, #tpu.memory_space<vmem>> -> memref<128x128xf32, #tpu.memory_space<vmem>>
        %dma_start3A_90 = arith.constant 0 : i32
        %dma_start3A_91 = tpu.memref_slice %arg7[%mul3A_44, %dma_start3A_90] : memref<40x128xi32, #tpu.memory_space<vmem>> -> memref<1x128xi32, #tpu.memory_space<vmem>>
        %dma_start3A_92 = tpu.memref_squeeze %dma_start3A_91 : memref<1x128xi32, #tpu.memory_space<vmem>> -> memref<128xi32, #tpu.memory_space<vmem>>
        %dma_start3A_93 = arith.constant 0 : i32
        %dma_start3A_94 = arith.constant 0 : i32
        %dma_start3A_95 = tpu.memref_slice %arg9[%dma_start3A_93, %dma_start3A_94] : memref<10240x128xf32, #tpu.memory_space<vmem_shared>> -> memref<10240x128xf32, #tpu.memory_space<vmem_shared>>
        tpu.enqueue_indirect_dma source(%dma_start3A_89 : memref<128x128xf32, #tpu.memory_space<vmem>>) target(%dma_start3A_95 : memref<10240x128xf32, #tpu.memory_space<vmem_shared>>) offsets(%dma_start3A_92 : memref<128xi32, #tpu.memory_space<vmem>>) semaphore(%run_scoped3A_85 : memref<!tpu.dma_semaphore, #tpu.memory_space<semaphore_mem>>) {add = true}
        %dma_wait3A_96 = arith.constant 0 : i32
        %dma_wait3A_97 = arith.constant 0 : i32
        %dma_wait3A_98 = tpu.memref_slice %arg8[%run_scoped3A, %dma_wait3A_96, %dma_wait3A_97] : memref<2x128x128xf32, #tpu.memory_space<vmem>> -> memref<1x128x128xf32, #tpu.memory_space<vmem>>
        %dma_wait3A_99 = tpu.memref_squeeze %dma_wait3A_98 : memref<1x128x128xf32, #tpu.memory_space<vmem>> -> memref<128x128xf32, #tpu.memory_space<vmem>>
        %dma_wait3A_100 = arith.constant 0 : i32
        %dma_wait3A_101 = tpu.memref_slice %arg7[%mul3A_44, %dma_wait3A_100] : memref<40x128xi32, #tpu.memory_space<vmem>> -> memref<1x128xi32, #tpu.memory_space<vmem>>
        %dma_wait3A_102 = tpu.memref_squeeze %dma_wait3A_101 : memref<1x128xi32, #tpu.memory_space<vmem>> -> memref<128xi32, #tpu.memory_space<vmem>>
        %dma_wait3A_103 = arith.constant 0 : i32
        %dma_wait3A_104 = arith.constant 0 : i32
        %dma_wait3A_105 = tpu.memref_slice %arg9[%dma_wait3A_103, %dma_wait3A_104] : memref<10240x128xf32, #tpu.memory_space<vmem_shared>> -> memref<10240x128xf32, #tpu.memory_space<vmem_shared>>
        tpu.wait_indirect_dma semaphore(%run_scoped3A_85 : memref<!tpu.dma_semaphore, #tpu.memory_space<semaphore_mem>>) src(%dma_wait3A_99 : memref<128x128xf32, #tpu.memory_space<vmem>>) dst(%dma_wait3A_105 : memref<10240x128xf32, #tpu.memory_space<vmem_shared>>)
        tpu.yield
      }) : () -> ()
      %dma_wait3A_67 = arith.constant 1 : i32
      %dma_wait3A_68 = arith.constant 0 : i32
      %dma_wait3A_69 = arith.constant 0 : i32
      %dma_wait3A_70 = tpu.memref_slice %arg8[%dma_wait3A_67, %dma_wait3A_68, %dma_wait3A_69] : memref<2x128x128xf32, #tpu.memory_space<vmem>> -> memref<1x128x128xf32, #tpu.memory_space<vmem>>
      %dma_wait3A_71 = tpu.memref_squeeze %dma_wait3A_70 : memref<1x128x128xf32, #tpu.memory_space<vmem>> -> memref<128x128xf32, #tpu.memory_space<vmem>>
      %dma_wait3A_72 = arith.constant 0 : i32
      %dma_wait3A_73 = tpu.memref_slice %arg6[%add3A_45, %dma_wait3A_72] : memref<40x128xi32, #tpu.memory_space<vmem>> -> memref<1x128xi32, #tpu.memory_space<vmem>>
      %dma_wait3A_74 = tpu.memref_squeeze %dma_wait3A_73 : memref<1x128xi32, #tpu.memory_space<vmem>> -> memref<128xi32, #tpu.memory_space<vmem>>
      %dma_wait3A_75 = arith.constant 0 : i32
      %dma_wait3A_76 = arith.constant 0 : i32
      %dma_wait3A_77 = tpu.memref_slice %arg2[%dma_wait3A_75, %dma_wait3A_76] : memref<10240x128xf32, #tpu.memory_space<hbm>> -> memref<10240x128xf32, #tpu.memory_space<hbm>>
      tpu.wait_indirect_dma semaphore(%arg11 : memref<!tpu.dma_semaphore, #tpu.memory_space<semaphore_mem>>) src(%dma_wait3A_77 : memref<10240x128xf32, #tpu.memory_space<hbm>>) dst(%dma_wait3A_71 : memref<128x128xf32, #tpu.memory_space<vmem>>)
      %add3A_78 = arith.constant 1 : i32
      %add3A_79 = arith.addi %add3A_45, %add3A_78 : i32
      %lt3A = arith.constant 40 : i32
      %lt3A_80 = arith.cmpi slt, %add3A_79, %lt3A : i32
      %convert_element_type3A_81 = arith.extui %lt3A_80 : i1 to i32
      %cond3A_82 = arith.constant 0 : i32
      %cond3A_83 = arith.cmpi ne, %convert_element_type3A_81, %cond3A_82 : i32
      scf.if %cond3A_83 {
        %add3A_85 = arith.constant 1 : i32
        %add3A_86 = arith.addi %add3A_45, %add3A_85 : i32
        %dma_start3A_87 = arith.constant 0 : i32
        %dma_start3A_88 = arith.constant 0 : i32
        %dma_start3A_89 = arith.constant 0 : i32
        %dma_start3A_90 = tpu.memref_slice %arg8[%dma_start3A_87, %dma_start3A_88, %dma_start3A_89] : memref<2x128x128xf32, #tpu.memory_space<vmem>> -> memref<1x128x128xf32, #tpu.memory_space<vmem>>
        %dma_start3A_91 = tpu.memref_squeeze %dma_start3A_90 : memref<1x128x128xf32, #tpu.memory_space<vmem>> -> memref<128x128xf32, #tpu.memory_space<vmem>>
        %dma_start3A_92 = arith.constant 0 : i32
        %dma_start3A_93 = tpu.memref_slice %arg6[%add3A_86, %dma_start3A_92] : memref<40x128xi32, #tpu.memory_space<vmem>> -> memref<1x128xi32, #tpu.memory_space<vmem>>
        %dma_start3A_94 = tpu.memref_squeeze %dma_start3A_93 : memref<1x128xi32, #tpu.memory_space<vmem>> -> memref<128xi32, #tpu.memory_space<vmem>>
        %dma_start3A_95 = arith.constant 0 : i32
        %dma_start3A_96 = arith.constant 0 : i32
        %dma_start3A_97 = tpu.memref_slice %arg2[%dma_start3A_95, %dma_start3A_96] : memref<10240x128xf32, #tpu.memory_space<hbm>> -> memref<10240x128xf32, #tpu.memory_space<hbm>>
        tpu.enqueue_indirect_dma source(%dma_start3A_97 : memref<10240x128xf32, #tpu.memory_space<hbm>>) target(%dma_start3A_91 : memref<128x128xf32, #tpu.memory_space<vmem>>) offsets(%dma_start3A_94 : memref<128xi32, #tpu.memory_space<vmem>>) semaphore(%arg10 : memref<!tpu.dma_semaphore, #tpu.memory_space<semaphore_mem>>)
      } else {
      }
      %run_scoped3A_84 = arith.constant 1 : i32
      "tpu.region"() ({
        %run_scoped3A_85 = tpu.sem_alloc : memref<!tpu.dma_semaphore, #tpu.memory_space<semaphore_mem>>
        %dma_start3A_86 = arith.constant 0 : i32
        %dma_start3A_87 = arith.constant 0 : i32
        %dma_start3A_88 = tpu.memref_slice %arg8[%run_scoped3A_84, %dma_start3A_86, %dma_start3A_87] : memref<2x128x128xf32, #tpu.memory_space<vmem>> -> memref<1x128x128xf32, #tpu.memory_space<vmem>>
        %dma_start3A_89 = tpu.memref_squeeze %dma_start3A_88 : memref<1x128x128xf32, #tpu.memory_space<vmem>> -> memref<128x128xf32, #tpu.memory_space<vmem>>
        %dma_start3A_90 = arith.constant 0 : i32
        %dma_start3A_91 = tpu.memref_slice %arg7[%add3A_45, %dma_start3A_90] : memref<40x128xi32, #tpu.memory_space<vmem>> -> memref<1x128xi32, #tpu.memory_space<vmem>>
        %dma_start3A_92 = tpu.memref_squeeze %dma_start3A_91 : memref<1x128xi32, #tpu.memory_space<vmem>> -> memref<128xi32, #tpu.memory_space<vmem>>
        %dma_start3A_93 = arith.constant 0 : i32
        %dma_start3A_94 = arith.constant 0 : i32
        %dma_start3A_95 = tpu.memref_slice %arg9[%dma_start3A_93, %dma_start3A_94] : memref<10240x128xf32, #tpu.memory_space<vmem_shared>> -> memref<10240x128xf32, #tpu.memory_space<vmem_shared>>
        tpu.enqueue_indirect_dma source(%dma_start3A_89 : memref<128x128xf32, #tpu.memory_space<vmem>>) target(%dma_start3A_95 : memref<10240x128xf32, #tpu.memory_space<vmem_shared>>) offsets(%dma_start3A_92 : memref<128xi32, #tpu.memory_space<vmem>>) semaphore(%run_scoped3A_85 : memref<!tpu.dma_semaphore, #tpu.memory_space<semaphore_mem>>) {add = true}
        %dma_wait3A_96 = arith.constant 0 : i32
        %dma_wait3A_97 = arith.constant 0 : i32
        %dma_wait3A_98 = tpu.memref_slice %arg8[%run_scoped3A_84, %dma_wait3A_96, %dma_wait3A_97] : memref<2x128x128xf32, #tpu.memory_space<vmem>> -> memref<1x128x128xf32, #tpu.memory_space<vmem>>
        %dma_wait3A_99 = tpu.memref_squeeze %dma_wait3A_98 : memref<1x128x128xf32, #tpu.memory_space<vmem>> -> memref<128x128xf32, #tpu.memory_space<vmem>>
        %dma_wait3A_100 = arith.constant 0 : i32
        %dma_wait3A_101 = tpu.memref_slice %arg7[%add3A_45, %dma_wait3A_100] : memref<40x128xi32, #tpu.memory_space<vmem>> -> memref<1x128xi32, #tpu.memory_space<vmem>>
        %dma_wait3A_102 = tpu.memref_squeeze %dma_wait3A_101 : memref<1x128xi32, #tpu.memory_space<vmem>> -> memref<128xi32, #tpu.memory_space<vmem>>
        %dma_wait3A_103 = arith.constant 0 : i32
        %dma_wait3A_104 = arith.constant 0 : i32
        %dma_wait3A_105 = tpu.memref_slice %arg9[%dma_wait3A_103, %dma_wait3A_104] : memref<10240x128xf32, #tpu.memory_space<vmem_shared>> -> memref<10240x128xf32, #tpu.memory_space<vmem_shared>>
        tpu.wait_indirect_dma semaphore(%run_scoped3A_85 : memref<!tpu.dma_semaphore, #tpu.memory_space<semaphore_mem>>) src(%dma_wait3A_99 : memref<128x128xf32, #tpu.memory_space<vmem>>) dst(%dma_wait3A_105 : memref<10240x128xf32, #tpu.memory_space<vmem_shared>>)
        tpu.yield
      }) : () -> ()
    }
    %scan3A_40 = arith.constant 20 : i32
    %barrier3A_41 = arith.constant 0 : index
    tpu.barrier barrier_id(%barrier3A_41)
    "tpu.region"() ({
      %run_scoped3A = tpu.sem_alloc : memref<!tpu.dma_semaphore, #tpu.memory_space<semaphore_mem>>
      %dma_start3A_42 = arith.constant 0 : i32
      %dma_start3A_43 = tpu.memref_slice %arg5[%arg0, %mul3A_0, %dma_start3A_42] : memref<2x10240x128xf32, #tpu.memory_space<hbm>> -> memref<1x640x128xf32, #tpu.memory_space<hbm>>
      %dma_start3A_44 = tpu.memref_squeeze %dma_start3A_43 : memref<1x640x128xf32, #tpu.memory_space<hbm>> -> memref<640x128xf32, #tpu.memory_space<hbm>>
      %dma_start3A_45 = arith.constant 0 : i32
      %dma_start3A_46 = tpu.memref_slice %arg9[%mul3A_0, %dma_start3A_45] : memref<10240x128xf32, #tpu.memory_space<vmem_shared>> -> memref<640x128xf32, #tpu.memory_space<vmem_shared>>
      tpu.enqueue_dma source(%dma_start3A_46 : memref<640x128xf32, #tpu.memory_space<vmem_shared>>) target(%dma_start3A_44 : memref<640x128xf32, #tpu.memory_space<hbm>>) target_semaphore(%run_scoped3A : memref<!tpu.dma_semaphore, #tpu.memory_space<semaphore_mem>>)
      %dma_wait3A = arith.constant 0 : i32
      %dma_wait3A_47 = tpu.memref_slice %arg5[%arg0, %mul3A_0, %dma_wait3A] : memref<2x10240x128xf32, #tpu.memory_space<hbm>> -> memref<1x640x128xf32, #tpu.memory_space<hbm>>
      %dma_wait3A_48 = tpu.memref_squeeze %dma_wait3A_47 : memref<1x640x128xf32, #tpu.memory_space<hbm>> -> memref<640x128xf32, #tpu.memory_space<hbm>>
      %dma_wait3A_49 = arith.constant 0 : i32
      %dma_wait3A_50 = tpu.memref_slice %arg9[%mul3A_0, %dma_wait3A_49] : memref<10240x128xf32, #tpu.memory_space<vmem_shared>> -> memref<640x128xf32, #tpu.memory_space<vmem_shared>>
      tpu.wait_dma2 semaphore(%run_scoped3A : memref<!tpu.dma_semaphore, #tpu.memory_space<semaphore_mem>>) src(%dma_wait3A_50 : memref<640x128xf32, #tpu.memory_space<vmem_shared>>) dst(%dma_wait3A_48 : memref<640x128xf32, #tpu.memory_space<hbm>>)
      tpu.yield
    }) : () -> ()
    return
  }
}

module attributes {stable_mosaic.version = 14 : i64} {
  func.func @_tc_pre_body(%arg0: i32, %arg1: memref<2048x128xf32, #tpu.memory_space<vmem>>, %arg2: memref<128x128xf32, #tpu.memory_space<vmem>>, %arg3: memref<32x16x128xf32, #tpu.memory_space<vmem>>, %arg4: memref<2048x128xf32, #tpu.memory_space<vmem>>) attributes {dimension_semantics = [#tpu.dimension_semantics<arbitrary>], iteration_bounds = array<i64: 5>, scalar_prefetch = 0 : i64, scratch_operands = 0 : i64, tpu.core_type = #tpu.core_type<tc>, window_params = [{transform_indices = @transform_0, window_bounds = array<i64: 2048, 128>}, {pipeline_mode = #tpu.pipeline_mode<synchronous>, transform_indices = @transform_1, window_bounds = array<i64: 128, 128>}, {transform_indices = @transform_2, window_bounds = array<i64: 32, 16, 128>}, {transform_indices = @transform_3, window_bounds = array<i64: 2048, 128>}]} {
    %get3A = arith.constant 0 : index
    %get3A_0 = arith.constant 0 : index
    %get3A_1 = vector.load %arg1[%get3A, %get3A_0] : memref<2048x128xf32, #tpu.memory_space<vmem>>, vector<2048x128xf32>
    %get3A_2 = arith.constant 0 : index
    %get3A_3 = arith.constant 0 : index
    %get3A_4 = vector.load %arg2[%get3A_2, %get3A_3] : memref<128x128xf32, #tpu.memory_space<vmem>>, vector<128x128xf32>
    %dot_general3A = arith.constant dense<0.000000e+00> : vector<2048x128xf32>
    %dot_general3A_5 = tpu.matmul %get3A_1, %get3A_4, %dot_general3A {dimension_numbers = #tpu.dot_dimension_numbers<[1], [0], [0], [1], [0, 0, 1, 1], [], []>, transpose_lhs_hint = false} : vector<2048x128xf32>, vector<128x128xf32>, vector<2048x128xf32> -> vector<2048x128xf32>
    %get3A_6 = arith.constant 0 : index
    %get3A_7 = arith.constant 0 : index
    %get3A_8 = arith.constant 0 : index
    %get3A_9 = vector.load %arg3[%get3A_6, %get3A_7, %get3A_8] : memref<32x16x128xf32, #tpu.memory_space<vmem>>, vector<32x16x128xf32>
    %reduce_sum3A = arith.constant dense<0.000000e+00> : vector<16x128xf32>
    %reduce_sum3A_10 = vector.multi_reduction <add>, %get3A_9, %reduce_sum3A [0] : vector<32x16x128xf32> to vector<16x128xf32>
    %iota3A = tpu.iota {dimensions = array<i32: 0>} : vector<2048x16xi32>
    %iota3A_11 = tpu.iota {dimensions = array<i32: 1>} : vector<2048x16xi32>
    %jit3A = arith.constant 128 : i32
    %div3A = vector.broadcast %jit3A : i32 to vector<2048x16xi32>
    %div3A_12 = arith.divsi %iota3A, %div3A : vector<2048x16xi32>
    %sign3A = arith.constant 0 : i32
    %sign3A_13 = vector.broadcast %sign3A : i32 to vector<2048x16xi32>
    %sign3A_14 = arith.cmpi sgt, %iota3A, %sign3A_13 : vector<2048x16xi32>
    %sign3A_15 = arith.extui %sign3A_14 : vector<2048x16xi1> to vector<2048x16xi32>
    %sign3A_16 = arith.constant 0 : i32
    %sign3A_17 = vector.broadcast %sign3A_16 : i32 to vector<2048x16xi32>
    %sign3A_18 = arith.cmpi slt, %iota3A, %sign3A_17 : vector<2048x16xi32>
    %sign3A_19 = arith.extui %sign3A_18 : vector<2048x16xi1> to vector<2048x16xi32>
    %sign3A_20 = arith.subi %sign3A_15, %sign3A_19 : vector<2048x16xi32>
    %sign3A_21 = arith.constant 0 : i32
    %sign3A_22 = arith.cmpi sgt, %jit3A, %sign3A_21 : i32
    %sign3A_23 = arith.extui %sign3A_22 : i1 to i32
    %sign3A_24 = arith.constant 0 : i32
    %sign3A_25 = arith.cmpi slt, %jit3A, %sign3A_24 : i32
    %sign3A_26 = arith.extui %sign3A_25 : i1 to i32
    %sign3A_27 = arith.subi %sign3A_23, %sign3A_26 : i32
    %ne3A = vector.broadcast %sign3A_27 : i32 to vector<2048x16xi32>
    %ne3A_28 = arith.cmpi ne, %sign3A_20, %ne3A : vector<2048x16xi32>
    %rem3A = vector.broadcast %jit3A : i32 to vector<2048x16xi32>
    %rem3A_29 = arith.remsi %iota3A, %rem3A : vector<2048x16xi32>
    %ne3A_30 = arith.constant 0 : i32
    %ne3A_31 = vector.broadcast %ne3A_30 : i32 to vector<2048x16xi32>
    %ne3A_32 = arith.cmpi ne, %rem3A_29, %ne3A_31 : vector<2048x16xi32>
    %and3A = arith.andi %ne3A_28, %ne3A_32 : vector<2048x16xi1>
    %sub3A = arith.constant 1 : i32
    %sub3A_33 = vector.broadcast %sub3A : i32 to vector<2048x16xi32>
    %sub3A_34 = arith.subi %div3A_12, %sub3A_33 : vector<2048x16xi32>
    %select_n3A = arith.select %and3A, %sub3A_34, %div3A_12 : vector<2048x16xi1>, vector<2048x16xi32>
    %eq3A = arith.cmpi eq, %select_n3A, %iota3A_11 : vector<2048x16xi32>
    %convert_element_type3A = arith.extui %eq3A : vector<2048x16xi1> to vector<2048x16xi32>
    %convert_element_type3A_35 = arith.sitofp %convert_element_type3A : vector<2048x16xi32> to vector<2048x16xf32>
    %dot_general3A_36 = arith.constant dense<0.000000e+00> : vector<2048x128xf32>
    %dot_general3A_37 = tpu.matmul %convert_element_type3A_35, %reduce_sum3A_10, %dot_general3A_36 {dimension_numbers = #tpu.dot_dimension_numbers<[1], [0], [0], [1], [0, 0, 1, 1], [], []>, transpose_lhs_hint = false} : vector<2048x16xf32>, vector<16x128xf32>, vector<2048x128xf32> -> vector<2048x128xf32>
    %iota3A_38 = tpu.iota {dimensions = array<i32: 1>} : vector<2048x128xi32>
    %iota3A_39 = tpu.iota {dimensions = array<i32: 0>} : vector<2048x128xi32>
    %jit3A_40 = arith.constant 128 : i32
    %eq3A_41 = arith.constant 0 : i32
    %eq3A_42 = arith.cmpi eq, %jit3A_40, %eq3A_41 : i32
    %jit3A_43 = arith.constant 1 : i32
    %select_n3A_44 = arith.select %eq3A_42, %jit3A_43, %jit3A_40 : i32
    %rem3A_45 = vector.broadcast %select_n3A_44 : i32 to vector<2048x128xi32>
    %rem3A_46 = arith.remsi %iota3A_39, %rem3A_45 : vector<2048x128xi32>
    %ne3A_47 = arith.constant 0 : i32
    %ne3A_48 = vector.broadcast %ne3A_47 : i32 to vector<2048x128xi32>
    %ne3A_49 = arith.cmpi ne, %rem3A_46, %ne3A_48 : vector<2048x128xi32>
    %lt3A = arith.constant 0 : i32
    %lt3A_50 = vector.broadcast %lt3A : i32 to vector<2048x128xi32>
    %lt3A_51 = arith.cmpi slt, %rem3A_46, %lt3A_50 : vector<2048x128xi32>
    %lt3A_52 = arith.constant 0 : i32
    %lt3A_53 = arith.cmpi slt, %select_n3A_44, %lt3A_52 : i32
    %ne3A_54 = vector.broadcast %lt3A_53 : i1 to vector<2048x128xi1>
    %ne3A_55 = vector.broadcast %ne3A_54 : vector<2048x128xi1> to vector<2048x128xi1>
    %ne3A_56 = arith.xori %lt3A_51, %ne3A_55 : vector<2048x128xi1>
    %and3A_57 = arith.andi %ne3A_56, %ne3A_49 : vector<2048x128xi1>
    %add3A = vector.broadcast %select_n3A_44 : i32 to vector<2048x128xi32>
    %add3A_58 = arith.addi %rem3A_46, %add3A : vector<2048x128xi32>
    %select_n3A_59 = arith.select %and3A_57, %add3A_58, %rem3A_46 : vector<2048x128xi1>, vector<2048x128xi32>
    %eq3A_60 = arith.cmpi eq, %iota3A_38, %select_n3A_59 : vector<2048x128xi32>
    %convert_element_type3A_61 = arith.extui %eq3A_60 : vector<2048x128xi1> to vector<2048x128xi32>
    %convert_element_type3A_62 = arith.sitofp %convert_element_type3A_61 : vector<2048x128xi32> to vector<2048x128xf32>
    %mul3A = arith.mulf %dot_general3A_37, %convert_element_type3A_62 : vector<2048x128xf32>
    %reduce_sum3A_63 = arith.constant dense<0.000000e+00> : vector<2048xf32>
    %reduce_sum3A_64 = vector.multi_reduction <add>, %mul3A, %reduce_sum3A_63 [1] : vector<2048x128xf32> to vector<2048xf32>
    %broadcast_in_dim3A = vector.shape_cast %reduce_sum3A_64 : vector<2048xf32> to vector<2048x1xf32>
    %add3A_65 = arith.constant 1.000000e+00 : f32
    %add3A_66 = vector.broadcast %add3A_65 : f32 to vector<2048x1xf32>
    %add3A_67 = arith.addf %broadcast_in_dim3A, %add3A_66 : vector<2048x1xf32>
    %rsqrt3A = math.rsqrt %add3A_67 : vector<2048x1xf32>
    %mul3A_68 = vector.broadcast %rsqrt3A : vector<2048x1xf32> to vector<2048x128xf32>
    %mul3A_69 = arith.mulf %dot_general3A_5, %mul3A_68 : vector<2048x128xf32>
    %swap3A = arith.constant 0 : index
    %swap3A_70 = arith.constant 0 : index
    %swap3A_71 = vector.load %arg4[%swap3A, %swap3A_70] : memref<2048x128xf32, #tpu.memory_space<vmem>>, vector<2048x128xf32>
    tpu.vector_store %arg4[%swap3A, %swap3A_70], %mul3A_69 {strides = array<i32>} : memref<2048x128xf32, #tpu.memory_space<vmem>>, vector<2048x128xf32>,
    return
  }
  func.func @transform_0(%arg0: i32) -> (i32, i32) {
    %c0_i32 = arith.constant 0 : i32
    %c0_i32_0 = arith.constant 0 : i32
    return %arg0, %c0_i32 : i32, i32
  }
  func.func @transform_1(%arg0: i32) -> (i32, i32) {
    %c0_i32 = arith.constant 0 : i32
    %c0_i32_0 = arith.constant 0 : i32
    %c0_i32_1 = arith.constant 0 : i32
    return %c0_i32, %c0_i32_0 : i32, i32
  }
  func.func @transform_2(%arg0: i32) -> (i32, i32, i32) {
    %c0_i32 = arith.constant 0 : i32
    %c0_i32_0 = arith.constant 0 : i32
    %c0_i32_1 = arith.constant 0 : i32
    return %c0_i32, %arg0, %c0_i32_0 : i32, i32, i32
  }
  func.func @transform_3(%arg0: i32) -> (i32, i32) {
    %c0_i32 = arith.constant 0 : i32
    %c0_i32_0 = arith.constant 0 : i32
    return %arg0, %c0_i32 : i32, i32
  }
}

module attributes {stable_mosaic.version = 14 : i64} {
  func.func @_tc_mid_body(%arg0: i32, %arg1: memref<2x2048x128xf32, #tpu.memory_space<vmem>>, %arg2: memref<32x16x128xf32, #tpu.memory_space<vmem>>, %arg3: memref<1x128xf32, #tpu.memory_space<vmem>>, %arg4: memref<128x128xf32, #tpu.memory_space<vmem>>, %arg5: memref<2048x128xf32, #tpu.memory_space<vmem>>) attributes {dimension_semantics = [#tpu.dimension_semantics<arbitrary>], iteration_bounds = array<i64: 5>, scalar_prefetch = 0 : i64, scratch_operands = 0 : i64, tpu.core_type = #tpu.core_type<tc>, window_params = [{transform_indices = @transform_0, window_bounds = array<i64: 2, 2048, 128>}, {transform_indices = @transform_1, window_bounds = array<i64: 32, 16, 128>}, {pipeline_mode = #tpu.pipeline_mode<synchronous>, transform_indices = @transform_2, window_bounds = array<i64: 1, 128>}, {pipeline_mode = #tpu.pipeline_mode<synchronous>, transform_indices = @transform_3, window_bounds = array<i64: 128, 128>}, {transform_indices = @transform_4, window_bounds = array<i64: 2048, 128>}]} {
    %get3A = arith.constant 0 : index
    %get3A_0 = arith.constant 0 : index
    %get3A_1 = arith.constant 0 : index
    %get3A_2 = vector.load %arg2[%get3A, %get3A_0, %get3A_1] : memref<32x16x128xf32, #tpu.memory_space<vmem>>, vector<32x16x128xf32>
    %reduce_sum3A = arith.constant dense<0.000000e+00> : vector<16x128xf32>
    %reduce_sum3A_3 = vector.multi_reduction <add>, %get3A_2, %reduce_sum3A [0] : vector<32x16x128xf32> to vector<16x128xf32>
    %iota3A = tpu.iota {dimensions = array<i32: 0>} : vector<2048x16xi32>
    %iota3A_4 = tpu.iota {dimensions = array<i32: 1>} : vector<2048x16xi32>
    %jit3A = arith.constant 128 : i32
    %div3A = vector.broadcast %jit3A : i32 to vector<2048x16xi32>
    %div3A_5 = arith.divsi %iota3A, %div3A : vector<2048x16xi32>
    %sign3A = arith.constant 0 : i32
    %sign3A_6 = vector.broadcast %sign3A : i32 to vector<2048x16xi32>
    %sign3A_7 = arith.cmpi sgt, %iota3A, %sign3A_6 : vector<2048x16xi32>
    %sign3A_8 = arith.extui %sign3A_7 : vector<2048x16xi1> to vector<2048x16xi32>
    %sign3A_9 = arith.constant 0 : i32
    %sign3A_10 = vector.broadcast %sign3A_9 : i32 to vector<2048x16xi32>
    %sign3A_11 = arith.cmpi slt, %iota3A, %sign3A_10 : vector<2048x16xi32>
    %sign3A_12 = arith.extui %sign3A_11 : vector<2048x16xi1> to vector<2048x16xi32>
    %sign3A_13 = arith.subi %sign3A_8, %sign3A_12 : vector<2048x16xi32>
    %sign3A_14 = arith.constant 0 : i32
    %sign3A_15 = arith.cmpi sgt, %jit3A, %sign3A_14 : i32
    %sign3A_16 = arith.extui %sign3A_15 : i1 to i32
    %sign3A_17 = arith.constant 0 : i32
    %sign3A_18 = arith.cmpi slt, %jit3A, %sign3A_17 : i32
    %sign3A_19 = arith.extui %sign3A_18 : i1 to i32
    %sign3A_20 = arith.subi %sign3A_16, %sign3A_19 : i32
    %ne3A = vector.broadcast %sign3A_20 : i32 to vector<2048x16xi32>
    %ne3A_21 = arith.cmpi ne, %sign3A_13, %ne3A : vector<2048x16xi32>
    %rem3A = vector.broadcast %jit3A : i32 to vector<2048x16xi32>
    %rem3A_22 = arith.remsi %iota3A, %rem3A : vector<2048x16xi32>
    %ne3A_23 = arith.constant 0 : i32
    %ne3A_24 = vector.broadcast %ne3A_23 : i32 to vector<2048x16xi32>
    %ne3A_25 = arith.cmpi ne, %rem3A_22, %ne3A_24 : vector<2048x16xi32>
    %and3A = arith.andi %ne3A_21, %ne3A_25 : vector<2048x16xi1>
    %sub3A = arith.constant 1 : i32
    %sub3A_26 = vector.broadcast %sub3A : i32 to vector<2048x16xi32>
    %sub3A_27 = arith.subi %div3A_5, %sub3A_26 : vector<2048x16xi32>
    %select_n3A = arith.select %and3A, %sub3A_27, %div3A_5 : vector<2048x16xi1>, vector<2048x16xi32>
    %eq3A = arith.cmpi eq, %select_n3A, %iota3A_4 : vector<2048x16xi32>
    %convert_element_type3A = arith.extui %eq3A : vector<2048x16xi1> to vector<2048x16xi32>
    %convert_element_type3A_28 = arith.sitofp %convert_element_type3A : vector<2048x16xi32> to vector<2048x16xf32>
    %dot_general3A = arith.constant dense<0.000000e+00> : vector<2048x128xf32>
    %dot_general3A_29 = tpu.matmul %convert_element_type3A_28, %reduce_sum3A_3, %dot_general3A {dimension_numbers = #tpu.dot_dimension_numbers<[1], [0], [0], [1], [0, 0, 1, 1], [], []>, transpose_lhs_hint = false} : vector<2048x16xf32>, vector<16x128xf32>, vector<2048x128xf32> -> vector<2048x128xf32>
    %iota3A_30 = tpu.iota {dimensions = array<i32: 1>} : vector<2048x128xi32>
    %iota3A_31 = tpu.iota {dimensions = array<i32: 0>} : vector<2048x128xi32>
    %jit3A_32 = arith.constant 128 : i32
    %eq3A_33 = arith.constant 0 : i32
    %eq3A_34 = arith.cmpi eq, %jit3A_32, %eq3A_33 : i32
    %jit3A_35 = arith.constant 1 : i32
    %select_n3A_36 = arith.select %eq3A_34, %jit3A_35, %jit3A_32 : i32
    %rem3A_37 = vector.broadcast %select_n3A_36 : i32 to vector<2048x128xi32>
    %rem3A_38 = arith.remsi %iota3A_31, %rem3A_37 : vector<2048x128xi32>
    %ne3A_39 = arith.constant 0 : i32
    %ne3A_40 = vector.broadcast %ne3A_39 : i32 to vector<2048x128xi32>
    %ne3A_41 = arith.cmpi ne, %rem3A_38, %ne3A_40 : vector<2048x128xi32>
    %lt3A = arith.constant 0 : i32
    %lt3A_42 = vector.broadcast %lt3A : i32 to vector<2048x128xi32>
    %lt3A_43 = arith.cmpi slt, %rem3A_38, %lt3A_42 : vector<2048x128xi32>
    %lt3A_44 = arith.constant 0 : i32
    %lt3A_45 = arith.cmpi slt, %select_n3A_36, %lt3A_44 : i32
    %ne3A_46 = vector.broadcast %lt3A_45 : i1 to vector<2048x128xi1>
    %ne3A_47 = vector.broadcast %ne3A_46 : vector<2048x128xi1> to vector<2048x128xi1>
    %ne3A_48 = arith.xori %lt3A_43, %ne3A_47 : vector<2048x128xi1>
    %and3A_49 = arith.andi %ne3A_48, %ne3A_41 : vector<2048x128xi1>
    %add3A = vector.broadcast %select_n3A_36 : i32 to vector<2048x128xi32>
    %add3A_50 = arith.addi %rem3A_38, %add3A : vector<2048x128xi32>
    %select_n3A_51 = arith.select %and3A_49, %add3A_50, %rem3A_38 : vector<2048x128xi1>, vector<2048x128xi32>
    %eq3A_52 = arith.cmpi eq, %iota3A_30, %select_n3A_51 : vector<2048x128xi32>
    %convert_element_type3A_53 = arith.extui %eq3A_52 : vector<2048x128xi1> to vector<2048x128xi32>
    %convert_element_type3A_54 = arith.sitofp %convert_element_type3A_53 : vector<2048x128xi32> to vector<2048x128xf32>
    %mul3A = arith.mulf %dot_general3A_29, %convert_element_type3A_54 : vector<2048x128xf32>
    %reduce_sum3A_55 = arith.constant dense<0.000000e+00> : vector<2048xf32>
    %reduce_sum3A_56 = vector.multi_reduction <add>, %mul3A, %reduce_sum3A_55 [1] : vector<2048x128xf32> to vector<2048xf32>
    %broadcast_in_dim3A = vector.shape_cast %reduce_sum3A_56 : vector<2048xf32> to vector<2048x1xf32>
    %add3A_57 = arith.constant 1.000000e+00 : f32
    %add3A_58 = vector.broadcast %add3A_57 : f32 to vector<2048x1xf32>
    %add3A_59 = arith.addf %broadcast_in_dim3A, %add3A_58 : vector<2048x1xf32>
    %rsqrt3A = math.rsqrt %add3A_59 : vector<2048x1xf32>
    %get3A_60 = arith.constant 0 : index
    %get3A_61 = arith.constant 0 : index
    %get3A_62 = arith.constant 0 : index
    %get3A_63 = vector.load %arg1[%get3A_60, %get3A_61, %get3A_62] : memref<2x2048x128xf32, #tpu.memory_space<vmem>>, vector<1x2048x128xf32>
    %get3A_64 = vector.shape_cast %get3A_63 : vector<1x2048x128xf32> to vector<2048x128xf32>
    %get3A_65 = arith.constant 1 : index
    %get3A_66 = arith.constant 0 : index
    %get3A_67 = arith.constant 0 : index
    %get3A_68 = vector.load %arg1[%get3A_65, %get3A_66, %get3A_67] : memref<2x2048x128xf32, #tpu.memory_space<vmem>>, vector<1x2048x128xf32>
    %get3A_69 = vector.shape_cast %get3A_68 : vector<1x2048x128xf32> to vector<2048x128xf32>
    %add3A_70 = arith.addf %get3A_64, %get3A_69 : vector<2048x128xf32>
    %mul3A_71 = vector.broadcast %rsqrt3A : vector<2048x1xf32> to vector<2048x128xf32>
    %mul3A_72 = arith.mulf %add3A_70, %mul3A_71 : vector<2048x128xf32>
    %get3A_73 = arith.constant 0 : index
    %get3A_74 = arith.constant 0 : index
    %get3A_75 = vector.load %arg3[%get3A_73, %get3A_74] : memref<1x128xf32, #tpu.memory_space<vmem>>, vector<1x128xf32>
    %add3A_76 = vector.broadcast %get3A_75 : vector<1x128xf32> to vector<2048x128xf32>
    %add3A_77 = arith.addf %mul3A_72, %add3A_76 : vector<2048x128xf32>
    %max3A = arith.constant 0.000000e+00 : f32
    %max3A_78 = vector.broadcast %max3A : f32 to vector<2048x128xf32>
    %max3A_79 = arith.maximumf %add3A_77, %max3A_78 : vector<2048x128xf32>
    %get3A_80 = arith.constant 0 : index
    %get3A_81 = arith.constant 0 : index
    %get3A_82 = vector.load %arg4[%get3A_80, %get3A_81] : memref<128x128xf32, #tpu.memory_space<vmem>>, vector<128x128xf32>
    %dot_general3A_83 = arith.constant dense<0.000000e+00> : vector<2048x128xf32>
    %dot_general3A_84 = tpu.matmul %max3A_79, %get3A_82, %dot_general3A_83 {dimension_numbers = #tpu.dot_dimension_numbers<[1], [0], [0], [1], [0, 0, 1, 1], [], []>, transpose_lhs_hint = false} : vector<2048x128xf32>, vector<128x128xf32>, vector<2048x128xf32> -> vector<2048x128xf32>
    %mul3A_85 = vector.broadcast %rsqrt3A : vector<2048x1xf32> to vector<2048x128xf32>
    %mul3A_86 = arith.mulf %dot_general3A_84, %mul3A_85 : vector<2048x128xf32>
    %swap3A = arith.constant 0 : index
    %swap3A_87 = arith.constant 0 : index
    %swap3A_88 = vector.load %arg5[%swap3A, %swap3A_87] : memref<2048x128xf32, #tpu.memory_space<vmem>>, vector<2048x128xf32>
    tpu.vector_store %arg5[%swap3A, %swap3A_87], %mul3A_86 {strides = array<i32>} : memref<2048x128xf32, #tpu.memory_space<vmem>>, vector<2048x128xf32>,
    return
  }
  func.func @transform_0(%arg0: i32) -> (i32, i32, i32) {
    %c0_i32 = arith.constant 0 : i32
    %c0_i32_0 = arith.constant 0 : i32
    %c0_i32_1 = arith.constant 0 : i32
    return %c0_i32, %arg0, %c0_i32_0 : i32, i32, i32
  }
  func.func @transform_1(%arg0: i32) -> (i32, i32, i32) {
    %c0_i32 = arith.constant 0 : i32
    %c0_i32_0 = arith.constant 0 : i32
    %c0_i32_1 = arith.constant 0 : i32
    return %c0_i32, %arg0, %c0_i32_0 : i32, i32, i32
  }
  func.func @transform_2(%arg0: i32) -> (i32, i32) {
    %c0_i32 = arith.constant 0 : i32
    %c0_i32_0 = arith.constant 0 : i32
    %c0_i32_1 = arith.constant 0 : i32
    return %c0_i32, %c0_i32_0 : i32, i32
  }
  func.func @transform_3(%arg0: i32) -> (i32, i32) {
    %c0_i32 = arith.constant 0 : i32
    %c0_i32_0 = arith.constant 0 : i32
    %c0_i32_1 = arith.constant 0 : i32
    return %c0_i32, %c0_i32_0 : i32, i32
  }
  func.func @transform_4(%arg0: i32) -> (i32, i32) {
    %c0_i32 = arith.constant 0 : i32
    %c0_i32_0 = arith.constant 0 : i32
    return %arg0, %c0_i32 : i32, i32
  }
}

module attributes {stable_mosaic.version = 14 : i64} {
  func.func @_tc_pool_body(%arg0: i32, %arg1: memref<2x2048x128xf32, #tpu.memory_space<vmem>>, %arg2: memref<32x16x128xf32, #tpu.memory_space<vmem>>, %arg3: memref<1x128xf32, #tpu.memory_space<vmem>>, %arg4: memref<1x1x2048xi32, #tpu.memory_space<vmem>>, %arg5: memref<128x128xf32, #tpu.memory_space<vmem>>, %arg6: memref<128x128xf32, #tpu.memory_space<vmem>>, %arg7: memref<128x128xf32, #tpu.memory_space<vmem>>) attributes {dimension_semantics = [#tpu.dimension_semantics<arbitrary>], iteration_bounds = array<i64: 5>, scalar_prefetch = 0 : i64, scratch_operands = 2 : i64, tpu.core_type = #tpu.core_type<tc>, window_params = [{transform_indices = @transform_0, window_bounds = array<i64: 2, 2048, 128>}, {transform_indices = @transform_1, window_bounds = array<i64: 32, 16, 128>}, {pipeline_mode = #tpu.pipeline_mode<synchronous>, transform_indices = @transform_2, window_bounds = array<i64: 1, 128>}, {transform_indices = @transform_3, window_bounds = array<i64: 1, 1, 2048>}, {pipeline_mode = #tpu.pipeline_mode<synchronous>, transform_indices = @transform_4, window_bounds = array<i64: 128, 128>}]} {
    %eq3A = arith.constant 0 : i32
    %eq3A_0 = arith.cmpi eq, %arg0, %eq3A : i32
    %convert_element_type3A = arith.extui %eq3A_0 : i1 to i32
    %cond3A = arith.constant 0 : i32
    %cond3A_1 = arith.cmpi ne, %convert_element_type3A, %cond3A : i32
    scf.if %cond3A_1 {
      %broadcast_in_dim3A_117 = arith.constant 0.000000e+00 : f32
      %broadcast_in_dim3A_118 = vector.broadcast %broadcast_in_dim3A_117 : f32 to vector<128x128xf32>
      %swap3A_119 = arith.constant 0 : index
      %swap3A_120 = arith.constant 0 : index
      %swap3A_121 = vector.load %arg6[%swap3A_119, %swap3A_120] : memref<128x128xf32, #tpu.memory_space<vmem>>, vector<128x128xf32>
      tpu.vector_store %arg6[%swap3A_119, %swap3A_120], %broadcast_in_dim3A_118 {strides = array<i32>} : memref<128x128xf32, #tpu.memory_space<vmem>>, vector<128x128xf32>,
      %broadcast_in_dim3A_122 = arith.constant 0.000000e+00 : f32
      %broadcast_in_dim3A_123 = vector.broadcast %broadcast_in_dim3A_122 : f32 to vector<128x128xf32>
      %swap3A_124 = arith.constant 0 : index
      %swap3A_125 = arith.constant 0 : index
      %swap3A_126 = vector.load %arg7[%swap3A_124, %swap3A_125] : memref<128x128xf32, #tpu.memory_space<vmem>>, vector<128x128xf32>
      tpu.vector_store %arg7[%swap3A_124, %swap3A_125], %broadcast_in_dim3A_123 {strides = array<i32>} : memref<128x128xf32, #tpu.memory_space<vmem>>, vector<128x128xf32>,
    } else {
    }
    %get3A = arith.constant 0 : index
    %get3A_2 = arith.constant 0 : index
    %get3A_3 = arith.constant 0 : index
    %get3A_4 = vector.load %arg2[%get3A, %get3A_2, %get3A_3] : memref<32x16x128xf32, #tpu.memory_space<vmem>>, vector<32x16x128xf32>
    %reduce_sum3A = arith.constant dense<0.000000e+00> : vector<16x128xf32>
    %reduce_sum3A_5 = vector.multi_reduction <add>, %get3A_4, %reduce_sum3A [0] : vector<32x16x128xf32> to vector<16x128xf32>
    %iota3A = tpu.iota {dimensions = array<i32: 0>} : vector<2048x16xi32>
    %iota3A_6 = tpu.iota {dimensions = array<i32: 1>} : vector<2048x16xi32>
    %jit3A = arith.constant 128 : i32
    %div3A = vector.broadcast %jit3A : i32 to vector<2048x16xi32>
    %div3A_7 = arith.divsi %iota3A, %div3A : vector<2048x16xi32>
    %sign3A = arith.constant 0 : i32
    %sign3A_8 = vector.broadcast %sign3A : i32 to vector<2048x16xi32>
    %sign3A_9 = arith.cmpi sgt, %iota3A, %sign3A_8 : vector<2048x16xi32>
    %sign3A_10 = arith.extui %sign3A_9 : vector<2048x16xi1> to vector<2048x16xi32>
    %sign3A_11 = arith.constant 0 : i32
    %sign3A_12 = vector.broadcast %sign3A_11 : i32 to vector<2048x16xi32>
    %sign3A_13 = arith.cmpi slt, %iota3A, %sign3A_12 : vector<2048x16xi32>
    %sign3A_14 = arith.extui %sign3A_13 : vector<2048x16xi1> to vector<2048x16xi32>
    %sign3A_15 = arith.subi %sign3A_10, %sign3A_14 : vector<2048x16xi32>
    %sign3A_16 = arith.constant 0 : i32
    %sign3A_17 = arith.cmpi sgt, %jit3A, %sign3A_16 : i32
    %sign3A_18 = arith.extui %sign3A_17 : i1 to i32
    %sign3A_19 = arith.constant 0 : i32
    %sign3A_20 = arith.cmpi slt, %jit3A, %sign3A_19 : i32
    %sign3A_21 = arith.extui %sign3A_20 : i1 to i32
    %sign3A_22 = arith.subi %sign3A_18, %sign3A_21 : i32
    %ne3A = vector.broadcast %sign3A_22 : i32 to vector<2048x16xi32>
    %ne3A_23 = arith.cmpi ne, %sign3A_15, %ne3A : vector<2048x16xi32>
    %rem3A = vector.broadcast %jit3A : i32 to vector<2048x16xi32>
    %rem3A_24 = arith.remsi %iota3A, %rem3A : vector<2048x16xi32>
    %ne3A_25 = arith.constant 0 : i32
    %ne3A_26 = vector.broadcast %ne3A_25 : i32 to vector<2048x16xi32>
    %ne3A_27 = arith.cmpi ne, %rem3A_24, %ne3A_26 : vector<2048x16xi32>
    %and3A = arith.andi %ne3A_23, %ne3A_27 : vector<2048x16xi1>
    %sub3A = arith.constant 1 : i32
    %sub3A_28 = vector.broadcast %sub3A : i32 to vector<2048x16xi32>
    %sub3A_29 = arith.subi %div3A_7, %sub3A_28 : vector<2048x16xi32>
    %select_n3A = arith.select %and3A, %sub3A_29, %div3A_7 : vector<2048x16xi1>, vector<2048x16xi32>
    %eq3A_30 = arith.cmpi eq, %select_n3A, %iota3A_6 : vector<2048x16xi32>
    %convert_element_type3A_31 = arith.extui %eq3A_30 : vector<2048x16xi1> to vector<2048x16xi32>
    %convert_element_type3A_32 = arith.sitofp %convert_element_type3A_31 : vector<2048x16xi32> to vector<2048x16xf32>
    %dot_general3A = arith.constant dense<0.000000e+00> : vector<2048x128xf32>
    %dot_general3A_33 = tpu.matmul %convert_element_type3A_32, %reduce_sum3A_5, %dot_general3A {dimension_numbers = #tpu.dot_dimension_numbers<[1], [0], [0], [1], [0, 0, 1, 1], [], []>, transpose_lhs_hint = false} : vector<2048x16xf32>, vector<16x128xf32>, vector<2048x128xf32> -> vector<2048x128xf32>
    %iota3A_34 = tpu.iota {dimensions = array<i32: 1>} : vector<2048x128xi32>
    %iota3A_35 = tpu.iota {dimensions = array<i32: 0>} : vector<2048x128xi32>
    %jit3A_36 = arith.constant 128 : i32
    %eq3A_37 = arith.constant 0 : i32
    %eq3A_38 = arith.cmpi eq, %jit3A_36, %eq3A_37 : i32
    %jit3A_39 = arith.constant 1 : i32
    %select_n3A_40 = arith.select %eq3A_38, %jit3A_39, %jit3A_36 : i32
    %rem3A_41 = vector.broadcast %select_n3A_40 : i32 to vector<2048x128xi32>
    %rem3A_42 = arith.remsi %iota3A_35, %rem3A_41 : vector<2048x128xi32>
    %ne3A_43 = arith.constant 0 : i32
    %ne3A_44 = vector.broadcast %ne3A_43 : i32 to vector<2048x128xi32>
    %ne3A_45 = arith.cmpi ne, %rem3A_42, %ne3A_44 : vector<2048x128xi32>
    %lt3A = arith.constant 0 : i32
    %lt3A_46 = vector.broadcast %lt3A : i32 to vector<2048x128xi32>
    %lt3A_47 = arith.cmpi slt, %rem3A_42, %lt3A_46 : vector<2048x128xi32>
    %lt3A_48 = arith.constant 0 : i32
    %lt3A_49 = arith.cmpi slt, %select_n3A_40, %lt3A_48 : i32
    %ne3A_50 = vector.broadcast %lt3A_49 : i1 to vector<2048x128xi1>
    %ne3A_51 = vector.broadcast %ne3A_50 : vector<2048x128xi1> to vector<2048x128xi1>
    %ne3A_52 = arith.xori %lt3A_47, %ne3A_51 : vector<2048x128xi1>
    %and3A_53 = arith.andi %ne3A_52, %ne3A_45 : vector<2048x128xi1>
    %add3A = vector.broadcast %select_n3A_40 : i32 to vector<2048x128xi32>
    %add3A_54 = arith.addi %rem3A_42, %add3A : vector<2048x128xi32>
    %select_n3A_55 = arith.select %and3A_53, %add3A_54, %rem3A_42 : vector<2048x128xi1>, vector<2048x128xi32>
    %eq3A_56 = arith.cmpi eq, %iota3A_34, %select_n3A_55 : vector<2048x128xi32>
    %convert_element_type3A_57 = arith.extui %eq3A_56 : vector<2048x128xi1> to vector<2048x128xi32>
    %convert_element_type3A_58 = arith.sitofp %convert_element_type3A_57 : vector<2048x128xi32> to vector<2048x128xf32>
    %mul3A = arith.mulf %dot_general3A_33, %convert_element_type3A_58 : vector<2048x128xf32>
    %reduce_sum3A_59 = arith.constant dense<0.000000e+00> : vector<2048xf32>
    %reduce_sum3A_60 = vector.multi_reduction <add>, %mul3A, %reduce_sum3A_59 [1] : vector<2048x128xf32> to vector<2048xf32>
    %broadcast_in_dim3A = vector.shape_cast %reduce_sum3A_60 : vector<2048xf32> to vector<2048x1xf32>
    %add3A_61 = arith.constant 1.000000e+00 : f32
    %add3A_62 = vector.broadcast %add3A_61 : f32 to vector<2048x1xf32>
    %add3A_63 = arith.addf %broadcast_in_dim3A, %add3A_62 : vector<2048x1xf32>
    %rsqrt3A = math.rsqrt %add3A_63 : vector<2048x1xf32>
    %get3A_64 = arith.constant 0 : index
    %get3A_65 = arith.constant 0 : index
    %get3A_66 = arith.constant 0 : index
    %get3A_67 = vector.load %arg1[%get3A_64, %get3A_65, %get3A_66] : memref<2x2048x128xf32, #tpu.memory_space<vmem>>, vector<1x2048x128xf32>
    %get3A_68 = vector.shape_cast %get3A_67 : vector<1x2048x128xf32> to vector<2048x128xf32>
    %get3A_69 = arith.constant 1 : index
    %get3A_70 = arith.constant 0 : index
    %get3A_71 = arith.constant 0 : index
    %get3A_72 = vector.load %arg1[%get3A_69, %get3A_70, %get3A_71] : memref<2x2048x128xf32, #tpu.memory_space<vmem>>, vector<1x2048x128xf32>
    %get3A_73 = vector.shape_cast %get3A_72 : vector<1x2048x128xf32> to vector<2048x128xf32>
    %add3A_74 = arith.addf %get3A_68, %get3A_73 : vector<2048x128xf32>
    %mul3A_75 = vector.broadcast %rsqrt3A : vector<2048x1xf32> to vector<2048x128xf32>
    %mul3A_76 = arith.mulf %add3A_74, %mul3A_75 : vector<2048x128xf32>
    %get3A_77 = arith.constant 0 : index
    %get3A_78 = arith.constant 0 : index
    %get3A_79 = vector.load %arg3[%get3A_77, %get3A_78] : memref<1x128xf32, #tpu.memory_space<vmem>>, vector<1x128xf32>
    %add3A_80 = vector.broadcast %get3A_79 : vector<1x128xf32> to vector<2048x128xf32>
    %add3A_81 = arith.addf %mul3A_76, %add3A_80 : vector<2048x128xf32>
    %get3A_82 = arith.constant 0 : index
    %get3A_83 = arith.constant 0 : index
    %get3A_84 = arith.constant 0 : index
    %get3A_85 = vector.load %arg4[%get3A_82, %get3A_83, %get3A_84] : memref<1x1x2048xi32, #tpu.memory_space<vmem>>, vector<1x1x2048xi32>
    %get3A_86 = vector.shape_cast %get3A_85 : vector<1x1x2048xi32> to vector<2048xi32>
    %iota3A_87 = tpu.iota {dimensions = array<i32: 1>} : vector<2048x128xi32>
    %broadcast_in_dim3A_88 = vector.shape_cast %get3A_86 : vector<2048xi32> to vector<2048x1xi32>
    %eq3A_89 = vector.broadcast %broadcast_in_dim3A_88 : vector<2048x1xi32> to vector<2048x128xi32>
    %eq3A_90 = arith.cmpi eq, %eq3A_89, %iota3A_87 : vector<2048x128xi32>
    %convert_element_type3A_91 = arith.extui %eq3A_90 : vector<2048x128xi1> to vector<2048x128xi32>
    %convert_element_type3A_92 = arith.sitofp %convert_element_type3A_91 : vector<2048x128xi32> to vector<2048x128xf32>
    %get3A_93 = arith.constant 0 : index
    %get3A_94 = arith.constant 0 : index
    %get3A_95 = vector.load %arg6[%get3A_93, %get3A_94] : memref<128x128xf32, #tpu.memory_space<vmem>>, vector<128x128xf32>
    %dot_general3A_96 = arith.constant dense<0.000000e+00> : vector<128x128xf32>
    %dot_general3A_97 = tpu.matmul %convert_element_type3A_92, %add3A_81, %dot_general3A_96 {dimension_numbers = #tpu.dot_dimension_numbers<[0], [0], [1], [1], [0, 1, 1, 1], [], []>, transpose_lhs_hint = false} : vector<2048x128xf32>, vector<2048x128xf32>, vector<128x128xf32> -> vector<128x128xf32>
    %add3A_98 = arith.addf %get3A_95, %dot_general3A_97 : vector<128x128xf32>
    %swap3A = arith.constant 0 : index
    %swap3A_99 = arith.constant 0 : index
    %swap3A_100 = vector.load %arg6[%swap3A, %swap3A_99] : memref<128x128xf32, #tpu.memory_space<vmem>>, vector<128x128xf32>
    tpu.vector_store %arg6[%swap3A, %swap3A_99], %add3A_98 {strides = array<i32>} : memref<128x128xf32, #tpu.memory_space<vmem>>, vector<128x128xf32>,
    %get3A_101 = arith.constant 0 : index
    %get3A_102 = arith.constant 0 : index
    %get3A_103 = vector.load %arg7[%get3A_101, %get3A_102] : memref<128x128xf32, #tpu.memory_space<vmem>>, vector<128x128xf32>
    %broadcast_in_dim3A_104 = arith.constant 1.000000e+00 : f32
    %broadcast_in_dim3A_105 = vector.broadcast %broadcast_in_dim3A_104 : f32 to vector<2048x128xf32>
    %dot_general3A_106 = arith.constant dense<0.000000e+00> : vector<128x128xf32>
    %dot_general3A_107 = tpu.matmul %convert_element_type3A_92, %broadcast_in_dim3A_105, %dot_general3A_106 {dimension_numbers = #tpu.dot_dimension_numbers<[0], [0], [1], [1], [0, 1, 1, 1], [], []>, transpose_lhs_hint = false} : vector<2048x128xf32>, vector<2048x128xf32>, vector<128x128xf32> -> vector<128x128xf32>
    %add3A_108 = arith.addf %get3A_103, %dot_general3A_107 : vector<128x128xf32>
    %swap3A_109 = arith.constant 0 : index
    %swap3A_110 = arith.constant 0 : index
    %swap3A_111 = vector.load %arg7[%swap3A_109, %swap3A_110] : memref<128x128xf32, #tpu.memory_space<vmem>>, vector<128x128xf32>
    tpu.vector_store %arg7[%swap3A_109, %swap3A_110], %add3A_108 {strides = array<i32>} : memref<128x128xf32, #tpu.memory_space<vmem>>, vector<128x128xf32>,
    %eq3A_112 = arith.constant 4 : i32
    %eq3A_113 = arith.cmpi eq, %arg0, %eq3A_112 : i32
    %convert_element_type3A_114 = arith.extui %eq3A_113 : i1 to i32
    %cond3A_115 = arith.constant 0 : i32
    %cond3A_116 = arith.cmpi ne, %convert_element_type3A_114, %cond3A_115 : i32
    scf.if %cond3A_116 {
      %get3A_117 = arith.constant 0 : index
      %get3A_118 = arith.constant 0 : index
      %get3A_119 = vector.load %arg6[%get3A_117, %get3A_118] : memref<128x128xf32, #tpu.memory_space<vmem>>, vector<128x128xf32>
      %get3A_120 = arith.constant 0 : index
      %get3A_121 = arith.constant 0 : index
      %get3A_122 = vector.load %arg7[%get3A_120, %get3A_121] : memref<128x128xf32, #tpu.memory_space<vmem>>, vector<128x128xf32>
      %max3A = arith.constant 1.000000e+00 : f32
      %max3A_123 = vector.broadcast %max3A : f32 to vector<128x128xf32>
      %max3A_124 = arith.maximumf %get3A_122, %max3A_123 : vector<128x128xf32>
      %div3A_125 = arith.divf %get3A_119, %max3A_124 : vector<128x128xf32>
      %swap3A_126 = arith.constant 0 : index
      %swap3A_127 = arith.constant 0 : index
      %swap3A_128 = vector.load %arg5[%swap3A_126, %swap3A_127] : memref<128x128xf32, #tpu.memory_space<vmem>>, vector<128x128xf32>
      tpu.vector_store %arg5[%swap3A_126, %swap3A_127], %div3A_125 {strides = array<i32>} : memref<128x128xf32, #tpu.memory_space<vmem>>, vector<128x128xf32>,
    } else {
    }
    return
  }
  func.func @transform_0(%arg0: i32) -> (i32, i32, i32) {
    %c0_i32 = arith.constant 0 : i32
    %c0_i32_0 = arith.constant 0 : i32
    %c0_i32_1 = arith.constant 0 : i32
    return %c0_i32, %arg0, %c0_i32_0 : i32, i32, i32
  }
  func.func @transform_1(%arg0: i32) -> (i32, i32, i32) {
    %c0_i32 = arith.constant 0 : i32
    %c0_i32_0 = arith.constant 0 : i32
    %c0_i32_1 = arith.constant 0 : i32
    return %c0_i32, %arg0, %c0_i32_0 : i32, i32, i32
  }
  func.func @transform_2(%arg0: i32) -> (i32, i32) {
    %c0_i32 = arith.constant 0 : i32
    %c0_i32_0 = arith.constant 0 : i32
    %c0_i32_1 = arith.constant 0 : i32
    return %c0_i32, %c0_i32_0 : i32, i32
  }
  func.func @transform_3(%arg0: i32) -> (i32, i32, i32) {
    %c0_i32 = arith.constant 0 : i32
    %c0_i32_0 = arith.constant 0 : i32
    %c0_i32_1 = arith.constant 0 : i32
    return %arg0, %c0_i32, %c0_i32_0 : i32, i32, i32
  }
  func.func @transform_4(%arg0: i32) -> (i32, i32) {
    %c0_i32 = arith.constant 0 : i32
    %c0_i32_0 = arith.constant 0 : i32
    %c0_i32_1 = arith.constant 0 : i32
    return %c0_i32, %c0_i32_0 : i32, i32
  }
}

</mosaic_0001>

<sc_bundles>
// kernel: kernel.11.cloned.1.call-start
scs
__scs_entry_jumppad:
0x0: {  	(pc) =	sbr.rel $0x88, $3  }
0x1: {  	(tag) =	ssettag $0x0;
	lr =	simm.s32 $0x1  }
0x2: {  	[smem:$0x3F9A] =	sst lr;
	_ =	strace $0xD0000000  }
0x3: {  	_ = 	snop  }
0x4: {  	_ = 	snop  }
0x5: {  	_ = 	snop  }
0x6: {  	_ = 	snop  }
0x7: {  	_ = 	snop  }
__scs_overlays_trampoline_lowered:
0x8: {  	[smem:$0x3FA9] =	sst s0  }
0x9: {  	[smem:$0x3FAA] =	sst s1  }
0xa: {  	[smem:$0x3FAB] =	sst s2  }
0xb: {  	[smem:$0x3FAC] =	sst s3  }
0xc: {  	[smem:$0x3FAD] =	sst s4  }
0xd: {  	[smem:$0x3FAE] =	sst s5  }
0xe: {  	[smem:$0x3FAF] =	sst s6  }
0xf: {  	[smem:$0x3FB0] =	sst s7  }
0x10: {  	[smem:$0x3FB1] =	sst s8  }
0x11: {  	[smem:$0x3FB2] =	sst s9;
	s0 =	simm.s32 @!p0 $0x0  }
0x12: {  	s1 =	sld [smem:$0x3F98];
	s0 =	simm.s32 @p0 $0x1  }
0x13: {  	[smem:$0x3FB3] =	sst s0;
	s0 =	simm.s32 @!p1 $0x0  }
0x14: {  	s2 =	sld [smem:$0x3F97];
	s0 =	simm.s32 @p1 $0x1  }
0x15: {  	[smem:$0x3FB4] =	sst s0;
	s0 =	simm.s32 @!p2 $0x0  }
0x16: {  	s3 =	sld [smem:$0x3FDB];
	s0 =	simm.s32 @p2 $0x1  }
0x17: {  	s4 =	simm.s32 $0x1BF5;
	[smem:$0x3FB6] =	sst s0  }
0x18: {  	s0 =	sld [smem:$0x3F99];
	_ =	swait.ge [sflag:s4], $0x0  }
0x19: {  	s7 =	sld [smem:$0x3F9A]  }
0x1a: {  	s8 =	sadd.s32 $0xFFFFE003, lr  }
0x1b: {  	s9 =	sadd.s32 $0xFFFFFEF7, lr;
	s5 =	simm.s32 $0xFFFFFFFF;
	p2 =	slt.u32 s8, $0xFFFFF086  }
0x1c: {  	p1 =	slt.u32 s9, $0xF7A;
	s5 =	simm.s32 @!p2 $0x0  }
0x1d: {  	s5 =	simm.s32 @p1 $0x1;
	p0 =	seq.s32 s7, s2  }
0x1e: {  	s7 =	smul.u32 @!p0 $0xF7A, s2;
	p2 =	seq.s32 @!p0 s5, $0x0  }
0x1f: {  	s9 =	smul.u32 $0xF7A, s1;
	s8 =	simm.s32 @!p0 $0x1BF5;
	p2 =	por !p2, p0  }
0x20: {  	[sflag:s8] =	ssyncset.s32 @!p0 $0xFFFFF086;
	s6 =	sadd.s32 @!p0 s3, s7;
	s7 =	simm.s32 @!p0 $0x108  }
0x21: {  	s3 =	sadd.s32 s3, s9;
	s6 =	sadd.s32 @!p0 $0x88, s6;
	s7 =	simm.s32 @p2 $0x1082  }
0x22: {  	[simem:s7], [sflag:s8] =	dma.local @!p0 [hbm:s6], $0xF7A  }
0x23: {  	s9 =	sor.u32 $0xD0000000, s2;
	s6 =	simm.s32 $0x108;
	_ =	swait.ge @!p0 [sflag:s8], $0x0  }
0x24: {  	s3 =	sadd.s32 $0x88, s3;
	s6 =	simm.s32 @!p1 $0x1082;
	[sflag:s4] =	ssyncset.s32 $0xFFFFF086  }
0x25: {  	[simem:s6], [sflag:s4] =	dma.local [hbm:s3], $0xF7A  }
0x26: {  	[smem:$0x3F9A] =	sst s1;
	(tag) =	ssettag s2;
	_ =	strace s9  }
0x27: {  	s1 =	sld [smem:$0x3FAA]  }
0x28: {  	s2 =	sld [smem:$0x3FAB]  }
0x29: {  	s4 =	sld [smem:$0x3FAD]  }
0x2a: {  	p0 =	seq.s32 s5, $0x0;
	s5 =	sld [smem:$0x3FAE]  }
0x2b: {  	s6 =	sld [smem:$0x3FAF]  }
0x2c: {  	s7 =	sld [smem:$0x3FB0]  }
0x2d: {  	s3 =	simm.s32 $0x108;
	s8 =	sld [smem:$0x3FB1]  }
0x2e: {  	s3 =	simm.s32 @!p0 $0x1082;
	s9 =	sld [smem:$0x3FB2]  }
0x2f: {  	lr =	sadd.s32 s0, s3;
	s0 =	sld [smem:$0x3FA9]  }
0x30: {  	s3 =	sld [smem:$0x3FAC]  }
0x31: {  	[smem:$0x3FB5] =	sst s10  }
0x32: {  	s10 =	sld [smem:$0x3FB3];
	_ =	sdelay $0x3  }
0x33: {  	p0 =	seq.s32 s10, $0x1;
	s10 =	sld [smem:$0x3FB5];
	_ =	sdelay $0x3  }
0x34: {  	[smem:$0x3FB5] =	sst s10  }
0x35: {  	s10 =	sld [smem:$0x3FB4];
	_ =	sdelay $0x3  }
0x36: {  	p1 =	seq.s32 s10, $0x1;
	s10 =	sld [smem:$0x3FB5];
	_ =	sdelay $0x3  }
0x37: {  	[smem:$0x3FB5] =	sst s10  }
0x38: {  	s10 =	sld [smem:$0x3FB6]  }
0x39: {  	_ = 	snop;
	(pc) =	sbr.ind lr, $3  }
0x3a: {  	_ = 	snop  }
0x3b: {  	_ = 	snop  }
0x3c: {  	p2 =	seq.s32 s10, $0x1;
	s10 =	sld [smem:$0x3FB5]  }
0x3d: {  	_ =	shalt  }
0x3e: {  	_ =	shalt  }
0x3f: {  	_ =	shalt  }
0x40: {  	_ =	shalt  }
0x41: {  	_ =	shalt  }
0x42: {  	_ =	shalt  }
0x43: {  	_ =	shalt  }
0x44: {  	_ =	shalt  }
0x45: {  	_ =	shalt  }
0x46: {  	_ =	shalt  }
0x47: {  	_ =	shalt  }
0x48: {  	_ =	shalt  }
0x49: {  	_ =	shalt  }
0x4a: {  	_ =	shalt  }
0x4b: {  	_ =	shalt  }
0x4c: {  	_ =	shalt  }
0x4d: {  	_ =	shalt  }
0x4e: {  	_ =	shalt  }
0x4f: {  	_ =	shalt  }
0x50: {  	_ =	shalt  }
0x51: {  	_ =	shalt  }
0x52: {  	_ =	shalt  }
0x53: {  	_ =	shalt  }
0x54: {  	_ =	shalt  }
0x55: {  	_ =	shalt  }
0x56: {  	_ =	shalt  }
0x57: {  	_ =	shalt  }
0x58: {  	_ =	shalt  }
0x59: {  	_ =	shalt  }
0x5a: {  	_ =	shalt  }
0x5b: {  	_ =	shalt  }
0x5c: {  	_ =	shalt  }
0x5d: {  	_ =	shalt  }
0x5e: {  	_ =	shalt  }
0x5f: {  	_ =	shalt  }
0x60: {  	_ =	shalt  }
0x61: {  	_ =	shalt  }
0x62: {  	_ =	shalt  }
0x63: {  	_ =	shalt  }
0x64: {  	_ =	shalt  }
0x65: {  	_ =	shalt  }
0x66: {  	_ =	shalt  }
0x67: {  	_ =	shalt  }
0x68: {  	_ =	shalt  }
0x69: {  	_ =	shalt  }
0x6a: {  	_ =	shalt  }
0x6b: {  	_ =	shalt  }
0x6c: {  	_ =	shalt  }
0x6d: {  	_ =	shalt  }
0x6e: {  	_ =	shalt  }
0x6f: {  	_ =	shalt  }
0x70: {  	_ =	shalt  }
0x71: {  	_ =	shalt  }
0x72: {  	_ =	shalt  }
0x73: {  	_ =	shalt  }
0x74: {  	_ =	shalt  }
0x75: {  	_ =	shalt  }
0x76: {  	_ =	shalt  }
0x77: {  	_ =	shalt  }
0x78: {  	_ =	shalt  }
0x79: {  	_ =	shalt  }
0x7a: {  	_ =	shalt  }
0x7b: {  	_ =	shalt  }
0x7c: {  	_ =	shalt  }
0x7d: {  	_ =	shalt  }
0x7e: {  	_ =	shalt  }
0x7f: {  	_ =	shalt  }
0x80: {  	_ =	shalt  }
0x81: {  	_ =	shalt  }
0x82: {  	_ =	shalt  }
0x83: {  	_ =	shalt  }
0x84: {  	_ =	shalt  }
0x85: {  	_ =	shalt  }
0x86: {  	_ =	shalt  }
0x87: {  	_ =	shalt  }
.Lfunc_end0:
.L_simem_size_0:
called_computation.1_lowered:
.L_overlay_start_0:
0x88: {  	s2 =	sld [smem:$0x3FD9]  }
0x89: {  	s3 =	sld [smem:$0x3FFE];
	_ =	sdelay $0x1  }
0x8a: {  	s1 =	srdreg.scid  }
0x8b: {  	s0 =	sand.u32 $0x1, s1  }
0x8c: {  	s16 =	sshll.u32 s0, $0xA;
	s2 =	sadd.s32 s3, s2  }
0x8d: {  	s2 =	sadd.s32 s2, s16  }
0x8e: {  	[smem:$0x3FC1] =	sst s2  }
0x8f: {  	_ = 	snop  }
0x90: {  	(tm) =	ssettm $0x1  }
0x91: {  	s17 =	sld [smem:$0x3FFB];
	_ =	sdelay $0x3  }
0x92: {  	_ =	strace s17  }
0x93: {  	s2 =	sld [smem:$0x3FFC];
	_ =	sdelay $0x3  }
0x94: {  	_ =	strace s2  }
0x95: {  	s2 =	sld [smem:$0x3FFD];
	_ =	sdelay $0x3  }
0x96: {  	_ =	strace s2  }
0x97: {  	_ =	strace $0x8FFFFFFF  }
0x98: {  	s18 =	sld [smem:$0x3FDB];
	_ =	sdelay $0x1  }
0x99: {  	s19 =	simm.s32 $_scs_section_size  }
0x9a: {  	s4 =	simm.s32 $_size__tile_overlayer_lowered;
	s5 =	simm.s32 $_tile_overlayer_lowered  }
0x9b: {  	s22 =	simm.s32 $0x1BFF;
	s21 =	sshll.u32 s5, $0x1;
	s2 =	sadd.s32 s19, s18  }
0x9c: {  	s6 =	simm.s32 $0x0;
	s20 =	sshll.u32 s4, $0x1;
	s4 =	sadd.s32 s21, s2  }
0x9d: {  	[timem:s6], [sflag:s22] =	dma.local [hbm:s4], s20  }
0x9e: {  	_ =	swait.ge [sflag:s22], s20  }
0x9f: {  	s3 =	ssub.s32 $0x0, s20;
	[sflag:s22] =	ssyncset.done $0x0  }
0xa0: {  	[sflag:s22] =	ssyncadd.s32 s3;
	_ =	sdelay $0x1  }
0xa1: {  	s23 =	simm.s32 $0x1B8B  }
0xa2: {  	_ =	swait.ge [sflag:s23], $0x1  }
0xa3: {  	[sflag:s23] =	ssyncset.done $0x0  }
0xa4: {  	s25 =	simm.s32 $0x1B8E;
	s24 =	sld [smem:$0x3FFE];
	[sflag:s23] =	ssyncadd.s32 $0xFFFFFFFF  }
0xa5: {  	s26 =	simm.s32 $execute0_lowered;
	[smem:$0x3FD2] =	sst s25  }
0xa6: {  	s4 =	sshll.u32 s26, $0x1;
	_ =	strace $0x80000049;
	[dreg:$0x1] =	wrdreg $0xFFFFFFFF  }
0xa7: {  	s28 =	simm.s32 $_size_execute0_lowered;
	s2 =	sadd.s32 s2, s4;
	[dreg:$0x0] =	wrdreg $0x0  }
0xa8: {  	s4 =	sshll.u32 s28, $0x1;
	[dreg:$0x2] =	wrdreg s2  }
0xa9: {  	[dreg:$0x3] =	wrdreg s4  }
0xaa: {  	[dreg:$0x4] =	wrdreg $0xC0  }
0xab: {  	_ =	task [dreg:s6], $0x5FFFF  }
0xac: {  	[dreg:$0x1] =	wrdreg $0xFFFFFFFF  }
0xad: {  	[dreg:$0x0] =	wrdreg $0x60  }
0xae: {  	[dreg:$0x2] =	wrdreg s24  }
0xaf: {  	[dreg:$0x3] =	wrdreg $0xA8000  }
0xb0: {  	[dreg:$0x4] =	wrdreg $0x9  }
0xb1: {  	_ =	task.clear_ibuf [dreg:s6], $0x5FFFF;
	_ =	strace $0x90000049  }
0xb2: {  	s29 =	simm.s32 $0x9;
	_ =	strace $0x8000004B  }
0xb3: {  	_ =	swait.ge [sflag:s29], $0x1  }
0xb4: {  	[sflag:s29] =	ssyncadd.s32 $0xFFFFFFFF  }
0xb5: {  	_ =	strace $0x9000004B  }
0xb6: {  	_ =	sfence  }
0xb7: {  	s30 =	sld [smem:$0x0];
	_ =	sdelay $0x2  }
0xb8: {  	s31 =	sshll.u32 s1, $0xD;
	s1 =	sshrl.u32 s1, $0x2  }
0xb9: {  	s3 =	sand.u32 $0x4000, s31;
	s1 =	sadd.s32 s1, s30  }
0xba: {  	s0 =	sor.u32 s3, s0;
	s1 =	sshll.u32 s1, $0x11  }
0xbb: {  	s0 =	sor.u32 s1, s0  }
0xbc: {  	s0 =	sadd.s32 $0x8F2B, s0  }
0xbd: {  	[sflag:s0] =	ssyncadd.remote.s32 $0x1  }
0xbe: {  	_ =	sfence.sel $0xFFFF  }
0xbf: {  	[dreg:$0x0] =	wrdreg $0xFFFFFFFF;
	(pc) =	sbr.abs _section_cstart, $3  }
0xc0: {  	[dreg:$0x1] =	wrdreg $0xFFFFFFFF  }
0xc1: {  	_ =	task.clear_ibuf [dreg:s6], $0x2FFFF;
	_ =	strace $0x9FFFFFFF  }
0xc2: {  	(tm) =	ssettm $0x7FFFFFFF  }
0xc3: {  	_ =	shalt  }
tec
execute0_lowered:
.L_overlay_start_1:
0x0: {  	(tag) =	ssettag $0x1  }
0x1: {  	s0 =	rddreg [dreg:$0x0]  }
0x2: {  	s1 =	rddreg [dreg:$0x1]  }
0x3: {  	s2 =	srdreg.scid;
	s3 =	simm.s32 $0x0;
	s24 =	stileid.u32  }
0x4: {  	s19 =	simm.s32 $0x3;
	s20 =	simm.s32 $0x1400;
	s21 =	simm.s32 $0x80  }
0x5: {  	s22 =	simm.s32 $0x2800;
	s23 =	simm.s32 $0x1;
	s28 =	simm.s32 $0x2700  }
0x6: {  	s29 =	simm.s32 $0x2780;
	s30 =	simm.s32 $0x0;
	s17 =	sand.u32 $0x1, s2  }
0x7: {  	[smem:$0x7FF] =	sst s3;
	s6 =	smul.u32 $0x14000, s24;
	s4 =	sadd.s32 $0x16200, s0  }
0x8: {  	s13 =	sadd.s32 $0xC200, s0;
	s25 =	smul.u32 $0x50000, s24;
	s14 =	sadd.s32 $0x2200, s0  }
0x9: {  	s10 =	smul.u32 $0x2800, s24;
	s31 =	sshll.u32 s24, $0x6;
	s24 =	simm.s32 $0x6800  }
0xa: {  	s5 =	smul.u32 $0x140000, s17;
	_ =	strace $0x8000004A;
	s7 =	ssub.s32 $0x2, s17  }
0xb: {  	s8 =	smul.u32 $0x28000, s17;
	p0 =	sne.s32 s17, $0x0;
	s17 =	sor.u32 $0x1C03, s31  }
0xc: {  	s9 =	sshrl.u32 s7, $0x1;
	s5 =	sadd.s32 s6, s5;
	s6 =	sshrl.u32 s25, $0x2  }
0xd: {  	s16 =	ssub.s32 s7, s9;
	s26 =	sadd.s32 s10, s8;
	s10 =	sadd.s32 s4, s10  }
0xe: {  	s25 =	simm.s32 $0x2;
	s5 =	sshrl.u32 s5, $0x3;
	s12 =	sshrl.u32 s26, $0x3  }
0xf: {  	s16 =	smax.u32 s16, $0x1;
	s26 =	simm.s32 $0x1380;
	s0 =	sadd.s32 s5, s0  }
0x10: {  	s5 =	sadd.s32 s6, s1;
	s15 =	sadd.s32 $0x280, s12;
	s11 =	sadd.s32 s13, s12  }
0x11: {  	s12 =	sadd.s32 s14, s12;
	s6 =	sadd.s32 $0x4000, s5;
	s7 =	sadd.s32 $0x8000, s5  }
0x12: {  	s8 =	sadd.s32 $0xC000, s5;
	s9 =	sadd.s32 $0x10000, s5;
	s13 =	sadd.s32 s13, s15  }
0x13: {  	v0 =	vimm.f32 $0.0e+00;
	s14 =	sadd.s32 s14, s15;
	s15 =	sadd.s32 $0x3E200, s0;
	s18 =	sshrl.u32 s5, $0x3  }
.LBB2_1:
.Ltmp0:
0x14: {  	(pc) =	sbr.rel @p0 .LBB2_3-.Ltmp0, $1  }
0x15: {  	_ =	sdelay $0x3  }
.Ltmp1:
0x16: {  	(pc) =	sbr.rel .LBB2_6-.Ltmp1, $4  }
0x17: {  	[spmem:s18], [sflag:s17] =	dma.local [hbm:s10], $0x2800  }
0x18: {  	_ =	swait.ge [sflag:s19], $0x2800  }
0x19: {  	[sflag:s19] =	ssyncset.done $0x0  }
0x1a: {  	[sflag:s19] =	ssyncadd.s32 $0xFFFFD800  }
.LBB2_3:
0x1b: {  	s31 =	sshra.s32 s3, $0x2;
	s0 =	sadd.s32 $0x200, s3  }
.LBB2_4:
0x1c: {  	p1 =	sne.s32 s0, $0xFE00;
	[tilespmem:s31+$0x2870] =	vst v0  }
0x1d: {  	[tilespmem:s31+$0x2800] =	vst v0  }
0x1e: {  	[tilespmem:s31+$0x2810] =	vst v0  }
.Ltmp2:
0x1f: {  	[tilespmem:s31+$0x2820] =	vst v0;
	(pc) =	sbr.rel @p1 .LBB2_4-.Ltmp2, $4  }
0x20: {  	[tilespmem:s31+$0x2830] =	vst v0  }
0x21: {  	[tilespmem:s31+$0x2840] =	vst v0  }
0x22: {  	[tilespmem:s31+$0x2850] =	vst v0  }
0x23: {  	[tilespmem:s31+$0x2860] =	vst v0;
	s31 =	sshra.s32 s0, $0x2;
	s0 =	sadd.s32 $0x200, s0  }
0x24: {  	[tilespmem:s31+$0x2870] =	vst v0  }
0x25: {  	[tilespmem:s31+$0x2800] =	vst v0  }
0x26: {  	[tilespmem:s31+$0x2810] =	vst v0  }
0x27: {  	[tilespmem:s31+$0x2820] =	vst v0  }
0x28: {  	[tilespmem:s31+$0x2830] =	vst v0  }
0x29: {  	[tilespmem:s31+$0x2840] =	vst v0  }
0x2a: {  	[tilespmem:s31+$0x2850] =	vst v0  }
0x2b: {  	[tilespmem:s31+$0x2860] =	vst v0  }
0x2c: {  	[spmem:s5] =	stream.linear.scatter [tilespmem:s22], [sflag:$0x3], $0x4000, $0x38;
	[tilespmem:$0x1E800] =	vst v63  }
0x2d: {  	_ =	swait.ge [sflag:s19], $0x4000  }
0x2e: {  	[sflag:s19] =	ssyncset.done $0x0  }
0x2f: {  	[sflag:s19] =	ssyncadd.s32 $0xFFFFC000  }
0x30: {  	[spmem:s6] =	stream.linear.scatter [tilespmem:s22], [sflag:$0x3], $0x4000, $0x38;
	[tilespmem:$0x1E800] =	vst v63  }
0x31: {  	_ =	swait.ge [sflag:s19], $0x4000  }
0x32: {  	[sflag:s19] =	ssyncset.done $0x0  }
0x33: {  	[sflag:s19] =	ssyncadd.s32 $0xFFFFC000  }
0x34: {  	[spmem:s7] =	stream.linear.scatter [tilespmem:s22], [sflag:$0x3], $0x4000, $0x38;
	[tilespmem:$0x1E800] =	vst v63  }
0x35: {  	_ =	swait.ge [sflag:s19], $0x4000  }
0x36: {  	[sflag:s19] =	ssyncset.done $0x0  }
0x37: {  	[sflag:s19] =	ssyncadd.s32 $0xFFFFC000  }
0x38: {  	[spmem:s8] =	stream.linear.scatter [tilespmem:s22], [sflag:$0x3], $0x4000, $0x38;
	[tilespmem:$0x1E800] =	vst v63  }
0x39: {  	_ =	swait.ge [sflag:s19], $0x4000  }
0x3a: {  	[sflag:s19] =	ssyncset.done $0x0  }
0x3b: {  	[sflag:s19] =	ssyncadd.s32 $0xFFFFC000  }
0x3c: {  	[spmem:s9] =	stream.linear.scatter [tilespmem:s22], [sflag:$0x3], $0x4000, $0x38;
	[tilespmem:$0x1E800] =	vst v63  }
0x3d: {  	_ =	swait.ge [sflag:s19], $0x4000  }
0x3e: {  	[sflag:s19] =	ssyncset.done $0x0  }
0x3f: {  	[sflag:s19] =	ssyncadd.s32 $0xFFFFC000  }
.LBB2_6:
0x40: {  	[bflag:$0x0] =	sbarrier.arrive $0xFFFF;
	s0 =	simm.s32 $0x0  }
0x41: {  	[tilespmem:s0], [sflag:$0x3] =	stream.linear.gather [hbm4b:s11+s0], $0x1400, $0x38;
	[tilespmem:$0x1E800] =	vst v63  }
0x42: {  	_ =	swait.ge [sflag:s19], $0x1400  }
0x43: {  	[sflag:s19] =	ssyncset.done $0x0  }
0x44: {  	[sflag:s19] =	ssyncadd.s32 $0xFFFFEC00  }
0x45: {  	[tilespmem:s20], [sflag:$0x3] =	stream.linear.gather [hbm4b:s12+s0], $0x1400, $0x38;
	[tilespmem:$0x1E800] =	vst v63  }
0x46: {  	_ =	swait.ge [sflag:s19], $0x1400  }
0x47: {  	[sflag:s19] =	ssyncset.done $0x0  }
0x48: {  	[sflag:s19] =	ssyncadd.s32 $0xFFFFEC00  }
0x49: {  	[tilespmem:s22], [sflag:$0x1] =	stream.indirect.gather [hbm4b:s4+s21], $0x80, s0, s21, $0xb8;
	[tilespmem:$0x1E800] =	vst v63  }
0x4a: {  	_ =	swait.ge [sflag:s23], $0x4000  }
0x4b: {  	[sflag:s23] =	ssyncset.done $0x0  }
0x4c: {  	s2 =	simm.s32 $0x80;
	[sflag:s23] =	ssyncadd.s32 $0xFFFFC000  }
0x4d: {  	[tilespmem:s24], [sflag:$0x2] =	stream.indirect.gather [hbm4b:s4+s21], $0x80, s2, s21, $0xb8;
	[tilespmem:$0x1E800] =	vst v63  }
0x4e: {  	s2 =	simm.s32 $0x1400  }
0x4f: {  	[spmem:s1] =	stream.indirect.scatter.add.f32 [tilespmem:s22], [sflag:$0x3], $0x80, s2, s21, $0xb8;
	[tilespmem:$0x1E800] =	vst v63  }
0x50: {  	_ =	swait.ge [sflag:s19], $0x4000  }
0x51: {  	[sflag:s19] =	ssyncset.done $0x0  }
0x52: {  	[sflag:s19] =	ssyncadd.s32 $0xFFFFC000  }
0x53: {  	_ =	swait.ge [sflag:s25], $0x4000  }
0x54: {  	[sflag:s25] =	ssyncset.done $0x0  }
0x55: {  	s2 =	simm.s32 $0x100;
	[sflag:s25] =	ssyncadd.s32 $0xFFFFC000  }
0x56: {  	[tilespmem:s22], [sflag:$0x1] =	stream.indirect.gather [hbm4b:s4+s21], $0x80, s2, s21, $0xb8;
	[tilespmem:$0x1E800] =	vst v63  }
0x57: {  	s2 =	simm.s32 $0x1480  }
0x58: {  	[spmem:s1] =	stream.indirect.scatter.add.f32 [tilespmem:s24], [sflag:$0x3], $0x80, s2, s21, $0xb8;
	[tilespmem:$0x1E800] =	vst v63  }
0x59: {  	_ =	swait.ge [sflag:s19], $0x4000  }
0x5a: {  	s31 =	simm.s32 $0x400;
	[sflag:s19] =	ssyncset.done $0x0  }
.LBB2_7:
0x5b: {  	p1 =	sne.s32 s31, $0x4800  }
0x5c: {  	[sflag:s19] =	ssyncadd.s32 $0xFFFFC000;
	s0 =	smov.u32 s31;
	s31 =	sadd.s32 $0x400, s31  }
0x5d: {  	_ = 	snop  }
0x5e: {  	_ =	swait.ge [sflag:s23], $0x4000  }
0x5f: {  	s0 =	sshra.s32 s0, $0x2;
	[sflag:s23] =	ssyncset.done $0x0  }
0x60: {  	s2 =	sadd.s32 $0x80, s0;
	[sflag:s23] =	ssyncadd.s32 $0xFFFFC000  }
0x61: {  	[tilespmem:s24], [sflag:$0x2] =	stream.indirect.gather [hbm4b:s4+s21], $0x80, s2, s21, $0xb8;
	[tilespmem:$0x1E800] =	vst v63  }
0x62: {  	s2 =	sadd.s32 $0x1400, s0  }
0x63: {  	[spmem:s1] =	stream.indirect.scatter.add.f32 [tilespmem:s22], [sflag:$0x3], $0x80, s2, s21, $0xb8;
	[tilespmem:$0x1E800] =	vst v63  }
0x64: {  	_ =	swait.ge [sflag:s19], $0x4000  }
0x65: {  	[sflag:s19] =	ssyncset.done $0x0  }
0x66: {  	[sflag:s19] =	ssyncadd.s32 $0xFFFFC000  }
0x67: {  	_ =	swait.ge [sflag:s25], $0x4000  }
0x68: {  	[sflag:s25] =	ssyncset.done $0x0  }
0x69: {  	s2 =	sadd.s32 $0x100, s0;
	[sflag:s25] =	ssyncadd.s32 $0xFFFFC000  }
0x6a: {  	[tilespmem:s22], [sflag:$0x1] =	stream.indirect.gather [hbm4b:s4+s21], $0x80, s2, s21, $0xb8;
	[tilespmem:$0x1E800] =	vst v63  }
.Ltmp3:
0x6b: {  	_ = 	snop;
	(pc) =	sbr.rel @p1 .LBB2_7-.Ltmp3, $4  }
0x6c: {  	s0 =	sadd.s32 $0x1480, s0  }
0x6d: {  	[spmem:s1] =	stream.indirect.scatter.add.f32 [tilespmem:s24], [sflag:$0x3], $0x80, s0, s21, $0xb8;
	[tilespmem:$0x1E800] =	vst v63  }
0x6e: {  	_ =	swait.ge [sflag:s19], $0x4000  }
0x6f: {  	[sflag:s19] =	ssyncset.done $0x0  }
0x70: {  	[sflag:s19] =	ssyncadd.s32 $0xFFFFC000  }
0x71: {  	_ =	swait.ge [sflag:s23], $0x4000  }
0x72: {  	[sflag:s23] =	ssyncset.done $0x0  }
0x73: {  	[sflag:s23] =	ssyncadd.s32 $0xFFFFC000  }
0x74: {  	[tilespmem:s24], [sflag:$0x2] =	stream.indirect.gather [hbm4b:s4+s21], $0x80, s26, s21, $0xb8;
	[tilespmem:$0x1E800] =	vst v63  }
0x75: {  	_ = 	snop  }
0x76: {  	[spmem:s1] =	stream.indirect.scatter.add.f32 [tilespmem:s22], [sflag:$0x3], $0x80, s28, s21, $0xb8;
	[tilespmem:$0x1E800] =	vst v63  }
0x77: {  	_ =	swait.ge [sflag:s19], $0x4000  }
0x78: {  	[sflag:s19] =	ssyncset.done $0x0  }
0x79: {  	[sflag:s19] =	ssyncadd.s32 $0xFFFFC000  }
0x7a: {  	_ =	swait.ge [sflag:s25], $0x4000  }
0x7b: {  	[sflag:s25] =	ssyncset.done $0x0  }
0x7c: {  	[sflag:s25] =	ssyncadd.s32 $0xFFFFC000  }
0x7d: {  	[spmem:s1] =	stream.indirect.scatter.add.f32 [tilespmem:s24], [sflag:$0x3], $0x80, s29, s21, $0xb8;
	[tilespmem:$0x1E800] =	vst v63  }
0x7e: {  	_ =	swait.ge [sflag:s19], $0x4000  }
0x7f: {  	[sflag:s19] =	ssyncset.done $0x0  }
0x80: {  	s0 =	simm.s32 $0x0;
	[sflag:s19] =	ssyncadd.s32 $0xFFFFC000  }
0x81: {  	[tilespmem:s0], [sflag:$0x3] =	stream.linear.gather [hbm4b:s13+s0], $0x1400, $0x38;
	[tilespmem:$0x1E800] =	vst v63  }
0x82: {  	_ =	swait.ge [sflag:s19], $0x1400  }
0x83: {  	[sflag:s19] =	ssyncset.done $0x0  }
0x84: {  	[sflag:s19] =	ssyncadd.s32 $0xFFFFEC00  }
0x85: {  	[tilespmem:s20], [sflag:$0x3] =	stream.linear.gather [hbm4b:s14+s0], $0x1400, $0x38;
	[tilespmem:$0x1E800] =	vst v63  }
0x86: {  	_ =	swait.ge [sflag:s19], $0x1400  }
0x87: {  	[sflag:s19] =	ssyncset.done $0x0  }
0x88: {  	[sflag:s19] =	ssyncadd.s32 $0xFFFFEC00  }
0x89: {  	[tilespmem:s22], [sflag:$0x1] =	stream.indirect.gather [hbm4b:s4+s21], $0x80, s0, s21, $0xb8;
	[tilespmem:$0x1E800] =	vst v63  }
0x8a: {  	_ =	swait.ge [sflag:s23], $0x4000  }
0x8b: {  	[sflag:s23] =	ssyncset.done $0x0  }
0x8c: {  	s2 =	simm.s32 $0x80;
	[sflag:s23] =	ssyncadd.s32 $0xFFFFC000  }
0x8d: {  	[tilespmem:s24], [sflag:$0x2] =	stream.indirect.gather [hbm4b:s4+s21], $0x80, s2, s21, $0xb8;
	[tilespmem:$0x1E800] =	vst v63  }
0x8e: {  	s2 =	simm.s32 $0x1400  }
0x8f: {  	[spmem:s1] =	stream.indirect.scatter.add.f32 [tilespmem:s22], [sflag:$0x3], $0x80, s2, s21, $0xb8;
	[tilespmem:$0x1E800] =	vst v63  }
0x90: {  	_ =	swait.ge [sflag:s19], $0x4000  }
0x91: {  	[sflag:s19] =	ssyncset.done $0x0  }
0x92: {  	[sflag:s19] =	ssyncadd.s32 $0xFFFFC000  }
0x93: {  	_ =	swait.ge [sflag:s25], $0x4000  }
0x94: {  	[sflag:s25] =	ssyncset.done $0x0  }
0x95: {  	s2 =	simm.s32 $0x100;
	[sflag:s25] =	ssyncadd.s32 $0xFFFFC000  }
0x96: {  	[tilespmem:s22], [sflag:$0x1] =	stream.indirect.gather [hbm4b:s4+s21], $0x80, s2, s21, $0xb8;
	[tilespmem:$0x1E800] =	vst v63  }
0x97: {  	s2 =	simm.s32 $0x1480  }
0x98: {  	[spmem:s1] =	stream.indirect.scatter.add.f32 [tilespmem:s24], [sflag:$0x3], $0x80, s2, s21, $0xb8;
	[tilespmem:$0x1E800] =	vst v63  }
0x99: {  	_ =	swait.ge [sflag:s19], $0x4000  }
0x9a: {  	s31 =	simm.s32 $0x400;
	[sflag:s19] =	ssyncset.done $0x0  }
.LBB2_9:
0x9b: {  	p1 =	sne.s32 s31, $0x4800  }
0x9c: {  	[sflag:s19] =	ssyncadd.s32 $0xFFFFC000;
	s0 =	smov.u32 s31;
	s31 =	sadd.s32 $0x400, s31  }
0x9d: {  	_ = 	snop  }
0x9e: {  	_ =	swait.ge [sflag:s23], $0x4000  }
0x9f: {  	s0 =	sshra.s32 s0, $0x2;
	[sflag:s23] =	ssyncset.done $0x0  }
0xa0: {  	s2 =	sadd.s32 $0x80, s0;
	[sflag:s23] =	ssyncadd.s32 $0xFFFFC000  }
0xa1: {  	[tilespmem:s24], [sflag:$0x2] =	stream.indirect.gather [hbm4b:s4+s21], $0x80, s2, s21, $0xb8;
	[tilespmem:$0x1E800] =	vst v63  }
0xa2: {  	s2 =	sadd.s32 $0x1400, s0  }
0xa3: {  	[spmem:s1] =	stream.indirect.scatter.add.f32 [tilespmem:s22], [sflag:$0x3], $0x80, s2, s21, $0xb8;
	[tilespmem:$0x1E800] =	vst v63  }
0xa4: {  	_ =	swait.ge [sflag:s19], $0x4000  }
0xa5: {  	[sflag:s19] =	ssyncset.done $0x0  }
0xa6: {  	[sflag:s19] =	ssyncadd.s32 $0xFFFFC000  }
0xa7: {  	_ =	swait.ge [sflag:s25], $0x4000  }
0xa8: {  	[sflag:s25] =	ssyncset.done $0x0  }
0xa9: {  	s2 =	sadd.s32 $0x100, s0;
	[sflag:s25] =	ssyncadd.s32 $0xFFFFC000  }
0xaa: {  	[tilespmem:s22], [sflag:$0x1] =	stream.indirect.gather [hbm4b:s4+s21], $0x80, s2, s21, $0xb8;
	[tilespmem:$0x1E800] =	vst v63  }
.Ltmp4:
0xab: {  	_ = 	snop;
	(pc) =	sbr.rel @p1 .LBB2_9-.Ltmp4, $4  }
0xac: {  	s0 =	sadd.s32 $0x1480, s0  }
0xad: {  	[spmem:s1] =	stream.indirect.scatter.add.f32 [tilespmem:s24], [sflag:$0x3], $0x80, s0, s21, $0xb8;
	[tilespmem:$0x1E800] =	vst v63  }
0xae: {  	_ =	swait.ge [sflag:s19], $0x4000  }
0xaf: {  	[sflag:s19] =	ssyncset.done $0x0  }
0xb0: {  	[sflag:s19] =	ssyncadd.s32 $0xFFFFC000  }
0xb1: {  	_ =	swait.ge [sflag:s23], $0x4000  }
0xb2: {  	[sflag:s23] =	ssyncset.done $0x0  }
0xb3: {  	[sflag:s23] =	ssyncadd.s32 $0xFFFFC000  }
0xb4: {  	[tilespmem:s24], [sflag:$0x2] =	stream.indirect.gather [hbm4b:s4+s21], $0x80, s26, s21, $0xb8;
	[tilespmem:$0x1E800] =	vst v63  }
0xb5: {  	_ = 	snop  }
0xb6: {  	[spmem:s1] =	stream.indirect.scatter.add.f32 [tilespmem:s22], [sflag:$0x3], $0x80, s28, s21, $0xb8;
	[tilespmem:$0x1E800] =	vst v63  }
0xb7: {  	_ =	swait.ge [sflag:s19], $0x4000  }
0xb8: {  	[sflag:s19] =	ssyncset.done $0x0  }
0xb9: {  	[sflag:s19] =	ssyncadd.s32 $0xFFFFC000  }
0xba: {  	_ =	swait.ge [sflag:s25], $0x4000  }
0xbb: {  	[sflag:s25] =	ssyncset.done $0x0  }
0xbc: {  	[sflag:s25] =	ssyncadd.s32 $0xFFFFC000  }
0xbd: {  	[spmem:s1] =	stream.indirect.scatter.add.f32 [tilespmem:s24], [sflag:$0x3], $0x80, s29, s21, $0xb8;
	[tilespmem:$0x1E800] =	vst v63  }
0xbe: {  	_ =	swait.ge [sflag:s19], $0x4000  }
0xbf: {  	s30 =	sadd.s32 $0x1, s30;
	[sflag:s19] =	ssyncset.done $0x0  }
0xc0: {  	p1 =	sne.s32 s30, s16;
	[sflag:s19] =	ssyncadd.s32 $0xFFFFC000  }
.Ltmp5:
0xc1: {  	[bflag:$0x0] =	sbarrier.arrive $0xFFFF;
	(pc) =	sbr.rel @p1 .LBB2_1-.Ltmp5, $4  }
0xc2: {  	[hbm:s15], [sflag:s17] =	dma.local [spmem:s18], $0x2800  }
0xc3: {  	_ =	swait.ge [sflag:s19], $0x2800  }
0xc4: {  	[sflag:s19] =	ssyncset.done $0x0  }
0xc5: {  	[sflag:s19] =	ssyncadd.s32 $0xFFFFD800  }
0xc6: {  	_ =	sfence.sel $0x180000  }
0xc7: {  	[bflag:$0x0] =	sbarrier.arrive $0xFFFF  }
0xc8: {  	_ =	strace $0x9000004A  }
0xc9: {  	s0 =	stileid.u32;
	[bflag:$0x2] =	sbarrier.arrive $0xFFFF  }
0xca: {  	p0 =	sne.s32 s0, $0x0;
	s0 =	rddreg [dreg:$0x2]  }
0xcb: {  	s0 =	sadd.s32 @!p0 $0x100000, s0  }
0xcc: {  	[sflag:s0] =	ssyncadd.tile.s32 @!p0 $0x1;
	_ =	shalt  }
.Lfunc_end2:
_tile_overlayer_lowered:
.L_overlay_start_2:
0xcd: {  	(tag) =	ssettag $0x2  }
0xce: {  	s0 =	rddreg [dreg:$0x0];
	s2 =	stileid.u32  }
0xcf: {  	s1 =	rddreg [dreg:$0x1];
	p0 =	sne.s32 s2, $0x0  }
0xd0: {  	s3 =	rddreg [dreg:$0x2];
	[bflag:$0x3] =	sbarrier.arrive $0xFFFF;
	s2 =	simm.s32 @!p0 $0x1C03  }
0xd1: {  	[timem:s3], [sflag:s2] =	dma.local @!p0 [hbm:s0], s1  }
0xd2: {  	s0 =	simm.s32 @!p0 $0x3  }
0xd3: {  	_ =	swait.ge @!p0 [sflag:s0], s1  }
0xd4: {  	s1 =	ssub.s32 @!p0 $0x0, s1;
	[sflag:s0] =	ssyncset.done @!p0 $0x0  }
0xd5: {  	[sflag:s0] =	ssyncadd.s32 @!p0 s1  }
0xd6: {  	[bflag:$0x3] =	sbarrier.arrive $0xFFFF  }
0xd7: {  	_ =	shalt  }

// kernel: kernel.14.cloned.1.call-start
scs
__scs_entry_jumppad:
0x0: {  	(pc) =	sbr.rel $0x88, $3  }
0x1: {  	(tag) =	ssettag $0x0;
	lr =	simm.s32 $0x1  }
0x2: {  	[smem:$0x3F9A] =	sst lr;
	_ =	strace $0xD0000000  }
0x3: {  	_ = 	snop  }
0x4: {  	_ = 	snop  }
0x5: {  	_ = 	snop  }
0x6: {  	_ = 	snop  }
0x7: {  	_ = 	snop  }
__scs_overlays_trampoline_lowered:
0x8: {  	[smem:$0x3FA9] =	sst s0  }
0x9: {  	[smem:$0x3FAA] =	sst s1  }
0xa: {  	[smem:$0x3FAB] =	sst s2  }
0xb: {  	[smem:$0x3FAC] =	sst s3  }
0xc: {  	[smem:$0x3FAD] =	sst s4  }
0xd: {  	[smem:$0x3FAE] =	sst s5  }
0xe: {  	[smem:$0x3FAF] =	sst s6  }
0xf: {  	[smem:$0x3FB0] =	sst s7  }
0x10: {  	[smem:$0x3FB1] =	sst s8  }
0x11: {  	[smem:$0x3FB2] =	sst s9;
	s0 =	simm.s32 @!p0 $0x0  }
0x12: {  	s1 =	sld [smem:$0x3F98];
	s0 =	simm.s32 @p0 $0x1  }
0x13: {  	[smem:$0x3FB3] =	sst s0;
	s0 =	simm.s32 @!p1 $0x0  }
0x14: {  	s2 =	sld [smem:$0x3F97];
	s0 =	simm.s32 @p1 $0x1  }
0x15: {  	[smem:$0x3FB4] =	sst s0;
	s0 =	simm.s32 @!p2 $0x0  }
0x16: {  	s3 =	sld [smem:$0x3FDB];
	s0 =	simm.s32 @p2 $0x1  }
0x17: {  	s4 =	simm.s32 $0x1BF5;
	[smem:$0x3FB6] =	sst s0  }
0x18: {  	s0 =	sld [smem:$0x3F99];
	_ =	swait.ge [sflag:s4], $0x0  }
0x19: {  	s7 =	sld [smem:$0x3F9A]  }
0x1a: {  	s8 =	sadd.s32 $0xFFFFE003, lr  }
0x1b: {  	s9 =	sadd.s32 $0xFFFFFEF7, lr;
	s5 =	simm.s32 $0xFFFFFFFF;
	p2 =	slt.u32 s8, $0xFFFFF086  }
0x1c: {  	p1 =	slt.u32 s9, $0xF7A;
	s5 =	simm.s32 @!p2 $0x0  }
0x1d: {  	s5 =	simm.s32 @p1 $0x1;
	p0 =	seq.s32 s7, s2  }
0x1e: {  	s7 =	smul.u32 @!p0 $0xF7A, s2;
	p2 =	seq.s32 @!p0 s5, $0x0  }
0x1f: {  	s9 =	smul.u32 $0xF7A, s1;
	s8 =	simm.s32 @!p0 $0x1BF5;
	p2 =	por !p2, p0  }
0x20: {  	[sflag:s8] =	ssyncset.s32 @!p0 $0xFFFFF086;
	s6 =	sadd.s32 @!p0 s3, s7;
	s7 =	simm.s32 @!p0 $0x108  }
0x21: {  	s3 =	sadd.s32 s3, s9;
	s6 =	sadd.s32 @!p0 $0x88, s6;
	s7 =	simm.s32 @p2 $0x1082  }
0x22: {  	[simem:s7], [sflag:s8] =	dma.local @!p0 [hbm:s6], $0xF7A  }
0x23: {  	s9 =	sor.u32 $0xD0000000, s2;
	s6 =	simm.s32 $0x108;
	_ =	swait.ge @!p0 [sflag:s8], $0x0  }
0x24: {  	s3 =	sadd.s32 $0x88, s3;
	s6 =	simm.s32 @!p1 $0x1082;
	[sflag:s4] =	ssyncset.s32 $0xFFFFF086  }
0x25: {  	[simem:s6], [sflag:s4] =	dma.local [hbm:s3], $0xF7A  }
0x26: {  	[smem:$0x3F9A] =	sst s1;
	(tag) =	ssettag s2;
	_ =	strace s9  }
0x27: {  	s1 =	sld [smem:$0x3FAA]  }
0x28: {  	s2 =	sld [smem:$0x3FAB]  }
0x29: {  	s4 =	sld [smem:$0x3FAD]  }
0x2a: {  	p0 =	seq.s32 s5, $0x0;
	s5 =	sld [smem:$0x3FAE]  }
0x2b: {  	s6 =	sld [smem:$0x3FAF]  }
0x2c: {  	s7 =	sld [smem:$0x3FB0]  }
0x2d: {  	s3 =	simm.s32 $0x108;
	s8 =	sld [smem:$0x3FB1]  }
0x2e: {  	s3 =	simm.s32 @!p0 $0x1082;
	s9 =	sld [smem:$0x3FB2]  }
0x2f: {  	lr =	sadd.s32 s0, s3;
	s0 =	sld [smem:$0x3FA9]  }
0x30: {  	s3 =	sld [smem:$0x3FAC]  }
0x31: {  	[smem:$0x3FB5] =	sst s10  }
0x32: {  	s10 =	sld [smem:$0x3FB3];
	_ =	sdelay $0x3  }
0x33: {  	p0 =	seq.s32 s10, $0x1;
	s10 =	sld [smem:$0x3FB5];
	_ =	sdelay $0x3  }
0x34: {  	[smem:$0x3FB5] =	sst s10  }
0x35: {  	s10 =	sld [smem:$0x3FB4];
	_ =	sdelay $0x3  }
0x36: {  	p1 =	seq.s32 s10, $0x1;
	s10 =	sld [smem:$0x3FB5];
	_ =	sdelay $0x3  }
0x37: {  	[smem:$0x3FB5] =	sst s10  }
0x38: {  	s10 =	sld [smem:$0x3FB6]  }
0x39: {  	_ = 	snop;
	(pc) =	sbr.ind lr, $3  }
0x3a: {  	_ = 	snop  }
0x3b: {  	_ = 	snop  }
0x3c: {  	p2 =	seq.s32 s10, $0x1;
	s10 =	sld [smem:$0x3FB5]  }
0x3d: {  	_ =	shalt  }
0x3e: {  	_ =	shalt  }
0x3f: {  	_ =	shalt  }
0x40: {  	_ =	shalt  }
0x41: {  	_ =	shalt  }
0x42: {  	_ =	shalt  }
0x43: {  	_ =	shalt  }
0x44: {  	_ =	shalt  }
0x45: {  	_ =	shalt  }
0x46: {  	_ =	shalt  }
0x47: {  	_ =	shalt  }
0x48: {  	_ =	shalt  }
0x49: {  	_ =	shalt  }
0x4a: {  	_ =	shalt  }
0x4b: {  	_ =	shalt  }
0x4c: {  	_ =	shalt  }
0x4d: {  	_ =	shalt  }
0x4e: {  	_ =	shalt  }
0x4f: {  	_ =	shalt  }
0x50: {  	_ =	shalt  }
0x51: {  	_ =	shalt  }
0x52: {  	_ =	shalt  }
0x53: {  	_ =	shalt  }
0x54: {  	_ =	shalt  }
0x55: {  	_ =	shalt  }
0x56: {  	_ =	shalt  }
0x57: {  	_ =	shalt  }
0x58: {  	_ =	shalt  }
0x59: {  	_ =	shalt  }
0x5a: {  	_ =	shalt  }
0x5b: {  	_ =	shalt  }
0x5c: {  	_ =	shalt  }
0x5d: {  	_ =	shalt  }
0x5e: {  	_ =	shalt  }
0x5f: {  	_ =	shalt  }
0x60: {  	_ =	shalt  }
0x61: {  	_ =	shalt  }
0x62: {  	_ =	shalt  }
0x63: {  	_ =	shalt  }
0x64: {  	_ =	shalt  }
0x65: {  	_ =	shalt  }
0x66: {  	_ =	shalt  }
0x67: {  	_ =	shalt  }
0x68: {  	_ =	shalt  }
0x69: {  	_ =	shalt  }
0x6a: {  	_ =	shalt  }
0x6b: {  	_ =	shalt  }
0x6c: {  	_ =	shalt  }
0x6d: {  	_ =	shalt  }
0x6e: {  	_ =	shalt  }
0x6f: {  	_ =	shalt  }
0x70: {  	_ =	shalt  }
0x71: {  	_ =	shalt  }
0x72: {  	_ =	shalt  }
0x73: {  	_ =	shalt  }
0x74: {  	_ =	shalt  }
0x75: {  	_ =	shalt  }
0x76: {  	_ =	shalt  }
0x77: {  	_ =	shalt  }
0x78: {  	_ =	shalt  }
0x79: {  	_ =	shalt  }
0x7a: {  	_ =	shalt  }
0x7b: {  	_ =	shalt  }
0x7c: {  	_ =	shalt  }
0x7d: {  	_ =	shalt  }
0x7e: {  	_ =	shalt  }
0x7f: {  	_ =	shalt  }
0x80: {  	_ =	shalt  }
0x81: {  	_ =	shalt  }
0x82: {  	_ =	shalt  }
0x83: {  	_ =	shalt  }
0x84: {  	_ =	shalt  }
0x85: {  	_ =	shalt  }
0x86: {  	_ =	shalt  }
0x87: {  	_ =	shalt  }
.Lfunc_end0:
.L_simem_size_0:
called_computation.2_lowered:
.L_overlay_start_0:
0x88: {  	s2 =	sld [smem:$0x3FD9]  }
0x89: {  	s3 =	sld [smem:$0x3FFE];
	_ =	sdelay $0x1  }
0x8a: {  	s1 =	srdreg.scid  }
0x8b: {  	s0 =	sand.u32 $0x1, s1  }
0x8c: {  	s16 =	sshll.u32 s0, $0xA;
	s2 =	sadd.s32 s3, s2  }
0x8d: {  	s2 =	sadd.s32 s2, s16  }
0x8e: {  	[smem:$0x3FC1] =	sst s2  }
0x8f: {  	_ = 	snop  }
0x90: {  	(tm) =	ssettm $0x1  }
0x91: {  	s17 =	sld [smem:$0x3FFB];
	_ =	sdelay $0x3  }
0x92: {  	_ =	strace s17  }
0x93: {  	s2 =	sld [smem:$0x3FFC];
	_ =	sdelay $0x3  }
0x94: {  	_ =	strace s2  }
0x95: {  	s2 =	sld [smem:$0x3FFD];
	_ =	sdelay $0x3  }
0x96: {  	_ =	strace s2  }
0x97: {  	_ =	strace $0x8FFFFFFF  }
0x98: {  	s18 =	sld [smem:$0x3FDB];
	_ =	sdelay $0x1  }
0x99: {  	s19 =	simm.s32 $_scs_section_size  }
0x9a: {  	s4 =	simm.s32 $_size__tile_overlayer_lowered;
	s5 =	simm.s32 $_tile_overlayer_lowered  }
0x9b: {  	s22 =	simm.s32 $0x1BFF;
	s21 =	sshll.u32 s5, $0x1;
	s2 =	sadd.s32 s19, s18  }
0x9c: {  	s6 =	simm.s32 $0x0;
	s20 =	sshll.u32 s4, $0x1;
	s4 =	sadd.s32 s21, s2  }
0x9d: {  	[timem:s6], [sflag:s22] =	dma.local [hbm:s4], s20  }
0x9e: {  	_ =	swait.ge [sflag:s22], s20  }
0x9f: {  	s3 =	ssub.s32 $0x0, s20;
	[sflag:s22] =	ssyncset.done $0x0  }
0xa0: {  	[sflag:s22] =	ssyncadd.s32 s3;
	_ =	sdelay $0x1  }
0xa1: {  	s23 =	simm.s32 $0x1B8B  }
0xa2: {  	_ =	swait.ge [sflag:s23], $0x1  }
0xa3: {  	[sflag:s23] =	ssyncset.done $0x0  }
0xa4: {  	s25 =	simm.s32 $0x1B8E;
	s24 =	sld [smem:$0x3FFE];
	[sflag:s23] =	ssyncadd.s32 $0xFFFFFFFF  }
0xa5: {  	s26 =	simm.s32 $execute0_lowered;
	[smem:$0x3FD2] =	sst s25  }
0xa6: {  	s4 =	sshll.u32 s26, $0x1;
	_ =	strace $0x8000004C;
	[dreg:$0x1] =	wrdreg $0xFFFFFFFF  }
0xa7: {  	s28 =	simm.s32 $_size_execute0_lowered;
	s2 =	sadd.s32 s2, s4;
	[dreg:$0x0] =	wrdreg $0x0  }
0xa8: {  	s4 =	sshll.u32 s28, $0x1;
	[dreg:$0x2] =	wrdreg s2  }
0xa9: {  	[dreg:$0x3] =	wrdreg s4  }
0xaa: {  	[dreg:$0x4] =	wrdreg $0xC0  }
0xab: {  	_ =	task [dreg:s6], $0x5FFFF  }
0xac: {  	[dreg:$0x1] =	wrdreg $0xFFFFFFFF  }
0xad: {  	[dreg:$0x0] =	wrdreg $0x60  }
0xae: {  	[dreg:$0x2] =	wrdreg s24  }
0xaf: {  	[dreg:$0x3] =	wrdreg $0xA8000  }
0xb0: {  	[dreg:$0x4] =	wrdreg $0x9  }
0xb1: {  	_ =	task.clear_ibuf [dreg:s6], $0x5FFFF;
	_ =	strace $0x9000004C  }
0xb2: {  	s29 =	simm.s32 $0x9;
	_ =	strace $0x8000004E  }
0xb3: {  	_ =	swait.ge [sflag:s29], $0x1  }
0xb4: {  	[sflag:s29] =	ssyncadd.s32 $0xFFFFFFFF  }
0xb5: {  	_ =	strace $0x9000004E  }
0xb6: {  	_ =	sfence  }
0xb7: {  	s30 =	sld [smem:$0x0];
	_ =	sdelay $0x2  }
0xb8: {  	s31 =	sshll.u32 s1, $0xD;
	s1 =	sshrl.u32 s1, $0x2  }
0xb9: {  	s3 =	sand.u32 $0x4000, s31;
	s1 =	sadd.s32 s1, s30  }
0xba: {  	s0 =	sor.u32 s3, s0;
	s1 =	sshll.u32 s1, $0x11  }
0xbb: {  	s0 =	sor.u32 s1, s0  }
0xbc: {  	s0 =	sadd.s32 $0x8F2B, s0  }
0xbd: {  	[sflag:s0] =	ssyncadd.remote.s32 $0x1  }
0xbe: {  	_ =	sfence.sel $0xFFFF  }
0xbf: {  	[dreg:$0x0] =	wrdreg $0xFFFFFFFF;
	(pc) =	sbr.abs _section_cstart, $3  }
0xc0: {  	[dreg:$0x1] =	wrdreg $0xFFFFFFFF  }
0xc1: {  	_ =	task.clear_ibuf [dreg:s6], $0x2FFFF;
	_ =	strace $0x9FFFFFFF  }
0xc2: {  	(tm) =	ssettm $0x7FFFFFFF  }
0xc3: {  	_ =	shalt  }
tec
execute0_lowered:
.L_overlay_start_1:
0x0: {  	(tag) =	ssettag $0x1  }
0x1: {  	s0 =	rddreg [dreg:$0x0]  }
0x2: {  	s1 =	rddreg [dreg:$0x1]  }
0x3: {  	s2 =	srdreg.scid;
	s3 =	simm.s32 $0x0;
	s24 =	stileid.u32  }
0x4: {  	s19 =	simm.s32 $0x3;
	s20 =	simm.s32 $0x1400;
	s21 =	simm.s32 $0x80  }
0x5: {  	s22 =	simm.s32 $0x2800;
	s23 =	simm.s32 $0x1;
	s28 =	simm.s32 $0x2700  }
0x6: {  	s29 =	simm.s32 $0x2780;
	s30 =	simm.s32 $0x0;
	s17 =	sand.u32 $0x1, s2  }
0x7: {  	[smem:$0x7FF] =	sst s3;
	s6 =	smul.u32 $0x14000, s24;
	s4 =	sadd.s32 $0x16200, s0  }
0x8: {  	s13 =	sadd.s32 $0xC200, s0;
	s25 =	smul.u32 $0x50000, s24;
	s14 =	sadd.s32 $0x2200, s0  }
0x9: {  	s10 =	smul.u32 $0x2800, s24;
	s31 =	sshll.u32 s24, $0x6;
	s24 =	simm.s32 $0x6800  }
0xa: {  	s5 =	smul.u32 $0x140000, s17;
	_ =	strace $0x8000004D;
	s7 =	ssub.s32 $0x2, s17  }
0xb: {  	s8 =	smul.u32 $0x28000, s17;
	p0 =	sne.s32 s17, $0x0;
	s17 =	sor.u32 $0x1C03, s31  }
0xc: {  	s9 =	sshrl.u32 s7, $0x1;
	s5 =	sadd.s32 s6, s5;
	s6 =	sshrl.u32 s25, $0x2  }
0xd: {  	s16 =	ssub.s32 s7, s9;
	s26 =	sadd.s32 s10, s8;
	s10 =	sadd.s32 s4, s10  }
0xe: {  	s25 =	simm.s32 $0x2;
	s5 =	sshrl.u32 s5, $0x3;
	s12 =	sshrl.u32 s26, $0x3  }
0xf: {  	s16 =	smax.u32 s16, $0x1;
	s26 =	simm.s32 $0x1380;
	s0 =	sadd.s32 s5, s0  }
0x10: {  	s5 =	sadd.s32 s6, s1;
	s15 =	sadd.s32 $0x280, s12;
	s11 =	sadd.s32 s13, s12  }
0x11: {  	s12 =	sadd.s32 s14, s12;
	s6 =	sadd.s32 $0x4000, s5;
	s7 =	sadd.s32 $0x8000, s5  }
0x12: {  	s8 =	sadd.s32 $0xC000, s5;
	s9 =	sadd.s32 $0x10000, s5;
	s13 =	sadd.s32 s13, s15  }
0x13: {  	v0 =	vimm.f32 $0.0e+00;
	s14 =	sadd.s32 s14, s15;
	s15 =	sadd.s32 $0x3E200, s0;
	s18 =	sshrl.u32 s5, $0x3  }
.LBB2_1:
.Ltmp0:
0x14: {  	(pc) =	sbr.rel @p0 .LBB2_3-.Ltmp0, $1  }
0x15: {  	_ =	sdelay $0x3  }
.Ltmp1:
0x16: {  	(pc) =	sbr.rel .LBB2_6-.Ltmp1, $4  }
0x17: {  	[spmem:s18], [sflag:s17] =	dma.local [hbm:s10], $0x2800  }
0x18: {  	_ =	swait.ge [sflag:s19], $0x2800  }
0x19: {  	[sflag:s19] =	ssyncset.done $0x0  }
0x1a: {  	[sflag:s19] =	ssyncadd.s32 $0xFFFFD800  }
.LBB2_3:
0x1b: {  	s31 =	sshra.s32 s3, $0x2;
	s0 =	sadd.s32 $0x200, s3  }
.LBB2_4:
0x1c: {  	p1 =	sne.s32 s0, $0xFE00;
	[tilespmem:s31+$0x2870] =	vst v0  }
0x1d: {  	[tilespmem:s31+$0x2800] =	vst v0  }
0x1e: {  	[tilespmem:s31+$0x2810] =	vst v0  }
.Ltmp2:
0x1f: {  	[tilespmem:s31+$0x2820] =	vst v0;
	(pc) =	sbr.rel @p1 .LBB2_4-.Ltmp2, $4  }
0x20: {  	[tilespmem:s31+$0x2830] =	vst v0  }
0x21: {  	[tilespmem:s31+$0x2840] =	vst v0  }
0x22: {  	[tilespmem:s31+$0x2850] =	vst v0  }
0x23: {  	[tilespmem:s31+$0x2860] =	vst v0;
	s31 =	sshra.s32 s0, $0x2;
	s0 =	sadd.s32 $0x200, s0  }
0x24: {  	[tilespmem:s31+$0x2870] =	vst v0  }
0x25: {  	[tilespmem:s31+$0x2800] =	vst v0  }
0x26: {  	[tilespmem:s31+$0x2810] =	vst v0  }
0x27: {  	[tilespmem:s31+$0x2820] =	vst v0  }
0x28: {  	[tilespmem:s31+$0x2830] =	vst v0  }
0x29: {  	[tilespmem:s31+$0x2840] =	vst v0  }
0x2a: {  	[tilespmem:s31+$0x2850] =	vst v0  }
0x2b: {  	[tilespmem:s31+$0x2860] =	vst v0  }
0x2c: {  	[spmem:s5] =	stream.linear.scatter [tilespmem:s22], [sflag:$0x3], $0x4000, $0x38;
	[tilespmem:$0x1E800] =	vst v63  }
0x2d: {  	_ =	swait.ge [sflag:s19], $0x4000  }
0x2e: {  	[sflag:s19] =	ssyncset.done $0x0  }
0x2f: {  	[sflag:s19] =	ssyncadd.s32 $0xFFFFC000  }
0x30: {  	[spmem:s6] =	stream.linear.scatter [tilespmem:s22], [sflag:$0x3], $0x4000, $0x38;
	[tilespmem:$0x1E800] =	vst v63  }
0x31: {  	_ =	swait.ge [sflag:s19], $0x4000  }
0x32: {  	[sflag:s19] =	ssyncset.done $0x0  }
0x33: {  	[sflag:s19] =	ssyncadd.s32 $0xFFFFC000  }
0x34: {  	[spmem:s7] =	stream.linear.scatter [tilespmem:s22], [sflag:$0x3], $0x4000, $0x38;
	[tilespmem:$0x1E800] =	vst v63  }
0x35: {  	_ =	swait.ge [sflag:s19], $0x4000  }
0x36: {  	[sflag:s19] =	ssyncset.done $0x0  }
0x37: {  	[sflag:s19] =	ssyncadd.s32 $0xFFFFC000  }
0x38: {  	[spmem:s8] =	stream.linear.scatter [tilespmem:s22], [sflag:$0x3], $0x4000, $0x38;
	[tilespmem:$0x1E800] =	vst v63  }
0x39: {  	_ =	swait.ge [sflag:s19], $0x4000  }
0x3a: {  	[sflag:s19] =	ssyncset.done $0x0  }
0x3b: {  	[sflag:s19] =	ssyncadd.s32 $0xFFFFC000  }
0x3c: {  	[spmem:s9] =	stream.linear.scatter [tilespmem:s22], [sflag:$0x3], $0x4000, $0x38;
	[tilespmem:$0x1E800] =	vst v63  }
0x3d: {  	_ =	swait.ge [sflag:s19], $0x4000  }
0x3e: {  	[sflag:s19] =	ssyncset.done $0x0  }
0x3f: {  	[sflag:s19] =	ssyncadd.s32 $0xFFFFC000  }
.LBB2_6:
0x40: {  	[bflag:$0x0] =	sbarrier.arrive $0xFFFF;
	s0 =	simm.s32 $0x0  }
0x41: {  	[tilespmem:s0], [sflag:$0x3] =	stream.linear.gather [hbm4b:s11+s0], $0x1400, $0x38;
	[tilespmem:$0x1E800] =	vst v63  }
0x42: {  	_ =	swait.ge [sflag:s19], $0x1400  }
0x43: {  	[sflag:s19] =	ssyncset.done $0x0  }
0x44: {  	[sflag:s19] =	ssyncadd.s32 $0xFFFFEC00  }
0x45: {  	[tilespmem:s20], [sflag:$0x3] =	stream.linear.gather [hbm4b:s12+s0], $0x1400, $0x38;
	[tilespmem:$0x1E800] =	vst v63  }
0x46: {  	_ =	swait.ge [sflag:s19], $0x1400  }
0x47: {  	[sflag:s19] =	ssyncset.done $0x0  }
0x48: {  	[sflag:s19] =	ssyncadd.s32 $0xFFFFEC00  }
0x49: {  	[tilespmem:s22], [sflag:$0x1] =	stream.indirect.gather [hbm4b:s4+s21], $0x80, s0, s21, $0xb8;
	[tilespmem:$0x1E800] =	vst v63  }
0x4a: {  	_ =	swait.ge [sflag:s23], $0x4000  }
0x4b: {  	[sflag:s23] =	ssyncset.done $0x0  }
0x4c: {  	s2 =	simm.s32 $0x80;
	[sflag:s23] =	ssyncadd.s32 $0xFFFFC000  }
0x4d: {  	[tilespmem:s24], [sflag:$0x2] =	stream.indirect.gather [hbm4b:s4+s21], $0x80, s2, s21, $0xb8;
	[tilespmem:$0x1E800] =	vst v63  }
0x4e: {  	s2 =	simm.s32 $0x1400  }
0x4f: {  	[spmem:s1] =	stream.indirect.scatter.add.f32 [tilespmem:s22], [sflag:$0x3], $0x80, s2, s21, $0xb8;
	[tilespmem:$0x1E800] =	vst v63  }
0x50: {  	_ =	swait.ge [sflag:s19], $0x4000  }
0x51: {  	[sflag:s19] =	ssyncset.done $0x0  }
0x52: {  	[sflag:s19] =	ssyncadd.s32 $0xFFFFC000  }
0x53: {  	_ =	swait.ge [sflag:s25], $0x4000  }
0x54: {  	[sflag:s25] =	ssyncset.done $0x0  }
0x55: {  	s2 =	simm.s32 $0x100;
	[sflag:s25] =	ssyncadd.s32 $0xFFFFC000  }
0x56: {  	[tilespmem:s22], [sflag:$0x1] =	stream.indirect.gather [hbm4b:s4+s21], $0x80, s2, s21, $0xb8;
	[tilespmem:$0x1E800] =	vst v63  }
0x57: {  	s2 =	simm.s32 $0x1480  }
0x58: {  	[spmem:s1] =	stream.indirect.scatter.add.f32 [tilespmem:s24], [sflag:$0x3], $0x80, s2, s21, $0xb8;
	[tilespmem:$0x1E800] =	vst v63  }
0x59: {  	_ =	swait.ge [sflag:s19], $0x4000  }
0x5a: {  	s31 =	simm.s32 $0x400;
	[sflag:s19] =	ssyncset.done $0x0  }
.LBB2_7:
0x5b: {  	p1 =	sne.s32 s31, $0x4800  }
0x5c: {  	[sflag:s19] =	ssyncadd.s32 $0xFFFFC000;
	s0 =	smov.u32 s31;
	s31 =	sadd.s32 $0x400, s31  }
0x5d: {  	_ = 	snop  }
0x5e: {  	_ =	swait.ge [sflag:s23], $0x4000  }
0x5f: {  	s0 =	sshra.s32 s0, $0x2;
	[sflag:s23] =	ssyncset.done $0x0  }
0x60: {  	s2 =	sadd.s32 $0x80, s0;
	[sflag:s23] =	ssyncadd.s32 $0xFFFFC000  }
0x61: {  	[tilespmem:s24], [sflag:$0x2] =	stream.indirect.gather [hbm4b:s4+s21], $0x80, s2, s21, $0xb8;
	[tilespmem:$0x1E800] =	vst v63  }
0x62: {  	s2 =	sadd.s32 $0x1400, s0  }
0x63: {  	[spmem:s1] =	stream.indirect.scatter.add.f32 [tilespmem:s22], [sflag:$0x3], $0x80, s2, s21, $0xb8;
	[tilespmem:$0x1E800] =	vst v63  }
0x64: {  	_ =	swait.ge [sflag:s19], $0x4000  }
0x65: {  	[sflag:s19] =	ssyncset.done $0x0  }
0x66: {  	[sflag:s19] =	ssyncadd.s32 $0xFFFFC000  }
0x67: {  	_ =	swait.ge [sflag:s25], $0x4000  }
0x68: {  	[sflag:s25] =	ssyncset.done $0x0  }
0x69: {  	s2 =	sadd.s32 $0x100, s0;
	[sflag:s25] =	ssyncadd.s32 $0xFFFFC000  }
0x6a: {  	[tilespmem:s22], [sflag:$0x1] =	stream.indirect.gather [hbm4b:s4+s21], $0x80, s2, s21, $0xb8;
	[tilespmem:$0x1E800] =	vst v63  }
.Ltmp3:
0x6b: {  	_ = 	snop;
	(pc) =	sbr.rel @p1 .LBB2_7-.Ltmp3, $4  }
0x6c: {  	s0 =	sadd.s32 $0x1480, s0  }
0x6d: {  	[spmem:s1] =	stream.indirect.scatter.add.f32 [tilespmem:s24], [sflag:$0x3], $0x80, s0, s21, $0xb8;
	[tilespmem:$0x1E800] =	vst v63  }
0x6e: {  	_ =	swait.ge [sflag:s19], $0x4000  }
0x6f: {  	[sflag:s19] =	ssyncset.done $0x0  }
0x70: {  	[sflag:s19] =	ssyncadd.s32 $0xFFFFC000  }
0x71: {  	_ =	swait.ge [sflag:s23], $0x4000  }
0x72: {  	[sflag:s23] =	ssyncset.done $0x0  }
0x73: {  	[sflag:s23] =	ssyncadd.s32 $0xFFFFC000  }
0x74: {  	[tilespmem:s24], [sflag:$0x2] =	stream.indirect.gather [hbm4b:s4+s21], $0x80, s26, s21, $0xb8;
	[tilespmem:$0x1E800] =	vst v63  }
0x75: {  	_ = 	snop  }
0x76: {  	[spmem:s1] =	stream.indirect.scatter.add.f32 [tilespmem:s22], [sflag:$0x3], $0x80, s28, s21, $0xb8;
	[tilespmem:$0x1E800] =	vst v63  }
0x77: {  	_ =	swait.ge [sflag:s19], $0x4000  }
0x78: {  	[sflag:s19] =	ssyncset.done $0x0  }
0x79: {  	[sflag:s19] =	ssyncadd.s32 $0xFFFFC000  }
0x7a: {  	_ =	swait.ge [sflag:s25], $0x4000  }
0x7b: {  	[sflag:s25] =	ssyncset.done $0x0  }
0x7c: {  	[sflag:s25] =	ssyncadd.s32 $0xFFFFC000  }
0x7d: {  	[spmem:s1] =	stream.indirect.scatter.add.f32 [tilespmem:s24], [sflag:$0x3], $0x80, s29, s21, $0xb8;
	[tilespmem:$0x1E800] =	vst v63  }
0x7e: {  	_ =	swait.ge [sflag:s19], $0x4000  }
0x7f: {  	[sflag:s19] =	ssyncset.done $0x0  }
0x80: {  	s0 =	simm.s32 $0x0;
	[sflag:s19] =	ssyncadd.s32 $0xFFFFC000  }
0x81: {  	[tilespmem:s0], [sflag:$0x3] =	stream.linear.gather [hbm4b:s13+s0], $0x1400, $0x38;
	[tilespmem:$0x1E800] =	vst v63  }
0x82: {  	_ =	swait.ge [sflag:s19], $0x1400  }
0x83: {  	[sflag:s19] =	ssyncset.done $0x0  }
0x84: {  	[sflag:s19] =	ssyncadd.s32 $0xFFFFEC00  }
0x85: {  	[tilespmem:s20], [sflag:$0x3] =	stream.linear.gather [hbm4b:s14+s0], $0x1400, $0x38;
	[tilespmem:$0x1E800] =	vst v63  }
0x86: {  	_ =	swait.ge [sflag:s19], $0x1400  }
0x87: {  	[sflag:s19] =	ssyncset.done $0x0  }
0x88: {  	[sflag:s19] =	ssyncadd.s32 $0xFFFFEC00  }
0x89: {  	[tilespmem:s22], [sflag:$0x1] =	stream.indirect.gather [hbm4b:s4+s21], $0x80, s0, s21, $0xb8;
	[tilespmem:$0x1E800] =	vst v63  }
0x8a: {  	_ =	swait.ge [sflag:s23], $0x4000  }
0x8b: {  	[sflag:s23] =	ssyncset.done $0x0  }
0x8c: {  	s2 =	simm.s32 $0x80;
	[sflag:s23] =	ssyncadd.s32 $0xFFFFC000  }
0x8d: {  	[tilespmem:s24], [sflag:$0x2] =	stream.indirect.gather [hbm4b:s4+s21], $0x80, s2, s21, $0xb8;
	[tilespmem:$0x1E800] =	vst v63  }
0x8e: {  	s2 =	simm.s32 $0x1400  }
0x8f: {  	[spmem:s1] =	stream.indirect.scatter.add.f32 [tilespmem:s22], [sflag:$0x3], $0x80, s2, s21, $0xb8;
	[tilespmem:$0x1E800] =	vst v63  }
0x90: {  	_ =	swait.ge [sflag:s19], $0x4000  }
0x91: {  	[sflag:s19] =	ssyncset.done $0x0  }
0x92: {  	[sflag:s19] =	ssyncadd.s32 $0xFFFFC000  }
0x93: {  	_ =	swait.ge [sflag:s25], $0x4000  }
0x94: {  	[sflag:s25] =	ssyncset.done $0x0  }
0x95: {  	s2 =	simm.s32 $0x100;
	[sflag:s25] =	ssyncadd.s32 $0xFFFFC000  }
0x96: {  	[tilespmem:s22], [sflag:$0x1] =	stream.indirect.gather [hbm4b:s4+s21], $0x80, s2, s21, $0xb8;
	[tilespmem:$0x1E800] =	vst v63  }
0x97: {  	s2 =	simm.s32 $0x1480  }
0x98: {  	[spmem:s1] =	stream.indirect.scatter.add.f32 [tilespmem:s24], [sflag:$0x3], $0x80, s2, s21, $0xb8;
	[tilespmem:$0x1E800] =	vst v63  }
0x99: {  	_ =	swait.ge [sflag:s19], $0x4000  }
0x9a: {  	s31 =	simm.s32 $0x400;
	[sflag:s19] =	ssyncset.done $0x0  }
.LBB2_9:
0x9b: {  	p1 =	sne.s32 s31, $0x4800  }
0x9c: {  	[sflag:s19] =	ssyncadd.s32 $0xFFFFC000;
	s0 =	smov.u32 s31;
	s31 =	sadd.s32 $0x400, s31  }
0x9d: {  	_ = 	snop  }
0x9e: {  	_ =	swait.ge [sflag:s23], $0x4000  }
0x9f: {  	s0 =	sshra.s32 s0, $0x2;
	[sflag:s23] =	ssyncset.done $0x0  }
0xa0: {  	s2 =	sadd.s32 $0x80, s0;
	[sflag:s23] =	ssyncadd.s32 $0xFFFFC000  }
0xa1: {  	[tilespmem:s24], [sflag:$0x2] =	stream.indirect.gather [hbm4b:s4+s21], $0x80, s2, s21, $0xb8;
	[tilespmem:$0x1E800] =	vst v63  }
0xa2: {  	s2 =	sadd.s32 $0x1400, s0  }
0xa3: {  	[spmem:s1] =	stream.indirect.scatter.add.f32 [tilespmem:s22], [sflag:$0x3], $0x80, s2, s21, $0xb8;
	[tilespmem:$0x1E800] =	vst v63  }
0xa4: {  	_ =	swait.ge [sflag:s19], $0x4000  }
0xa5: {  	[sflag:s19] =	ssyncset.done $0x0  }
0xa6: {  	[sflag:s19] =	ssyncadd.s32 $0xFFFFC000  }
0xa7: {  	_ =	swait.ge [sflag:s25], $0x4000  }
0xa8: {  	[sflag:s25] =	ssyncset.done $0x0  }
0xa9: {  	s2 =	sadd.s32 $0x100, s0;
	[sflag:s25] =	ssyncadd.s32 $0xFFFFC000  }
0xaa: {  	[tilespmem:s22], [sflag:$0x1] =	stream.indirect.gather [hbm4b:s4+s21], $0x80, s2, s21, $0xb8;
	[tilespmem:$0x1E800] =	vst v63  }
.Ltmp4:
0xab: {  	_ = 	snop;
	(pc) =	sbr.rel @p1 .LBB2_9-.Ltmp4, $4  }
0xac: {  	s0 =	sadd.s32 $0x1480, s0  }
0xad: {  	[spmem:s1] =	stream.indirect.scatter.add.f32 [tilespmem:s24], [sflag:$0x3], $0x80, s0, s21, $0xb8;
	[tilespmem:$0x1E800] =	vst v63  }
0xae: {  	_ =	swait.ge [sflag:s19], $0x4000  }
0xaf: {  	[sflag:s19] =	ssyncset.done $0x0  }
0xb0: {  	[sflag:s19] =	ssyncadd.s32 $0xFFFFC000  }
0xb1: {  	_ =	swait.ge [sflag:s23], $0x4000  }
0xb2: {  	[sflag:s23] =	ssyncset.done $0x0  }
0xb3: {  	[sflag:s23] =	ssyncadd.s32 $0xFFFFC000  }
0xb4: {  	[tilespmem:s24], [sflag:$0x2] =	stream.indirect.gather [hbm4b:s4+s21], $0x80, s26, s21, $0xb8;
	[tilespmem:$0x1E800] =	vst v63  }
0xb5: {  	_ = 	snop  }
0xb6: {  	[spmem:s1] =	stream.indirect.scatter.add.f32 [tilespmem:s22], [sflag:$0x3], $0x80, s28, s21, $0xb8;
	[tilespmem:$0x1E800] =	vst v63  }
0xb7: {  	_ =	swait.ge [sflag:s19], $0x4000  }
0xb8: {  	[sflag:s19] =	ssyncset.done $0x0  }
0xb9: {  	[sflag:s19] =	ssyncadd.s32 $0xFFFFC000  }
0xba: {  	_ =	swait.ge [sflag:s25], $0x4000  }
0xbb: {  	[sflag:s25] =	ssyncset.done $0x0  }
0xbc: {  	[sflag:s25] =	ssyncadd.s32 $0xFFFFC000  }
0xbd: {  	[spmem:s1] =	stream.indirect.scatter.add.f32 [tilespmem:s24], [sflag:$0x3], $0x80, s29, s21, $0xb8;
	[tilespmem:$0x1E800] =	vst v63  }
0xbe: {  	_ =	swait.ge [sflag:s19], $0x4000  }
0xbf: {  	s30 =	sadd.s32 $0x1, s30;
	[sflag:s19] =	ssyncset.done $0x0  }
0xc0: {  	p1 =	sne.s32 s30, s16;
	[sflag:s19] =	ssyncadd.s32 $0xFFFFC000  }
.Ltmp5:
0xc1: {  	[bflag:$0x0] =	sbarrier.arrive $0xFFFF;
	(pc) =	sbr.rel @p1 .LBB2_1-.Ltmp5, $4  }
0xc2: {  	[hbm:s15], [sflag:s17] =	dma.local [spmem:s18], $0x2800  }
0xc3: {  	_ =	swait.ge [sflag:s19], $0x2800  }
0xc4: {  	[sflag:s19] =	ssyncset.done $0x0  }
0xc5: {  	[sflag:s19] =	ssyncadd.s32 $0xFFFFD800  }
0xc6: {  	_ =	sfence.sel $0x180000  }
0xc7: {  	[bflag:$0x0] =	sbarrier.arrive $0xFFFF  }
0xc8: {  	_ =	strace $0x9000004D  }
0xc9: {  	s0 =	stileid.u32;
	[bflag:$0x2] =	sbarrier.arrive $0xFFFF  }
0xca: {  	p0 =	sne.s32 s0, $0x0;
	s0 =	rddreg [dreg:$0x2]  }
0xcb: {  	s0 =	sadd.s32 @!p0 $0x100000, s0  }
0xcc: {  	[sflag:s0] =	ssyncadd.tile.s32 @!p0 $0x1;
	_ =	shalt  }
.Lfunc_end2:
_tile_overlayer_lowered:
.L_overlay_start_2:
0xcd: {  	(tag) =	ssettag $0x2  }
0xce: {  	s0 =	rddreg [dreg:$0x0];
	s2 =	stileid.u32  }
0xcf: {  	s1 =	rddreg [dreg:$0x1];
	p0 =	sne.s32 s2, $0x0  }
0xd0: {  	s3 =	rddreg [dreg:$0x2];
	[bflag:$0x3] =	sbarrier.arrive $0xFFFF;
	s2 =	simm.s32 @!p0 $0x1C03  }
0xd1: {  	[timem:s3], [sflag:s2] =	dma.local @!p0 [hbm:s0], s1  }
0xd2: {  	s0 =	simm.s32 @!p0 $0x3  }
0xd3: {  	_ =	swait.ge @!p0 [sflag:s0], s1  }
0xd4: {  	s1 =	ssub.s32 @!p0 $0x0, s1;
	[sflag:s0] =	ssyncset.done @!p0 $0x0  }
0xd5: {  	[sflag:s0] =	ssyncadd.s32 @!p0 s1  }
0xd6: {  	[bflag:$0x3] =	sbarrier.arrive $0xFFFF  }
0xd7: {  	_ =	shalt  }

// kernel: kernel.8.cloned.1.call-start
scs
__scs_entry_jumppad:
0x0: {  	(pc) =	sbr.rel $0x88, $3  }
0x1: {  	(tag) =	ssettag $0x0;
	lr =	simm.s32 $0x1  }
0x2: {  	[smem:$0x3F9A] =	sst lr;
	_ =	strace $0xD0000000  }
0x3: {  	_ = 	snop  }
0x4: {  	_ = 	snop  }
0x5: {  	_ = 	snop  }
0x6: {  	_ = 	snop  }
0x7: {  	_ = 	snop  }
__scs_overlays_trampoline_lowered:
0x8: {  	[smem:$0x3FA9] =	sst s0  }
0x9: {  	[smem:$0x3FAA] =	sst s1  }
0xa: {  	[smem:$0x3FAB] =	sst s2  }
0xb: {  	[smem:$0x3FAC] =	sst s3  }
0xc: {  	[smem:$0x3FAD] =	sst s4  }
0xd: {  	[smem:$0x3FAE] =	sst s5  }
0xe: {  	[smem:$0x3FAF] =	sst s6  }
0xf: {  	[smem:$0x3FB0] =	sst s7  }
0x10: {  	[smem:$0x3FB1] =	sst s8  }
0x11: {  	[smem:$0x3FB2] =	sst s9;
	s0 =	simm.s32 @!p0 $0x0  }
0x12: {  	s1 =	sld [smem:$0x3F98];
	s0 =	simm.s32 @p0 $0x1  }
0x13: {  	[smem:$0x3FB3] =	sst s0;
	s0 =	simm.s32 @!p1 $0x0  }
0x14: {  	s2 =	sld [smem:$0x3F97];
	s0 =	simm.s32 @p1 $0x1  }
0x15: {  	[smem:$0x3FB4] =	sst s0;
	s0 =	simm.s32 @!p2 $0x0  }
0x16: {  	s3 =	sld [smem:$0x3FDB];
	s0 =	simm.s32 @p2 $0x1  }
0x17: {  	s4 =	simm.s32 $0x1BF5;
	[smem:$0x3FB6] =	sst s0  }
0x18: {  	s0 =	sld [smem:$0x3F99];
	_ =	swait.ge [sflag:s4], $0x0  }
0x19: {  	s7 =	sld [smem:$0x3F9A]  }
0x1a: {  	s8 =	sadd.s32 $0xFFFFE003, lr  }
0x1b: {  	s9 =	sadd.s32 $0xFFFFFEF7, lr;
	s5 =	simm.s32 $0xFFFFFFFF;
	p2 =	slt.u32 s8, $0xFFFFF086  }
0x1c: {  	p1 =	slt.u32 s9, $0xF7A;
	s5 =	simm.s32 @!p2 $0x0  }
0x1d: {  	s5 =	simm.s32 @p1 $0x1;
	p0 =	seq.s32 s7, s2  }
0x1e: {  	s7 =	smul.u32 @!p0 $0xF7A, s2;
	p2 =	seq.s32 @!p0 s5, $0x0  }
0x1f: {  	s9 =	smul.u32 $0xF7A, s1;
	s8 =	simm.s32 @!p0 $0x1BF5;
	p2 =	por !p2, p0  }
0x20: {  	[sflag:s8] =	ssyncset.s32 @!p0 $0xFFFFF086;
	s6 =	sadd.s32 @!p0 s3, s7;
	s7 =	simm.s32 @!p0 $0x108  }
0x21: {  	s3 =	sadd.s32 s3, s9;
	s6 =	sadd.s32 @!p0 $0x88, s6;
	s7 =	simm.s32 @p2 $0x1082  }
0x22: {  	[simem:s7], [sflag:s8] =	dma.local @!p0 [hbm:s6], $0xF7A  }
0x23: {  	s9 =	sor.u32 $0xD0000000, s2;
	s6 =	simm.s32 $0x108;
	_ =	swait.ge @!p0 [sflag:s8], $0x0  }
0x24: {  	s3 =	sadd.s32 $0x88, s3;
	s6 =	simm.s32 @!p1 $0x1082;
	[sflag:s4] =	ssyncset.s32 $0xFFFFF086  }
0x25: {  	[simem:s6], [sflag:s4] =	dma.local [hbm:s3], $0xF7A  }
0x26: {  	[smem:$0x3F9A] =	sst s1;
	(tag) =	ssettag s2;
	_ =	strace s9  }
0x27: {  	s1 =	sld [smem:$0x3FAA]  }
0x28: {  	s2 =	sld [smem:$0x3FAB]  }
0x29: {  	s4 =	sld [smem:$0x3FAD]  }
0x2a: {  	p0 =	seq.s32 s5, $0x0;
	s5 =	sld [smem:$0x3FAE]  }
0x2b: {  	s6 =	sld [smem:$0x3FAF]  }
0x2c: {  	s7 =	sld [smem:$0x3FB0]  }
0x2d: {  	s3 =	simm.s32 $0x108;
	s8 =	sld [smem:$0x3FB1]  }
0x2e: {  	s3 =	simm.s32 @!p0 $0x1082;
	s9 =	sld [smem:$0x3FB2]  }
0x2f: {  	lr =	sadd.s32 s0, s3;
	s0 =	sld [smem:$0x3FA9]  }
0x30: {  	s3 =	sld [smem:$0x3FAC]  }
0x31: {  	[smem:$0x3FB5] =	sst s10  }
0x32: {  	s10 =	sld [smem:$0x3FB3];
	_ =	sdelay $0x3  }
0x33: {  	p0 =	seq.s32 s10, $0x1;
	s10 =	sld [smem:$0x3FB5];
	_ =	sdelay $0x3  }
0x34: {  	[smem:$0x3FB5] =	sst s10  }
0x35: {  	s10 =	sld [smem:$0x3FB4];
	_ =	sdelay $0x3  }
0x36: {  	p1 =	seq.s32 s10, $0x1;
	s10 =	sld [smem:$0x3FB5];
	_ =	sdelay $0x3  }
0x37: {  	[smem:$0x3FB5] =	sst s10  }
0x38: {  	s10 =	sld [smem:$0x3FB6]  }
0x39: {  	_ = 	snop;
	(pc) =	sbr.ind lr, $3  }
0x3a: {  	_ = 	snop  }
0x3b: {  	_ = 	snop  }
0x3c: {  	p2 =	seq.s32 s10, $0x1;
	s10 =	sld [smem:$0x3FB5]  }
0x3d: {  	_ =	shalt  }
0x3e: {  	_ =	shalt  }
0x3f: {  	_ =	shalt  }
0x40: {  	_ =	shalt  }
0x41: {  	_ =	shalt  }
0x42: {  	_ =	shalt  }
0x43: {  	_ =	shalt  }
0x44: {  	_ =	shalt  }
0x45: {  	_ =	shalt  }
0x46: {  	_ =	shalt  }
0x47: {  	_ =	shalt  }
0x48: {  	_ =	shalt  }
0x49: {  	_ =	shalt  }
0x4a: {  	_ =	shalt  }
0x4b: {  	_ =	shalt  }
0x4c: {  	_ =	shalt  }
0x4d: {  	_ =	shalt  }
0x4e: {  	_ =	shalt  }
0x4f: {  	_ =	shalt  }
0x50: {  	_ =	shalt  }
0x51: {  	_ =	shalt  }
0x52: {  	_ =	shalt  }
0x53: {  	_ =	shalt  }
0x54: {  	_ =	shalt  }
0x55: {  	_ =	shalt  }
0x56: {  	_ =	shalt  }
0x57: {  	_ =	shalt  }
0x58: {  	_ =	shalt  }
0x59: {  	_ =	shalt  }
0x5a: {  	_ =	shalt  }
0x5b: {  	_ =	shalt  }
0x5c: {  	_ =	shalt  }
0x5d: {  	_ =	shalt  }
0x5e: {  	_ =	shalt  }
0x5f: {  	_ =	shalt  }
0x60: {  	_ =	shalt  }
0x61: {  	_ =	shalt  }
0x62: {  	_ =	shalt  }
0x63: {  	_ =	shalt  }
0x64: {  	_ =	shalt  }
0x65: {  	_ =	shalt  }
0x66: {  	_ =	shalt  }
0x67: {  	_ =	shalt  }
0x68: {  	_ =	shalt  }
0x69: {  	_ =	shalt  }
0x6a: {  	_ =	shalt  }
0x6b: {  	_ =	shalt  }
0x6c: {  	_ =	shalt  }
0x6d: {  	_ =	shalt  }
0x6e: {  	_ =	shalt  }
0x6f: {  	_ =	shalt  }
0x70: {  	_ =	shalt  }
0x71: {  	_ =	shalt  }
0x72: {  	_ =	shalt  }
0x73: {  	_ =	shalt  }
0x74: {  	_ =	shalt  }
0x75: {  	_ =	shalt  }
0x76: {  	_ =	shalt  }
0x77: {  	_ =	shalt  }
0x78: {  	_ =	shalt  }
0x79: {  	_ =	shalt  }
0x7a: {  	_ =	shalt  }
0x7b: {  	_ =	shalt  }
0x7c: {  	_ =	shalt  }
0x7d: {  	_ =	shalt  }
0x7e: {  	_ =	shalt  }
0x7f: {  	_ =	shalt  }
0x80: {  	_ =	shalt  }
0x81: {  	_ =	shalt  }
0x82: {  	_ =	shalt  }
0x83: {  	_ =	shalt  }
0x84: {  	_ =	shalt  }
0x85: {  	_ =	shalt  }
0x86: {  	_ =	shalt  }
0x87: {  	_ =	shalt  }
.Lfunc_end0:
.L_simem_size_0:
called_computation_lowered:
.L_overlay_start_0:
0x88: {  	s2 =	sld [smem:$0x3FD9]  }
0x89: {  	s3 =	sld [smem:$0x3FFE];
	_ =	sdelay $0x1  }
0x8a: {  	s1 =	srdreg.scid  }
0x8b: {  	s0 =	sand.u32 $0x1, s1  }
0x8c: {  	s16 =	sshll.u32 s0, $0xA;
	s2 =	sadd.s32 s3, s2  }
0x8d: {  	s2 =	sadd.s32 s2, s16  }
0x8e: {  	[smem:$0x3FC1] =	sst s2  }
0x8f: {  	_ = 	snop  }
0x90: {  	(tm) =	ssettm $0x1  }
0x91: {  	s17 =	sld [smem:$0x3FFB];
	_ =	sdelay $0x3  }
0x92: {  	_ =	strace s17  }
0x93: {  	s2 =	sld [smem:$0x3FFC];
	_ =	sdelay $0x3  }
0x94: {  	_ =	strace s2  }
0x95: {  	s2 =	sld [smem:$0x3FFD];
	_ =	sdelay $0x3  }
0x96: {  	_ =	strace s2  }
0x97: {  	_ =	strace $0x8FFFFFFF  }
0x98: {  	s18 =	sld [smem:$0x3FDB];
	_ =	sdelay $0x1  }
0x99: {  	s19 =	simm.s32 $_scs_section_size  }
0x9a: {  	s4 =	simm.s32 $_size__tile_overlayer_lowered;
	s5 =	simm.s32 $_tile_overlayer_lowered  }
0x9b: {  	s22 =	simm.s32 $0x1BFF;
	s21 =	sshll.u32 s5, $0x1;
	s2 =	sadd.s32 s19, s18  }
0x9c: {  	s6 =	simm.s32 $0x0;
	s20 =	sshll.u32 s4, $0x1;
	s4 =	sadd.s32 s21, s2  }
0x9d: {  	[timem:s6], [sflag:s22] =	dma.local [hbm:s4], s20  }
0x9e: {  	_ =	swait.ge [sflag:s22], s20  }
0x9f: {  	s3 =	ssub.s32 $0x0, s20;
	[sflag:s22] =	ssyncset.done $0x0  }
0xa0: {  	[sflag:s22] =	ssyncadd.s32 s3;
	_ =	sdelay $0x1  }
0xa1: {  	s23 =	simm.s32 $0x1B8B  }
0xa2: {  	_ =	swait.ge [sflag:s23], $0x1  }
0xa3: {  	[sflag:s23] =	ssyncset.done $0x0  }
0xa4: {  	s25 =	simm.s32 $0x1B8E;
	s24 =	sld [smem:$0x3FFE];
	[sflag:s23] =	ssyncadd.s32 $0xFFFFFFFF  }
0xa5: {  	s26 =	simm.s32 $execute0_lowered;
	[smem:$0x3FD2] =	sst s25  }
0xa6: {  	s4 =	sshll.u32 s26, $0x1;
	_ =	strace $0x80000046;
	[dreg:$0x1] =	wrdreg $0xFFFFFFFF  }
0xa7: {  	s28 =	simm.s32 $_size_execute0_lowered;
	s2 =	sadd.s32 s2, s4;
	[dreg:$0x0] =	wrdreg $0x0  }
0xa8: {  	s4 =	sshll.u32 s28, $0x1;
	[dreg:$0x2] =	wrdreg s2  }
0xa9: {  	[dreg:$0x3] =	wrdreg s4  }
0xaa: {  	[dreg:$0x4] =	wrdreg $0xC0  }
0xab: {  	_ =	task [dreg:s6], $0x5FFFF  }
0xac: {  	[dreg:$0x1] =	wrdreg $0xFFFFFFFF  }
0xad: {  	[dreg:$0x0] =	wrdreg $0x60  }
0xae: {  	[dreg:$0x2] =	wrdreg s24  }
0xaf: {  	[dreg:$0x3] =	wrdreg $0x9  }
0xb0: {  	_ =	task.clear_ibuf [dreg:s6], $0x4FFFF;
	_ =	strace $0x90000046  }
0xb1: {  	s29 =	simm.s32 $0x9;
	_ =	strace $0x80000048  }
0xb2: {  	_ =	swait.ge [sflag:s29], $0x1  }
0xb3: {  	[sflag:s29] =	ssyncadd.s32 $0xFFFFFFFF  }
0xb4: {  	_ =	strace $0x90000048  }
0xb5: {  	_ =	sfence  }
0xb6: {  	s30 =	sld [smem:$0x0];
	_ =	sdelay $0x2  }
0xb7: {  	s31 =	sshll.u32 s1, $0xD;
	s1 =	sshrl.u32 s1, $0x2  }
0xb8: {  	s3 =	sand.u32 $0x4000, s31;
	s1 =	sadd.s32 s1, s30  }
0xb9: {  	s0 =	sor.u32 s3, s0;
	s1 =	sshll.u32 s1, $0x11  }
0xba: {  	s0 =	sor.u32 s1, s0  }
0xbb: {  	s0 =	sadd.s32 $0x8F2B, s0  }
0xbc: {  	[sflag:s0] =	ssyncadd.remote.s32 $0x1  }
0xbd: {  	_ =	sfence.sel $0xFFFF  }
0xbe: {  	[dreg:$0x0] =	wrdreg $0xFFFFFFFF;
	(pc) =	sbr.abs _section_cstart, $3  }
0xbf: {  	[dreg:$0x1] =	wrdreg $0xFFFFFFFF  }
0xc0: {  	_ =	task.clear_ibuf [dreg:s6], $0x2FFFF;
	_ =	strace $0x9FFFFFFF  }
0xc1: {  	(tm) =	ssettm $0x7FFFFFFF  }
tec
execute0_lowered:
.L_overlay_start_1:
0x0: {  	(tag) =	ssettag $0x1  }
0x1: {  	s1 =	srdreg.scid  }
0x2: {  	s3 =	rddreg [dreg:$0x0];
	s4 =	sand.u32 $0x1, s1  }
0x3: {  	s1 =	stileid.u32;
	s5 =	smul.u32 $0x28000, s4  }
0x4: {  	s0 =	rddreg [dreg:$0x1];
	s6 =	smul.u32 $0x2800, s1;
	s7 =	sshll.u32 s4, $0x4  }
0x5: {  	s2 =	simm.s32 $0x0;
	s8 =	simm.s32 $0x0;
	s7 =	sor.u32 s1, s7  }
0x6: {  	[smem:$0x7FF] =	sst s2;
	s5 =	sadd.s32 s6, s5;
	s30 =	smul.u32 $0x500, s7  }
0x7: {  	s4 =	ssub.s32 $0x2, s4;
	_ =	strace $0x80000047;
	s5 =	sshrl.u32 s5, $0x3  }
0x8: {  	s31 =	sshrl.u32 s4, $0x1;
	s5 =	sadd.s32 s5, s3;
	s6 =	sadd.s32 s30, s3  }
0x9: {  	s7 =	ssub.s32 s4, s31;
	s3 =	sadd.s32 $0x2200, s5;
	s4 =	sadd.s32 $0x16200, s6  }
0xa: {  	v0 =	vimm.f32 $0.0e+00;
	s5 =	smax.u32 s7, $0x1;
	s6 =	simm.s32 $0x1;
	s7 =	simm.s32 $0x2800  }
.LBB2_1:
0xb: {  	[tilespmem:s2], [sflag:$0x1] =	stream.linear.gather [hbm4b:s3+s2], $0x2800, $0x38;
	[tilespmem:$0x5000] =	vst v63  }
0xc: {  	_ =	swait.ge [sflag:s6], $0x2800  }
0xd: {  	[sflag:s6] =	ssyncset.done $0x0  }
0xe: {  	s9 =	simm.s32 $0x0;
	s10 =	simm.s32 $0x200;
	[sflag:s6] =	ssyncadd.s32 $0xFFFFD800  }
.LBB2_2:
0xf: {  	p0 =	sne.s32 s10, $0x9E00;
	[tilespmem:s9+$0x2870] =	vst v0  }
0x10: {  	[tilespmem:s9+$0x2800] =	vst v0  }
0x11: {  	[tilespmem:s9+$0x2810] =	vst v0  }
.Ltmp0:
0x12: {  	[tilespmem:s9+$0x2820] =	vst v0;
	(pc) =	sbr.rel @p0 .LBB2_2-.Ltmp0, $4  }
0x13: {  	[tilespmem:s9+$0x2830] =	vst v0  }
0x14: {  	[tilespmem:s9+$0x2840] =	vst v0  }
0x15: {  	[tilespmem:s9+$0x2850] =	vst v0  }
0x16: {  	[tilespmem:s9+$0x2860] =	vst v0;
	s9 =	sshra.s32 s10, $0x2;
	s10 =	sadd.s32 $0x200, s10  }
0x17: {  	[tilespmem:s9+$0x2870] =	vst v0  }
0x18: {  	[tilespmem:s9+$0x2800] =	vst v0  }
0x19: {  	[tilespmem:s9+$0x2810] =	vst v0  }
0x1a: {  	[tilespmem:s9+$0x2820] =	vst v0  }
0x1b: {  	[tilespmem:s9+$0x2830] =	vst v0  }
0x1c: {  	[tilespmem:s9+$0x2840] =	vst v0  }
0x1d: {  	[tilespmem:s9+$0x2850] =	vst v0  }
0x1e: {  	[tilespmem:s9+$0x2860] =	vst v0;
	s9 =	simm.s32 $0x0  }
.LBB2_4:
0x1f: {  	s10 =	sshra.s32 s9, $0x2  }
0x20: {  	v1 =	vld [tilespmem:s10+$0x0];
	_ =	sdelay $0x4  }
0x21: {  	(xrf1) =	vunique.msk.u32 $0xffff, v1;
	_ =	sdelay $0xd  }
0x22: {  	_, v2, vm0 =	vpop (xrf1);
	_ =	sdelay $0x3  }
0x23: {  	v2 =	vcvt.s32.f32 v2;
	_ =	sdelay $0x1  }
0x24: {  	[tilespmem:v1+s7+$0x0] =	vst.idx.add.f32.msk vm0, v2  }
0x25: {  	v1 =	vld [tilespmem:s10+$0x10];
	_ =	sdelay $0x4  }
0x26: {  	(xrf1) =	vunique.msk.u32 $0xffff, v1;
	_ =	sdelay $0xd  }
0x27: {  	_, v2, vm0 =	vpop (xrf1);
	_ =	sdelay $0x3  }
0x28: {  	v2 =	vcvt.s32.f32 v2;
	_ =	sdelay $0x1  }
0x29: {  	[tilespmem:v1+s7+$0x0] =	vst.idx.add.f32.msk vm0, v2  }
0x2a: {  	v1 =	vld [tilespmem:s10+$0x20];
	_ =	sdelay $0x4  }
0x2b: {  	(xrf1) =	vunique.msk.u32 $0xffff, v1;
	_ =	sdelay $0xd  }
0x2c: {  	_, v2, vm0 =	vpop (xrf1);
	_ =	sdelay $0x3  }
0x2d: {  	v2 =	vcvt.s32.f32 v2;
	_ =	sdelay $0x1  }
0x2e: {  	[tilespmem:v1+s7+$0x0] =	vst.idx.add.f32.msk vm0, v2  }
0x2f: {  	v1 =	vld [tilespmem:s10+$0x30];
	_ =	sdelay $0x4  }
0x30: {  	(xrf1) =	vunique.msk.u32 $0xffff, v1;
	_ =	sdelay $0xd  }
0x31: {  	_, v2, vm0 =	vpop (xrf1);
	_ =	sdelay $0x3  }
0x32: {  	v2 =	vcvt.s32.f32 v2;
	_ =	sdelay $0x1  }
0x33: {  	[tilespmem:v1+s7+$0x0] =	vst.idx.add.f32.msk vm0, v2  }
0x34: {  	v1 =	vld [tilespmem:s10+$0x40];
	_ =	sdelay $0x4  }
0x35: {  	(xrf1) =	vunique.msk.u32 $0xffff, v1;
	_ =	sdelay $0xd  }
0x36: {  	_, v2, vm0 =	vpop (xrf1);
	_ =	sdelay $0x3  }
0x37: {  	v2 =	vcvt.s32.f32 v2;
	_ =	sdelay $0x1  }
0x38: {  	[tilespmem:v1+s7+$0x0] =	vst.idx.add.f32.msk vm0, v2  }
0x39: {  	v1 =	vld [tilespmem:s10+$0x50];
	_ =	sdelay $0x4  }
0x3a: {  	(xrf1) =	vunique.msk.u32 $0xffff, v1;
	_ =	sdelay $0xd  }
0x3b: {  	_, v2, vm0 =	vpop (xrf1);
	_ =	sdelay $0x3  }
0x3c: {  	v2 =	vcvt.s32.f32 v2;
	_ =	sdelay $0x1  }
0x3d: {  	[tilespmem:v1+s7+$0x0] =	vst.idx.add.f32.msk vm0, v2  }
0x3e: {  	v1 =	vld [tilespmem:s10+$0x60];
	_ =	sdelay $0x4  }
0x3f: {  	(xrf1) =	vunique.msk.u32 $0xffff, v1;
	_ =	sdelay $0xd  }
0x40: {  	_, v2, vm0 =	vpop (xrf1);
	_ =	sdelay $0x3  }
0x41: {  	v2 =	vcvt.s32.f32 v2;
	_ =	sdelay $0x1  }
0x42: {  	[tilespmem:v1+s7+$0x0] =	vst.idx.add.f32.msk vm0, v2  }
0x43: {  	v1 =	vld [tilespmem:s10+$0x70];
	_ =	sdelay $0x4  }
0x44: {  	(xrf1) =	vunique.msk.u32 $0xffff, v1;
	_ =	sdelay $0xd  }
0x45: {  	_, v2, vm0 =	vpop (xrf1)  }
0x46: {  	p0 =	sne.s32 s9, $0x9E00  }
.Ltmp1:
0x47: {  	_ = 	snop;
	(pc) =	sbr.rel @p0 .LBB2_4-.Ltmp1, $3  }
0x48: {  	_ = 	snop  }
0x49: {  	v2 =	vcvt.s32.f32 v2;
	_ =	sdelay $0x1  }
0x4a: {  	s9 =	sadd.s32 $0x200, s9;
	[tilespmem:v1+s7+$0x0] =	vst.idx.add.f32.msk vm0, v2  }
0x4b: {  	s8 =	sadd.s32 $0x1, s8  }
0x4c: {  	p0 =	sne.s32 s8, s5  }
.Ltmp2:
0x4d: {  	_ = 	snop;
	(pc) =	sbr.rel @p0 .LBB2_1-.Ltmp2, $4  }
0x4e: {  	[hbm4b:s4+s2] =	stream.linear.scatter [tilespmem:s7], [sflag:$0x1], $0x2800, $0x38;
	[tilespmem:$0x5000] =	vst v63  }
0x4f: {  	_ =	swait.ge [sflag:s6], $0x2800  }
0x50: {  	[sflag:s6] =	ssyncset.done $0x0  }
0x51: {  	[sflag:s6] =	ssyncadd.s32 $0xFFFFD800  }
0x52: {  	_ =	sfence.sel $0x180000  }
0x53: {  	[bflag:$0x0] =	sbarrier.arrive $0xFFFF  }
0x54: {  	p0 =	sne.s32 s1, $0x0;
	_ =	strace $0x90000047  }
0x55: {  	s0 =	sadd.s32 @!p0 $0x100000, s0;
	[bflag:$0x2] =	sbarrier.arrive $0xFFFF  }
0x56: {  	[sflag:s0] =	ssyncadd.tile.s32 @!p0 $0x1;
	_ =	shalt  }
.Lfunc_end2:
_tile_overlayer_lowered:
.L_overlay_start_2:
0x57: {  	(tag) =	ssettag $0x2  }
0x58: {  	s0 =	rddreg [dreg:$0x0];
	s2 =	stileid.u32  }
0x59: {  	s1 =	rddreg [dreg:$0x1];
	p0 =	sne.s32 s2, $0x0  }
0x5a: {  	s3 =	rddreg [dreg:$0x2];
	[bflag:$0x3] =	sbarrier.arrive $0xFFFF;
	s2 =	simm.s32 @!p0 $0x1C01  }
0x5b: {  	[timem:s3], [sflag:s2] =	dma.local @!p0 [hbm:s0], s1  }
0x5c: {  	s0 =	simm.s32 @!p0 $0x1  }
0x5d: {  	_ =	swait.ge @!p0 [sflag:s0], s1  }
0x5e: {  	s1 =	ssub.s32 @!p0 $0x0, s1;
	[sflag:s0] =	ssyncset.done @!p0 $0x0  }
0x5f: {  	[sflag:s0] =	ssyncadd.s32 @!p0 s1  }
0x60: {  	[bflag:$0x3] =	sbarrier.arrive $0xFFFF  }
0x61: {  	_ =	shalt  }

</sc_bundles>
